<compile_context>
chip_gen: v7x
topology: tpu7x:2x2x1
jax: 0.10.2.dev20260603
libtpu: 0.0.44.dev20260713+nightly
codegen_flags: <defaults>
</compile_context>

<pallas_src>
import functools

import jax
import jax.numpy as jnp
from jax import lax
from jax.experimental import pallas as pl
from jax.experimental.pallas import tpu as pltpu
from jax.experimental.pallas import tpu_sc as plsc

_RATE = 0.7
_B = 16384
_C = 1000
_BLK = 2048
_G = _B // _BLK
_K = min(_B, int(_B * _RATE))
_LOG2E = 1.4426950408889634

_NSUB = 16
_W = _B // _NSUB
_NV = _W // 16
_SLAB = _NSUB * 16


def _nll_body(xt_ref, tgt_ref, nll_ref, key_ref):
    x = xt_ref[...]
    t = tgt_ref[0, 0, :]
    e = jnp.exp2(x * _LOG2E)
    s = jnp.sum(e, axis=0)
    rows = jax.lax.broadcasted_iota(jnp.int32, (_C, _BLK), 0)
    pick = jnp.sum(jnp.where(rows == t[None, :], x, 0.0), axis=0)
    nll = jnp.where(t < 0, 0.0, jnp.log(s) - pick)
    nll_ref[...] = nll
    b = jax.lax.bitcast_convert_type(nll, jnp.uint32)
    neg = (b >> 31) == 1
    ukey = jnp.where(neg, ~b, b | jnp.uint32(0x80000000))
    key_ref[...] = jax.lax.bitcast_convert_type(
        ukey ^ jnp.uint32(0x80000000), jnp.int32)


def _tc_nll(pred, target, interpret=False):
    xt = pred.T
    tgt3 = target.astype(jnp.int32).reshape(_G, 1, _BLK)
    return pl.pallas_call(
        _nll_body,
        grid=(_G,),
        in_specs=[
            pl.BlockSpec((_C, _BLK), lambda i: (0, i)),
            pl.BlockSpec((1, 1, _BLK), lambda i: (i, 0, 0)),
        ],
        out_specs=[
            pl.BlockSpec((_BLK,), lambda i: (i,)),
            pl.BlockSpec((_BLK,), lambda i: (i,)),
        ],
        out_shape=[
            jax.ShapeDtypeStruct((_B,), jnp.float32),
            jax.ShapeDtypeStruct((_B,), jnp.int32),
        ],
        interpret=interpret,
    )(xt, tgt3)


def _sc_topk_body(nll_hbm, key_hbm, out_hbm, vals_v, keys_v, stage_v, slab_v,
                  acc_sh):
    sid = lax.axis_index("s")
    base = sid * _W
    pltpu.sync_copy(nll_hbm.at[pl.ds(base, _W)], vals_v)
    pltpu.sync_copy(key_hbm.at[pl.ds(base, _W)], keys_v)

    lane0 = lax.iota(jnp.int32, 16) == 0
    zerof = jnp.full((16,), 0.0, jnp.float32)

    def publish(row, vec_f32):
        stage_v[...] = vec_f32
        pltpu.sync_copy(stage_v, acc_sh.at[row, pl.ds(sid * 16, 16)])

    def slab_sum(row):
        pltpu.sync_copy(acc_sh.at[row], slab_v)
        acc = slab_v[pl.ds(0, 16)]
        for v in range(1, _NSUB):
            acc = acc + slab_v[pl.ds(v * 16, 16)]
        return acc

    def to_signed(u):
        return jax.lax.bitcast_convert_type(
            u ^ jnp.uint32(0x80000000), jnp.int32)

    def count_ge(cand_s):
        acc = plsc.all_reduce_population_count(keys_v[pl.ds(0, 16)] >= cand_s)
        for v in range(1, _NV):
            acc = acc + plsc.all_reduce_population_count(
                keys_v[pl.ds(v * 16, 16)] >= cand_s)
        return acc

    lane1 = lax.iota(jnp.int32, 16) == 1
    lane2 = lax.iota(jnp.int32, 16) == 2

    def bit_round(r, prefix):
        lowbit = jnp.uint32(30) - jnp.uint32(2) * r.astype(jnp.uint32)
        c1 = prefix | (jnp.uint32(1) << (lowbit + jnp.uint32(1)))
        c2 = prefix | (jnp.uint32(1) << lowbit)
        c3 = c1 | (jnp.uint32(1) << lowbit)
        n1 = count_ge(to_signed(c1)).astype(jnp.float32)
        n2 = count_ge(to_signed(c2)).astype(jnp.float32)
        n3 = count_ge(to_signed(c3)).astype(jnp.float32)
        vec = jnp.where(lane0, n1, jnp.where(lane1, n2, jnp.where(lane2, n3,
                                                                  0.0)))
        publish(r, vec)
        plsc.subcore_barrier()
        acc = slab_sum(r)
        t1, t2, t3 = acc[0], acc[1], acc[2]
        kf = jnp.float32(_K)
        return jnp.where(t3 >= kf, c3,
                         jnp.where(t1 >= kf, c1,
                                   jnp.where(t2 >= kf, c2, prefix)))

    kth = lax.fori_loop(0, 16, bit_round, jnp.uint32(0))
    kth_s = to_signed(kth)

    s_acc = zerof
    c_acc = jnp.full((16,), 0, jnp.int32)
    for v in range(_NV):
        gt = keys_v[pl.ds(v * 16, 16)] > kth_s
        s_acc = s_acc + jnp.where(gt, vals_v[pl.ds(v * 16, 16)], zerof)
        c_acc = c_acc + plsc.all_reduce_population_count(gt)
    publish(32, s_acc)
    publish(33, jnp.where(lane0, c_acc.astype(jnp.float32), 0.0))
    plsc.subcore_barrier()

    @pl.when(sid == 0)
    def _emit():
        svec = slab_sum(32)
        sum_gt = svec[0]
        for l in range(1, 16):
            sum_gt = sum_gt + svec[l]
        cvec = slab_sum(33)
        cnt_gt = cvec[0]
        msb = (kth >> 31) == jnp.uint32(1)
        kb = jnp.where(msb, kth & jnp.uint32(0x7FFFFFFF), ~kth)
        kth_val = jax.lax.bitcast_convert_type(kb, jnp.float32)
        total = sum_gt + (jnp.float32(_K) - cnt_gt) * kth_val
        stage_v[...] = jnp.where(lane0, total * jnp.float32(1.0 / _K), 0.0)
        pltpu.sync_copy(stage_v, out_hbm)


def _sc_topk(nll, keys):
    mesh = plsc.VectorSubcoreMesh(
        core_axis_name="c", subcore_axis_name="s", num_cores=1)
    kfn = functools.partial(
        pl.kernel,
        mesh=mesh,
        compiler_params=pltpu.CompilerParams(needs_layout_passes=False),
        out_type=jax.ShapeDtypeStruct((16,), jnp.float32),
        scratch_types=[
            pltpu.VMEM((_W,), jnp.float32),
            pltpu.VMEM((_W,), jnp.int32),
            pltpu.VMEM((16,), jnp.float32),
            pltpu.VMEM((_SLAB,), jnp.float32),
            pltpu.VMEM_SHARED((34, _SLAB), jnp.float32),
        ],
    )(_sc_topk_body)
    return kfn(nll, keys)


def kernel(pred, target, interpret=False):
    nll, keys = _tc_nll(pred, target, interpret=interpret)
    out = _sc_topk(nll, keys)
    return out[0]

# --- scband reference (transcript-rebuilt; emitter-appended) ---
"""Pipeline reference for scband-ohem-loss-12034498364020 (READ-ONLY COPY).

The authoritative reference and input builder live on the scoring server;
editing this copy changes nothing except your own understanding.
"""

import jax, jax.numpy as jnp
import numpy as np

RATE = 0.7

def setup_inputs(seed: int = 0) -> dict:
    key = jax.random.key(seed)
    k1, k2 = jax.random.split(key)
    pred = jax.random.normal(k1, (16384, 1000), dtype=jnp.float32)
    target = jax.random.randint(k2, (16384,), 0, 1000, dtype=jnp.int64 if jax.config.jax_enable_x64 else jnp.int32)
    return {"pred": pred, "target": target}

def reference(pred, target):
    batch_size = pred.shape[0]
    # cross_entropy with reduction='none', ignore_index=-1
    logp = jax.nn.log_softmax(pred, axis=-1)
    safe_t = jnp.clip(target, 0, pred.shape[1] - 1)
    nll = -jnp.take_along_axis(logp, safe_t[:, None], axis=1)[:, 0]
    ohem_cls_loss = jnp.where(target == -1, 0.0, nll)
    keep_num = min(batch_size, int(batch_size * RATE))
    # sort descending and keep top keep_num == top_k
    kept_losses, _ = jax.lax.top_k(ohem_cls_loss, keep_num)
    cls_loss = jnp.sum(kept_losses) / keep_num
    return cls_loss

if __name__ == "__main__":
    import jax
    _d = setup_inputs()
    print(jax.jit(kernel)(*tuple(_d.values())))

</pallas_src>

<mosaic_0001>
#map = affine_map<(d0, d1) -> (0)>
module attributes {stable_mosaic.version = 14 : i64} {
  func.func @_sc_topk_body(%arg0: i32, %arg1: i32, %arg2: memref<16384xf32, #tpu.memory_space<hbm>>, %arg3: memref<16384xi32, #tpu.memory_space<hbm>>, %arg4: memref<16xf32, #tpu.memory_space<hbm>>, %arg5: memref<1024xf32, #tpu.memory_space<vmem>>, %arg6: memref<1024xi32, #tpu.memory_space<vmem>>, %arg7: memref<16xf32, #tpu.memory_space<vmem>>, %arg8: memref<256xf32, #tpu.memory_space<vmem>>, %arg9: memref<34x256xf32, #tpu.memory_space<vmem_shared>>) attributes {dimension_semantics = [#tpu.dimension_semantics<core_parallel>, #tpu.dimension_semantics<subcore_parallel>], iteration_bounds = array<i64: 1, 16>, scalar_prefetch = 0 : i64, scratch_operands = 5 : i64, tpu.core_type = #tpu.core_type<sc_vector_subcore>, window_params = [{transform_indices = #map}, {transform_indices = #map}, {transform_indices = #map}]} {
    %mul3A = arith.constant 1024 : i32
    %mul3A_0 = arith.muli %arg1, %mul3A : i32
    "tpu.region"() ({
      %run_scoped3A_670 = tpu.sem_alloc : memref<!tpu.dma_semaphore, #tpu.memory_space<semaphore_mem>>
      %dma_start3A = tpu.memref_slice %arg2[%mul3A_0] : memref<16384xf32, #tpu.memory_space<hbm>> -> memref<1024xf32, #tpu.memory_space<hbm>>
      %dma_start3A_671 = tpu.memref_slice %arg2[%mul3A_0] : memref<16384xf32, #tpu.memory_space<hbm>> -> memref<1024xf32, #tpu.memory_space<hbm>>
      tpu.enqueue_dma source(%dma_start3A_671 : memref<1024xf32, #tpu.memory_space<hbm>>) target(%arg5 : memref<1024xf32, #tpu.memory_space<vmem>>) target_semaphore(%run_scoped3A_670 : memref<!tpu.dma_semaphore, #tpu.memory_space<semaphore_mem>>)
      %dma_wait3A = tpu.memref_slice %arg2[%mul3A_0] : memref<16384xf32, #tpu.memory_space<hbm>> -> memref<1024xf32, #tpu.memory_space<hbm>>
      %dma_wait3A_672 = tpu.memref_slice %arg2[%mul3A_0] : memref<16384xf32, #tpu.memory_space<hbm>> -> memref<1024xf32, #tpu.memory_space<hbm>>
      tpu.wait_dma2 semaphore(%run_scoped3A_670 : memref<!tpu.dma_semaphore, #tpu.memory_space<semaphore_mem>>) src(%dma_wait3A_672 : memref<1024xf32, #tpu.memory_space<hbm>>) dst(%arg5 : memref<1024xf32, #tpu.memory_space<vmem>>)
      tpu.yield
    }) : () -> ()
    "tpu.region"() ({
      %run_scoped3A_670 = tpu.sem_alloc : memref<!tpu.dma_semaphore, #tpu.memory_space<semaphore_mem>>
      %dma_start3A = tpu.memref_slice %arg3[%mul3A_0] : memref<16384xi32, #tpu.memory_space<hbm>> -> memref<1024xi32, #tpu.memory_space<hbm>>
      %dma_start3A_671 = tpu.memref_slice %arg3[%mul3A_0] : memref<16384xi32, #tpu.memory_space<hbm>> -> memref<1024xi32, #tpu.memory_space<hbm>>
      tpu.enqueue_dma source(%dma_start3A_671 : memref<1024xi32, #tpu.memory_space<hbm>>) target(%arg6 : memref<1024xi32, #tpu.memory_space<vmem>>) target_semaphore(%run_scoped3A_670 : memref<!tpu.dma_semaphore, #tpu.memory_space<semaphore_mem>>)
      %dma_wait3A = tpu.memref_slice %arg3[%mul3A_0] : memref<16384xi32, #tpu.memory_space<hbm>> -> memref<1024xi32, #tpu.memory_space<hbm>>
      %dma_wait3A_672 = tpu.memref_slice %arg3[%mul3A_0] : memref<16384xi32, #tpu.memory_space<hbm>> -> memref<1024xi32, #tpu.memory_space<hbm>>
      tpu.wait_dma2 semaphore(%run_scoped3A_670 : memref<!tpu.dma_semaphore, #tpu.memory_space<semaphore_mem>>) src(%dma_wait3A_672 : memref<1024xi32, #tpu.memory_space<hbm>>) dst(%arg6 : memref<1024xi32, #tpu.memory_space<vmem>>)
      tpu.yield
    }) : () -> ()
    %iota3A = tpu.iota {dimensions = array<i32: 0>} : vector<16xi32>
    %eq3A = arith.constant 0 : i32
    %eq3A_1 = vector.broadcast %eq3A : i32 to vector<16xi32>
    %eq3A_2 = arith.cmpi eq, %iota3A, %eq3A_1 : vector<16xi32>
    %broadcast_in_dim3A = arith.constant 0.000000e+00 : f32
    %broadcast_in_dim3A_3 = vector.broadcast %broadcast_in_dim3A : f32 to vector<16xf32>
    %iota3A_4 = tpu.iota {dimensions = array<i32: 0>} : vector<16xi32>
    %eq3A_5 = arith.constant 1 : i32
    %eq3A_6 = vector.broadcast %eq3A_5 : i32 to vector<16xi32>
    %eq3A_7 = arith.cmpi eq, %iota3A_4, %eq3A_6 : vector<16xi32>
    %iota3A_8 = tpu.iota {dimensions = array<i32: 0>} : vector<16xi32>
    %eq3A_9 = arith.constant 2 : i32
    %eq3A_10 = vector.broadcast %eq3A_9 : i32 to vector<16xi32>
    %eq3A_11 = arith.cmpi eq, %iota3A_8, %eq3A_10 : vector<16xi32>
    %scan3A = arith.constant 0 : i32
    %scan3A_12 = arith.constant 0 : i32
    %scan3A_13 = arith.constant 16 : i32
    %scan3A_14 = arith.addi %scan3A_12, %scan3A_13 : i32
    %scan3A_15 = arith.constant 1 : i32
    %scan3A_16 = scf.for %scan3A_670 = %scan3A_12 to %scan3A_14 step %scan3A_15 iter_args(%scan3A_671 = %scan3A) -> (i32)  : i32 {
      %mul3A_672 = arith.constant 2 : i32
      %mul3A_673 = arith.muli %mul3A_672, %scan3A_670 : i32
      %sub3A = arith.constant 30 : i32
      %sub3A_674 = arith.subi %sub3A, %mul3A_673 : i32
      %add3A_675 = arith.constant 1 : i32
      %add3A_676 = arith.addi %sub3A_674, %add3A_675 : i32
      %shift_left3A = arith.constant 1 : i32
      %shift_left3A_677 = arith.shli %shift_left3A, %add3A_676 : i32
      %or3A = arith.ori %scan3A_671, %shift_left3A_677 : i32
      %shift_left3A_678 = arith.constant 1 : i32
      %shift_left3A_679 = arith.shli %shift_left3A_678, %sub3A_674 : i32
      %or3A_680 = arith.ori %scan3A_671, %shift_left3A_679 : i32
      %shift_left3A_681 = arith.constant 1 : i32
      %shift_left3A_682 = arith.shli %shift_left3A_681, %sub3A_674 : i32
      %or3A_683 = arith.ori %or3A, %shift_left3A_682 : i32
      %xor3A_684 = arith.constant -2147483648 : i32
      %xor3A_685 = arith.xori %or3A, %xor3A_684 : i32
      %bitcast_convert_type3A_686 = arith.bitcast %xor3A_685 : i32 to i32
      %get3A_687 = arith.constant 0 : index
      %get3A_688 = tpu.vector_load %arg6[%get3A_687] {strides = array<i32>} : memref<1024xi32, #tpu.memory_space<vmem>>, vector<16xi32>,
      %ge3A = vector.broadcast %bitcast_convert_type3A_686 : i32 to vector<16xi32>
      %ge3A_689 = arith.cmpi sge, %get3A_688, %ge3A : vector<16xi32>
      %all_reduce_population_count3A_690 = tpu.all_reduce %ge3A_689 {dim = 0 : i64, kind = #tpu.reduction_kind<sum>} : vector<16xi1> -> vector<16xi32>
      %get3A_691 = arith.constant 16 : index
      %get3A_692 = tpu.vector_load %arg6[%get3A_691] {strides = array<i32>} : memref<1024xi32, #tpu.memory_space<vmem>>, vector<16xi32>,
      %ge3A_693 = vector.broadcast %bitcast_convert_type3A_686 : i32 to vector<16xi32>
      %ge3A_694 = arith.cmpi sge, %get3A_692, %ge3A_693 : vector<16xi32>
      %all_reduce_population_count3A_695 = tpu.all_reduce %ge3A_694 {dim = 0 : i64, kind = #tpu.reduction_kind<sum>} : vector<16xi1> -> vector<16xi32>
      %add3A_696 = arith.addi %all_reduce_population_count3A_690, %all_reduce_population_count3A_695 : vector<16xi32>
      %get3A_697 = arith.constant 32 : index
      %get3A_698 = tpu.vector_load %arg6[%get3A_697] {strides = array<i32>} : memref<1024xi32, #tpu.memory_space<vmem>>, vector<16xi32>,
      %ge3A_699 = vector.broadcast %bitcast_convert_type3A_686 : i32 to vector<16xi32>
      %ge3A_700 = arith.cmpi sge, %get3A_698, %ge3A_699 : vector<16xi32>
      %all_reduce_population_count3A_701 = tpu.all_reduce %ge3A_700 {dim = 0 : i64, kind = #tpu.reduction_kind<sum>} : vector<16xi1> -> vector<16xi32>
      %add3A_702 = arith.addi %add3A_696, %all_reduce_population_count3A_701 : vector<16xi32>
      %get3A_703 = arith.constant 48 : index
      %get3A_704 = tpu.vector_load %arg6[%get3A_703] {strides = array<i32>} : memref<1024xi32, #tpu.memory_space<vmem>>, vector<16xi32>,
      %ge3A_705 = vector.broadcast %bitcast_convert_type3A_686 : i32 to vector<16xi32>
      %ge3A_706 = arith.cmpi sge, %get3A_704, %ge3A_705 : vector<16xi32>
      %all_reduce_population_count3A_707 = tpu.all_reduce %ge3A_706 {dim = 0 : i64, kind = #tpu.reduction_kind<sum>} : vector<16xi1> -> vector<16xi32>
      %add3A_708 = arith.addi %add3A_702, %all_reduce_population_count3A_707 : vector<16xi32>
      %get3A_709 = arith.constant 64 : index
      %get3A_710 = tpu.vector_load %arg6[%get3A_709] {strides = array<i32>} : memref<1024xi32, #tpu.memory_space<vmem>>, vector<16xi32>,
      %ge3A_711 = vector.broadcast %bitcast_convert_type3A_686 : i32 to vector<16xi32>
      %ge3A_712 = arith.cmpi sge, %get3A_710, %ge3A_711 : vector<16xi32>
      %all_reduce_population_count3A_713 = tpu.all_reduce %ge3A_712 {dim = 0 : i64, kind = #tpu.reduction_kind<sum>} : vector<16xi1> -> vector<16xi32>
      %add3A_714 = arith.addi %add3A_708, %all_reduce_population_count3A_713 : vector<16xi32>
      %get3A_715 = arith.constant 80 : index
      %get3A_716 = tpu.vector_load %arg6[%get3A_715] {strides = array<i32>} : memref<1024xi32, #tpu.memory_space<vmem>>, vector<16xi32>,
      %ge3A_717 = vector.broadcast %bitcast_convert_type3A_686 : i32 to vector<16xi32>
      %ge3A_718 = arith.cmpi sge, %get3A_716, %ge3A_717 : vector<16xi32>
      %all_reduce_population_count3A_719 = tpu.all_reduce %ge3A_718 {dim = 0 : i64, kind = #tpu.reduction_kind<sum>} : vector<16xi1> -> vector<16xi32>
      %add3A_720 = arith.addi %add3A_714, %all_reduce_population_count3A_719 : vector<16xi32>
      %get3A_721 = arith.constant 96 : index
      %get3A_722 = tpu.vector_load %arg6[%get3A_721] {strides = array<i32>} : memref<1024xi32, #tpu.memory_space<vmem>>, vector<16xi32>,
      %ge3A_723 = vector.broadcast %bitcast_convert_type3A_686 : i32 to vector<16xi32>
      %ge3A_724 = arith.cmpi sge, %get3A_722, %ge3A_723 : vector<16xi32>
      %all_reduce_population_count3A_725 = tpu.all_reduce %ge3A_724 {dim = 0 : i64, kind = #tpu.reduction_kind<sum>} : vector<16xi1> -> vector<16xi32>
      %add3A_726 = arith.addi %add3A_720, %all_reduce_population_count3A_725 : vector<16xi32>
      %get3A_727 = arith.constant 112 : index
      %get3A_728 = tpu.vector_load %arg6[%get3A_727] {strides = array<i32>} : memref<1024xi32, #tpu.memory_space<vmem>>, vector<16xi32>,
      %ge3A_729 = vector.broadcast %bitcast_convert_type3A_686 : i32 to vector<16xi32>
      %ge3A_730 = arith.cmpi sge, %get3A_728, %ge3A_729 : vector<16xi32>
      %all_reduce_population_count3A_731 = tpu.all_reduce %ge3A_730 {dim = 0 : i64, kind = #tpu.reduction_kind<sum>} : vector<16xi1> -> vector<16xi32>
      %add3A_732 = arith.addi %add3A_726, %all_reduce_population_count3A_731 : vector<16xi32>
      %get3A_733 = arith.constant 128 : index
      %get3A_734 = tpu.vector_load %arg6[%get3A_733] {strides = array<i32>} : memref<1024xi32, #tpu.memory_space<vmem>>, vector<16xi32>,
      %ge3A_735 = vector.broadcast %bitcast_convert_type3A_686 : i32 to vector<16xi32>
      %ge3A_736 = arith.cmpi sge, %get3A_734, %ge3A_735 : vector<16xi32>
      %all_reduce_population_count3A_737 = tpu.all_reduce %ge3A_736 {dim = 0 : i64, kind = #tpu.reduction_kind<sum>} : vector<16xi1> -> vector<16xi32>
      %add3A_738 = arith.addi %add3A_732, %all_reduce_population_count3A_737 : vector<16xi32>
      %get3A_739 = arith.constant 144 : index
      %get3A_740 = tpu.vector_load %arg6[%get3A_739] {strides = array<i32>} : memref<1024xi32, #tpu.memory_space<vmem>>, vector<16xi32>,
      %ge3A_741 = vector.broadcast %bitcast_convert_type3A_686 : i32 to vector<16xi32>
      %ge3A_742 = arith.cmpi sge, %get3A_740, %ge3A_741 : vector<16xi32>
      %all_reduce_population_count3A_743 = tpu.all_reduce %ge3A_742 {dim = 0 : i64, kind = #tpu.reduction_kind<sum>} : vector<16xi1> -> vector<16xi32>
      %add3A_744 = arith.addi %add3A_738, %all_reduce_population_count3A_743 : vector<16xi32>
      %get3A_745 = arith.constant 160 : index
      %get3A_746 = tpu.vector_load %arg6[%get3A_745] {strides = array<i32>} : memref<1024xi32, #tpu.memory_space<vmem>>, vector<16xi32>,
      %ge3A_747 = vector.broadcast %bitcast_convert_type3A_686 : i32 to vector<16xi32>
      %ge3A_748 = arith.cmpi sge, %get3A_746, %ge3A_747 : vector<16xi32>
      %all_reduce_population_count3A_749 = tpu.all_reduce %ge3A_748 {dim = 0 : i64, kind = #tpu.reduction_kind<sum>} : vector<16xi1> -> vector<16xi32>
      %add3A_750 = arith.addi %add3A_744, %all_reduce_population_count3A_749 : vector<16xi32>
      %get3A_751 = arith.constant 176 : index
      %get3A_752 = tpu.vector_load %arg6[%get3A_751] {strides = array<i32>} : memref<1024xi32, #tpu.memory_space<vmem>>, vector<16xi32>,
      %ge3A_753 = vector.broadcast %bitcast_convert_type3A_686 : i32 to vector<16xi32>
      %ge3A_754 = arith.cmpi sge, %get3A_752, %ge3A_753 : vector<16xi32>
      %all_reduce_population_count3A_755 = tpu.all_reduce %ge3A_754 {dim = 0 : i64, kind = #tpu.reduction_kind<sum>} : vector<16xi1> -> vector<16xi32>
      %add3A_756 = arith.addi %add3A_750, %all_reduce_population_count3A_755 : vector<16xi32>
      %get3A_757 = arith.constant 192 : index
      %get3A_758 = tpu.vector_load %arg6[%get3A_757] {strides = array<i32>} : memref<1024xi32, #tpu.memory_space<vmem>>, vector<16xi32>,
      %ge3A_759 = vector.broadcast %bitcast_convert_type3A_686 : i32 to vector<16xi32>
      %ge3A_760 = arith.cmpi sge, %get3A_758, %ge3A_759 : vector<16xi32>
      %all_reduce_population_count3A_761 = tpu.all_reduce %ge3A_760 {dim = 0 : i64, kind = #tpu.reduction_kind<sum>} : vector<16xi1> -> vector<16xi32>
      %add3A_762 = arith.addi %add3A_756, %all_reduce_population_count3A_761 : vector<16xi32>
      %get3A_763 = arith.constant 208 : index
      %get3A_764 = tpu.vector_load %arg6[%get3A_763] {strides = array<i32>} : memref<1024xi32, #tpu.memory_space<vmem>>, vector<16xi32>,
      %ge3A_765 = vector.broadcast %bitcast_convert_type3A_686 : i32 to vector<16xi32>
      %ge3A_766 = arith.cmpi sge, %get3A_764, %ge3A_765 : vector<16xi32>
      %all_reduce_population_count3A_767 = tpu.all_reduce %ge3A_766 {dim = 0 : i64, kind = #tpu.reduction_kind<sum>} : vector<16xi1> -> vector<16xi32>
      %add3A_768 = arith.addi %add3A_762, %all_reduce_population_count3A_767 : vector<16xi32>
      %get3A_769 = arith.constant 224 : index
      %get3A_770 = tpu.vector_load %arg6[%get3A_769] {strides = array<i32>} : memref<1024xi32, #tpu.memory_space<vmem>>, vector<16xi32>,
      %ge3A_771 = vector.broadcast %bitcast_convert_type3A_686 : i32 to vector<16xi32>
      %ge3A_772 = arith.cmpi sge, %get3A_770, %ge3A_771 : vector<16xi32>
      %all_reduce_population_count3A_773 = tpu.all_reduce %ge3A_772 {dim = 0 : i64, kind = #tpu.reduction_kind<sum>} : vector<16xi1> -> vector<16xi32>
      %add3A_774 = arith.addi %add3A_768, %all_reduce_population_count3A_773 : vector<16xi32>
      %get3A_775 = arith.constant 240 : index
      %get3A_776 = tpu.vector_load %arg6[%get3A_775] {strides = array<i32>} : memref<1024xi32, #tpu.memory_space<vmem>>, vector<16xi32>,
      %ge3A_777 = vector.broadcast %bitcast_convert_type3A_686 : i32 to vector<16xi32>
      %ge3A_778 = arith.cmpi sge, %get3A_776, %ge3A_777 : vector<16xi32>
      %all_reduce_population_count3A_779 = tpu.all_reduce %ge3A_778 {dim = 0 : i64, kind = #tpu.reduction_kind<sum>} : vector<16xi1> -> vector<16xi32>
      %add3A_780 = arith.addi %add3A_774, %all_reduce_population_count3A_779 : vector<16xi32>
      %get3A_781 = arith.constant 256 : index
      %get3A_782 = tpu.vector_load %arg6[%get3A_781] {strides = array<i32>} : memref<1024xi32, #tpu.memory_space<vmem>>, vector<16xi32>,
      %ge3A_783 = vector.broadcast %bitcast_convert_type3A_686 : i32 to vector<16xi32>
      %ge3A_784 = arith.cmpi sge, %get3A_782, %ge3A_783 : vector<16xi32>
      %all_reduce_population_count3A_785 = tpu.all_reduce %ge3A_784 {dim = 0 : i64, kind = #tpu.reduction_kind<sum>} : vector<16xi1> -> vector<16xi32>
      %add3A_786 = arith.addi %add3A_780, %all_reduce_population_count3A_785 : vector<16xi32>
      %get3A_787 = arith.constant 272 : index
      %get3A_788 = tpu.vector_load %arg6[%get3A_787] {strides = array<i32>} : memref<1024xi32, #tpu.memory_space<vmem>>, vector<16xi32>,
      %ge3A_789 = vector.broadcast %bitcast_convert_type3A_686 : i32 to vector<16xi32>
      %ge3A_790 = arith.cmpi sge, %get3A_788, %ge3A_789 : vector<16xi32>
      %all_reduce_population_count3A_791 = tpu.all_reduce %ge3A_790 {dim = 0 : i64, kind = #tpu.reduction_kind<sum>} : vector<16xi1> -> vector<16xi32>
      %add3A_792 = arith.addi %add3A_786, %all_reduce_population_count3A_791 : vector<16xi32>
      %get3A_793 = arith.constant 288 : index
      %get3A_794 = tpu.vector_load %arg6[%get3A_793] {strides = array<i32>} : memref<1024xi32, #tpu.memory_space<vmem>>, vector<16xi32>,
      %ge3A_795 = vector.broadcast %bitcast_convert_type3A_686 : i32 to vector<16xi32>
      %ge3A_796 = arith.cmpi sge, %get3A_794, %ge3A_795 : vector<16xi32>
      %all_reduce_population_count3A_797 = tpu.all_reduce %ge3A_796 {dim = 0 : i64, kind = #tpu.reduction_kind<sum>} : vector<16xi1> -> vector<16xi32>
      %add3A_798 = arith.addi %add3A_792, %all_reduce_population_count3A_797 : vector<16xi32>
      %get3A_799 = arith.constant 304 : index
      %get3A_800 = tpu.vector_load %arg6[%get3A_799] {strides = array<i32>} : memref<1024xi32, #tpu.memory_space<vmem>>, vector<16xi32>,
      %ge3A_801 = vector.broadcast %bitcast_convert_type3A_686 : i32 to vector<16xi32>
      %ge3A_802 = arith.cmpi sge, %get3A_800, %ge3A_801 : vector<16xi32>
      %all_reduce_population_count3A_803 = tpu.all_reduce %ge3A_802 {dim = 0 : i64, kind = #tpu.reduction_kind<sum>} : vector<16xi1> -> vector<16xi32>
      %add3A_804 = arith.addi %add3A_798, %all_reduce_population_count3A_803 : vector<16xi32>
      %get3A_805 = arith.constant 320 : index
      %get3A_806 = tpu.vector_load %arg6[%get3A_805] {strides = array<i32>} : memref<1024xi32, #tpu.memory_space<vmem>>, vector<16xi32>,
      %ge3A_807 = vector.broadcast %bitcast_convert_type3A_686 : i32 to vector<16xi32>
      %ge3A_808 = arith.cmpi sge, %get3A_806, %ge3A_807 : vector<16xi32>
      %all_reduce_population_count3A_809 = tpu.all_reduce %ge3A_808 {dim = 0 : i64, kind = #tpu.reduction_kind<sum>} : vector<16xi1> -> vector<16xi32>
      %add3A_810 = arith.addi %add3A_804, %all_reduce_population_count3A_809 : vector<16xi32>
      %get3A_811 = arith.constant 336 : index
      %get3A_812 = tpu.vector_load %arg6[%get3A_811] {strides = array<i32>} : memref<1024xi32, #tpu.memory_space<vmem>>, vector<16xi32>,
      %ge3A_813 = vector.broadcast %bitcast_convert_type3A_686 : i32 to vector<16xi32>
      %ge3A_814 = arith.cmpi sge, %get3A_812, %ge3A_813 : vector<16xi32>
      %all_reduce_population_count3A_815 = tpu.all_reduce %ge3A_814 {dim = 0 : i64, kind = #tpu.reduction_kind<sum>} : vector<16xi1> -> vector<16xi32>
      %add3A_816 = arith.addi %add3A_810, %all_reduce_population_count3A_815 : vector<16xi32>
      %get3A_817 = arith.constant 352 : index
      %get3A_818 = tpu.vector_load %arg6[%get3A_817] {strides = array<i32>} : memref<1024xi32, #tpu.memory_space<vmem>>, vector<16xi32>,
      %ge3A_819 = vector.broadcast %bitcast_convert_type3A_686 : i32 to vector<16xi32>
      %ge3A_820 = arith.cmpi sge, %get3A_818, %ge3A_819 : vector<16xi32>
      %all_reduce_population_count3A_821 = tpu.all_reduce %ge3A_820 {dim = 0 : i64, kind = #tpu.reduction_kind<sum>} : vector<16xi1> -> vector<16xi32>
      %add3A_822 = arith.addi %add3A_816, %all_reduce_population_count3A_821 : vector<16xi32>
      %get3A_823 = arith.constant 368 : index
      %get3A_824 = tpu.vector_load %arg6[%get3A_823] {strides = array<i32>} : memref<1024xi32, #tpu.memory_space<vmem>>, vector<16xi32>,
      %ge3A_825 = vector.broadcast %bitcast_convert_type3A_686 : i32 to vector<16xi32>
      %ge3A_826 = arith.cmpi sge, %get3A_824, %ge3A_825 : vector<16xi32>
      %all_reduce_population_count3A_827 = tpu.all_reduce %ge3A_826 {dim = 0 : i64, kind = #tpu.reduction_kind<sum>} : vector<16xi1> -> vector<16xi32>
      %add3A_828 = arith.addi %add3A_822, %all_reduce_population_count3A_827 : vector<16xi32>
      %get3A_829 = arith.constant 384 : index
      %get3A_830 = tpu.vector_load %arg6[%get3A_829] {strides = array<i32>} : memref<1024xi32, #tpu.memory_space<vmem>>, vector<16xi32>,
      %ge3A_831 = vector.broadcast %bitcast_convert_type3A_686 : i32 to vector<16xi32>
      %ge3A_832 = arith.cmpi sge, %get3A_830, %ge3A_831 : vector<16xi32>
      %all_reduce_population_count3A_833 = tpu.all_reduce %ge3A_832 {dim = 0 : i64, kind = #tpu.reduction_kind<sum>} : vector<16xi1> -> vector<16xi32>
      %add3A_834 = arith.addi %add3A_828, %all_reduce_population_count3A_833 : vector<16xi32>
      %get3A_835 = arith.constant 400 : index
      %get3A_836 = tpu.vector_load %arg6[%get3A_835] {strides = array<i32>} : memref<1024xi32, #tpu.memory_space<vmem>>, vector<16xi32>,
      %ge3A_837 = vector.broadcast %bitcast_convert_type3A_686 : i32 to vector<16xi32>
      %ge3A_838 = arith.cmpi sge, %get3A_836, %ge3A_837 : vector<16xi32>
      %all_reduce_population_count3A_839 = tpu.all_reduce %ge3A_838 {dim = 0 : i64, kind = #tpu.reduction_kind<sum>} : vector<16xi1> -> vector<16xi32>
      %add3A_840 = arith.addi %add3A_834, %all_reduce_population_count3A_839 : vector<16xi32>
      %get3A_841 = arith.constant 416 : index
      %get3A_842 = tpu.vector_load %arg6[%get3A_841] {strides = array<i32>} : memref<1024xi32, #tpu.memory_space<vmem>>, vector<16xi32>,
      %ge3A_843 = vector.broadcast %bitcast_convert_type3A_686 : i32 to vector<16xi32>
      %ge3A_844 = arith.cmpi sge, %get3A_842, %ge3A_843 : vector<16xi32>
      %all_reduce_population_count3A_845 = tpu.all_reduce %ge3A_844 {dim = 0 : i64, kind = #tpu.reduction_kind<sum>} : vector<16xi1> -> vector<16xi32>
      %add3A_846 = arith.addi %add3A_840, %all_reduce_population_count3A_845 : vector<16xi32>
      %get3A_847 = arith.constant 432 : index
      %get3A_848 = tpu.vector_load %arg6[%get3A_847] {strides = array<i32>} : memref<1024xi32, #tpu.memory_space<vmem>>, vector<16xi32>,
      %ge3A_849 = vector.broadcast %bitcast_convert_type3A_686 : i32 to vector<16xi32>
      %ge3A_850 = arith.cmpi sge, %get3A_848, %ge3A_849 : vector<16xi32>
      %all_reduce_population_count3A_851 = tpu.all_reduce %ge3A_850 {dim = 0 : i64, kind = #tpu.reduction_kind<sum>} : vector<16xi1> -> vector<16xi32>
      %add3A_852 = arith.addi %add3A_846, %all_reduce_population_count3A_851 : vector<16xi32>
      %get3A_853 = arith.constant 448 : index
      %get3A_854 = tpu.vector_load %arg6[%get3A_853] {strides = array<i32>} : memref<1024xi32, #tpu.memory_space<vmem>>, vector<16xi32>,
      %ge3A_855 = vector.broadcast %bitcast_convert_type3A_686 : i32 to vector<16xi32>
      %ge3A_856 = arith.cmpi sge, %get3A_854, %ge3A_855 : vector<16xi32>
      %all_reduce_population_count3A_857 = tpu.all_reduce %ge3A_856 {dim = 0 : i64, kind = #tpu.reduction_kind<sum>} : vector<16xi1> -> vector<16xi32>
      %add3A_858 = arith.addi %add3A_852, %all_reduce_population_count3A_857 : vector<16xi32>
      %get3A_859 = arith.constant 464 : index
      %get3A_860 = tpu.vector_load %arg6[%get3A_859] {strides = array<i32>} : memref<1024xi32, #tpu.memory_space<vmem>>, vector<16xi32>,
      %ge3A_861 = vector.broadcast %bitcast_convert_type3A_686 : i32 to vector<16xi32>
      %ge3A_862 = arith.cmpi sge, %get3A_860, %ge3A_861 : vector<16xi32>
      %all_reduce_population_count3A_863 = tpu.all_reduce %ge3A_862 {dim = 0 : i64, kind = #tpu.reduction_kind<sum>} : vector<16xi1> -> vector<16xi32>
      %add3A_864 = arith.addi %add3A_858, %all_reduce_population_count3A_863 : vector<16xi32>
      %get3A_865 = arith.constant 480 : index
      %get3A_866 = tpu.vector_load %arg6[%get3A_865] {strides = array<i32>} : memref<1024xi32, #tpu.memory_space<vmem>>, vector<16xi32>,
      %ge3A_867 = vector.broadcast %bitcast_convert_type3A_686 : i32 to vector<16xi32>
      %ge3A_868 = arith.cmpi sge, %get3A_866, %ge3A_867 : vector<16xi32>
      %all_reduce_population_count3A_869 = tpu.all_reduce %ge3A_868 {dim = 0 : i64, kind = #tpu.reduction_kind<sum>} : vector<16xi1> -> vector<16xi32>
      %add3A_870 = arith.addi %add3A_864, %all_reduce_population_count3A_869 : vector<16xi32>
      %get3A_871 = arith.constant 496 : index
      %get3A_872 = tpu.vector_load %arg6[%get3A_871] {strides = array<i32>} : memref<1024xi32, #tpu.memory_space<vmem>>, vector<16xi32>,
      %ge3A_873 = vector.broadcast %bitcast_convert_type3A_686 : i32 to vector<16xi32>
      %ge3A_874 = arith.cmpi sge, %get3A_872, %ge3A_873 : vector<16xi32>
      %all_reduce_population_count3A_875 = tpu.all_reduce %ge3A_874 {dim = 0 : i64, kind = #tpu.reduction_kind<sum>} : vector<16xi1> -> vector<16xi32>
      %add3A_876 = arith.addi %add3A_870, %all_reduce_population_count3A_875 : vector<16xi32>
      %get3A_877 = arith.constant 512 : index
      %get3A_878 = tpu.vector_load %arg6[%get3A_877] {strides = array<i32>} : memref<1024xi32, #tpu.memory_space<vmem>>, vector<16xi32>,
      %ge3A_879 = vector.broadcast %bitcast_convert_type3A_686 : i32 to vector<16xi32>
      %ge3A_880 = arith.cmpi sge, %get3A_878, %ge3A_879 : vector<16xi32>
      %all_reduce_population_count3A_881 = tpu.all_reduce %ge3A_880 {dim = 0 : i64, kind = #tpu.reduction_kind<sum>} : vector<16xi1> -> vector<16xi32>
      %add3A_882 = arith.addi %add3A_876, %all_reduce_population_count3A_881 : vector<16xi32>
      %get3A_883 = arith.constant 528 : index
      %get3A_884 = tpu.vector_load %arg6[%get3A_883] {strides = array<i32>} : memref<1024xi32, #tpu.memory_space<vmem>>, vector<16xi32>,
      %ge3A_885 = vector.broadcast %bitcast_convert_type3A_686 : i32 to vector<16xi32>
      %ge3A_886 = arith.cmpi sge, %get3A_884, %ge3A_885 : vector<16xi32>
      %all_reduce_population_count3A_887 = tpu.all_reduce %ge3A_886 {dim = 0 : i64, kind = #tpu.reduction_kind<sum>} : vector<16xi1> -> vector<16xi32>
      %add3A_888 = arith.addi %add3A_882, %all_reduce_population_count3A_887 : vector<16xi32>
      %get3A_889 = arith.constant 544 : index
      %get3A_890 = tpu.vector_load %arg6[%get3A_889] {strides = array<i32>} : memref<1024xi32, #tpu.memory_space<vmem>>, vector<16xi32>,
      %ge3A_891 = vector.broadcast %bitcast_convert_type3A_686 : i32 to vector<16xi32>
      %ge3A_892 = arith.cmpi sge, %get3A_890, %ge3A_891 : vector<16xi32>
      %all_reduce_population_count3A_893 = tpu.all_reduce %ge3A_892 {dim = 0 : i64, kind = #tpu.reduction_kind<sum>} : vector<16xi1> -> vector<16xi32>
      %add3A_894 = arith.addi %add3A_888, %all_reduce_population_count3A_893 : vector<16xi32>
      %get3A_895 = arith.constant 560 : index
      %get3A_896 = tpu.vector_load %arg6[%get3A_895] {strides = array<i32>} : memref<1024xi32, #tpu.memory_space<vmem>>, vector<16xi32>,
      %ge3A_897 = vector.broadcast %bitcast_convert_type3A_686 : i32 to vector<16xi32>
      %ge3A_898 = arith.cmpi sge, %get3A_896, %ge3A_897 : vector<16xi32>
      %all_reduce_population_count3A_899 = tpu.all_reduce %ge3A_898 {dim = 0 : i64, kind = #tpu.reduction_kind<sum>} : vector<16xi1> -> vector<16xi32>
      %add3A_900 = arith.addi %add3A_894, %all_reduce_population_count3A_899 : vector<16xi32>
      %get3A_901 = arith.constant 576 : index
      %get3A_902 = tpu.vector_load %arg6[%get3A_901] {strides = array<i32>} : memref<1024xi32, #tpu.memory_space<vmem>>, vector<16xi32>,
      %ge3A_903 = vector.broadcast %bitcast_convert_type3A_686 : i32 to vector<16xi32>
      %ge3A_904 = arith.cmpi sge, %get3A_902, %ge3A_903 : vector<16xi32>
      %all_reduce_population_count3A_905 = tpu.all_reduce %ge3A_904 {dim = 0 : i64, kind = #tpu.reduction_kind<sum>} : vector<16xi1> -> vector<16xi32>
      %add3A_906 = arith.addi %add3A_900, %all_reduce_population_count3A_905 : vector<16xi32>
      %get3A_907 = arith.constant 592 : index
      %get3A_908 = tpu.vector_load %arg6[%get3A_907] {strides = array<i32>} : memref<1024xi32, #tpu.memory_space<vmem>>, vector<16xi32>,
      %ge3A_909 = vector.broadcast %bitcast_convert_type3A_686 : i32 to vector<16xi32>
      %ge3A_910 = arith.cmpi sge, %get3A_908, %ge3A_909 : vector<16xi32>
      %all_reduce_population_count3A_911 = tpu.all_reduce %ge3A_910 {dim = 0 : i64, kind = #tpu.reduction_kind<sum>} : vector<16xi1> -> vector<16xi32>
      %add3A_912 = arith.addi %add3A_906, %all_reduce_population_count3A_911 : vector<16xi32>
      %get3A_913 = arith.constant 608 : index
      %get3A_914 = tpu.vector_load %arg6[%get3A_913] {strides = array<i32>} : memref<1024xi32, #tpu.memory_space<vmem>>, vector<16xi32>,
      %ge3A_915 = vector.broadcast %bitcast_convert_type3A_686 : i32 to vector<16xi32>
      %ge3A_916 = arith.cmpi sge, %get3A_914, %ge3A_915 : vector<16xi32>
      %all_reduce_population_count3A_917 = tpu.all_reduce %ge3A_916 {dim = 0 : i64, kind = #tpu.reduction_kind<sum>} : vector<16xi1> -> vector<16xi32>
      %add3A_918 = arith.addi %add3A_912, %all_reduce_population_count3A_917 : vector<16xi32>
      %get3A_919 = arith.constant 624 : index
      %get3A_920 = tpu.vector_load %arg6[%get3A_919] {strides = array<i32>} : memref<1024xi32, #tpu.memory_space<vmem>>, vector<16xi32>,
      %ge3A_921 = vector.broadcast %bitcast_convert_type3A_686 : i32 to vector<16xi32>
      %ge3A_922 = arith.cmpi sge, %get3A_920, %ge3A_921 : vector<16xi32>
      %all_reduce_population_count3A_923 = tpu.all_reduce %ge3A_922 {dim = 0 : i64, kind = #tpu.reduction_kind<sum>} : vector<16xi1> -> vector<16xi32>
      %add3A_924 = arith.addi %add3A_918, %all_reduce_population_count3A_923 : vector<16xi32>
      %get3A_925 = arith.constant 640 : index
      %get3A_926 = tpu.vector_load %arg6[%get3A_925] {strides = array<i32>} : memref<1024xi32, #tpu.memory_space<vmem>>, vector<16xi32>,
      %ge3A_927 = vector.broadcast %bitcast_convert_type3A_686 : i32 to vector<16xi32>
      %ge3A_928 = arith.cmpi sge, %get3A_926, %ge3A_927 : vector<16xi32>
      %all_reduce_population_count3A_929 = tpu.all_reduce %ge3A_928 {dim = 0 : i64, kind = #tpu.reduction_kind<sum>} : vector<16xi1> -> vector<16xi32>
      %add3A_930 = arith.addi %add3A_924, %all_reduce_population_count3A_929 : vector<16xi32>
      %get3A_931 = arith.constant 656 : index
      %get3A_932 = tpu.vector_load %arg6[%get3A_931] {strides = array<i32>} : memref<1024xi32, #tpu.memory_space<vmem>>, vector<16xi32>,
      %ge3A_933 = vector.broadcast %bitcast_convert_type3A_686 : i32 to vector<16xi32>
      %ge3A_934 = arith.cmpi sge, %get3A_932, %ge3A_933 : vector<16xi32>
      %all_reduce_population_count3A_935 = tpu.all_reduce %ge3A_934 {dim = 0 : i64, kind = #tpu.reduction_kind<sum>} : vector<16xi1> -> vector<16xi32>
      %add3A_936 = arith.addi %add3A_930, %all_reduce_population_count3A_935 : vector<16xi32>
      %get3A_937 = arith.constant 672 : index
      %get3A_938 = tpu.vector_load %arg6[%get3A_937] {strides = array<i32>} : memref<1024xi32, #tpu.memory_space<vmem>>, vector<16xi32>,
      %ge3A_939 = vector.broadcast %bitcast_convert_type3A_686 : i32 to vector<16xi32>
      %ge3A_940 = arith.cmpi sge, %get3A_938, %ge3A_939 : vector<16xi32>
      %all_reduce_population_count3A_941 = tpu.all_reduce %ge3A_940 {dim = 0 : i64, kind = #tpu.reduction_kind<sum>} : vector<16xi1> -> vector<16xi32>
      %add3A_942 = arith.addi %add3A_936, %all_reduce_population_count3A_941 : vector<16xi32>
      %get3A_943 = arith.constant 688 : index
      %get3A_944 = tpu.vector_load %arg6[%get3A_943] {strides = array<i32>} : memref<1024xi32, #tpu.memory_space<vmem>>, vector<16xi32>,
      %ge3A_945 = vector.broadcast %bitcast_convert_type3A_686 : i32 to vector<16xi32>
      %ge3A_946 = arith.cmpi sge, %get3A_944, %ge3A_945 : vector<16xi32>
      %all_reduce_population_count3A_947 = tpu.all_reduce %ge3A_946 {dim = 0 : i64, kind = #tpu.reduction_kind<sum>} : vector<16xi1> -> vector<16xi32>
      %add3A_948 = arith.addi %add3A_942, %all_reduce_population_count3A_947 : vector<16xi32>
      %get3A_949 = arith.constant 704 : index
      %get3A_950 = tpu.vector_load %arg6[%get3A_949] {strides = array<i32>} : memref<1024xi32, #tpu.memory_space<vmem>>, vector<16xi32>,
      %ge3A_951 = vector.broadcast %bitcast_convert_type3A_686 : i32 to vector<16xi32>
      %ge3A_952 = arith.cmpi sge, %get3A_950, %ge3A_951 : vector<16xi32>
      %all_reduce_population_count3A_953 = tpu.all_reduce %ge3A_952 {dim = 0 : i64, kind = #tpu.reduction_kind<sum>} : vector<16xi1> -> vector<16xi32>
      %add3A_954 = arith.addi %add3A_948, %all_reduce_population_count3A_953 : vector<16xi32>
      %get3A_955 = arith.constant 720 : index
      %get3A_956 = tpu.vector_load %arg6[%get3A_955] {strides = array<i32>} : memref<1024xi32, #tpu.memory_space<vmem>>, vector<16xi32>,
      %ge3A_957 = vector.broadcast %bitcast_convert_type3A_686 : i32 to vector<16xi32>
      %ge3A_958 = arith.cmpi sge, %get3A_956, %ge3A_957 : vector<16xi32>
      %all_reduce_population_count3A_959 = tpu.all_reduce %ge3A_958 {dim = 0 : i64, kind = #tpu.reduction_kind<sum>} : vector<16xi1> -> vector<16xi32>
      %add3A_960 = arith.addi %add3A_954, %all_reduce_population_count3A_959 : vector<16xi32>
      %get3A_961 = arith.constant 736 : index
      %get3A_962 = tpu.vector_load %arg6[%get3A_961] {strides = array<i32>} : memref<1024xi32, #tpu.memory_space<vmem>>, vector<16xi32>,
      %ge3A_963 = vector.broadcast %bitcast_convert_type3A_686 : i32 to vector<16xi32>
      %ge3A_964 = arith.cmpi sge, %get3A_962, %ge3A_963 : vector<16xi32>
      %all_reduce_population_count3A_965 = tpu.all_reduce %ge3A_964 {dim = 0 : i64, kind = #tpu.reduction_kind<sum>} : vector<16xi1> -> vector<16xi32>
      %add3A_966 = arith.addi %add3A_960, %all_reduce_population_count3A_965 : vector<16xi32>
      %get3A_967 = arith.constant 752 : index
      %get3A_968 = tpu.vector_load %arg6[%get3A_967] {strides = array<i32>} : memref<1024xi32, #tpu.memory_space<vmem>>, vector<16xi32>,
      %ge3A_969 = vector.broadcast %bitcast_convert_type3A_686 : i32 to vector<16xi32>
      %ge3A_970 = arith.cmpi sge, %get3A_968, %ge3A_969 : vector<16xi32>
      %all_reduce_population_count3A_971 = tpu.all_reduce %ge3A_970 {dim = 0 : i64, kind = #tpu.reduction_kind<sum>} : vector<16xi1> -> vector<16xi32>
      %add3A_972 = arith.addi %add3A_966, %all_reduce_population_count3A_971 : vector<16xi32>
      %get3A_973 = arith.constant 768 : index
      %get3A_974 = tpu.vector_load %arg6[%get3A_973] {strides = array<i32>} : memref<1024xi32, #tpu.memory_space<vmem>>, vector<16xi32>,
      %ge3A_975 = vector.broadcast %bitcast_convert_type3A_686 : i32 to vector<16xi32>
      %ge3A_976 = arith.cmpi sge, %get3A_974, %ge3A_975 : vector<16xi32>
      %all_reduce_population_count3A_977 = tpu.all_reduce %ge3A_976 {dim = 0 : i64, kind = #tpu.reduction_kind<sum>} : vector<16xi1> -> vector<16xi32>
      %add3A_978 = arith.addi %add3A_972, %all_reduce_population_count3A_977 : vector<16xi32>
      %get3A_979 = arith.constant 784 : index
      %get3A_980 = tpu.vector_load %arg6[%get3A_979] {strides = array<i32>} : memref<1024xi32, #tpu.memory_space<vmem>>, vector<16xi32>,
      %ge3A_981 = vector.broadcast %bitcast_convert_type3A_686 : i32 to vector<16xi32>
      %ge3A_982 = arith.cmpi sge, %get3A_980, %ge3A_981 : vector<16xi32>
      %all_reduce_population_count3A_983 = tpu.all_reduce %ge3A_982 {dim = 0 : i64, kind = #tpu.reduction_kind<sum>} : vector<16xi1> -> vector<16xi32>
      %add3A_984 = arith.addi %add3A_978, %all_reduce_population_count3A_983 : vector<16xi32>
      %get3A_985 = arith.constant 800 : index
      %get3A_986 = tpu.vector_load %arg6[%get3A_985] {strides = array<i32>} : memref<1024xi32, #tpu.memory_space<vmem>>, vector<16xi32>,
      %ge3A_987 = vector.broadcast %bitcast_convert_type3A_686 : i32 to vector<16xi32>
      %ge3A_988 = arith.cmpi sge, %get3A_986, %ge3A_987 : vector<16xi32>
      %all_reduce_population_count3A_989 = tpu.all_reduce %ge3A_988 {dim = 0 : i64, kind = #tpu.reduction_kind<sum>} : vector<16xi1> -> vector<16xi32>
      %add3A_990 = arith.addi %add3A_984, %all_reduce_population_count3A_989 : vector<16xi32>
      %get3A_991 = arith.constant 816 : index
      %get3A_992 = tpu.vector_load %arg6[%get3A_991] {strides = array<i32>} : memref<1024xi32, #tpu.memory_space<vmem>>, vector<16xi32>,
      %ge3A_993 = vector.broadcast %bitcast_convert_type3A_686 : i32 to vector<16xi32>
      %ge3A_994 = arith.cmpi sge, %get3A_992, %ge3A_993 : vector<16xi32>
      %all_reduce_population_count3A_995 = tpu.all_reduce %ge3A_994 {dim = 0 : i64, kind = #tpu.reduction_kind<sum>} : vector<16xi1> -> vector<16xi32>
      %add3A_996 = arith.addi %add3A_990, %all_reduce_population_count3A_995 : vector<16xi32>
      %get3A_997 = arith.constant 832 : index
      %get3A_998 = tpu.vector_load %arg6[%get3A_997] {strides = array<i32>} : memref<1024xi32, #tpu.memory_space<vmem>>, vector<16xi32>,
      %ge3A_999 = vector.broadcast %bitcast_convert_type3A_686 : i32 to vector<16xi32>
      %ge3A_1000 = arith.cmpi sge, %get3A_998, %ge3A_999 : vector<16xi32>
      %all_reduce_population_count3A_1001 = tpu.all_reduce %ge3A_1000 {dim = 0 : i64, kind = #tpu.reduction_kind<sum>} : vector<16xi1> -> vector<16xi32>
      %add3A_1002 = arith.addi %add3A_996, %all_reduce_population_count3A_1001 : vector<16xi32>
      %get3A_1003 = arith.constant 848 : index
      %get3A_1004 = tpu.vector_load %arg6[%get3A_1003] {strides = array<i32>} : memref<1024xi32, #tpu.memory_space<vmem>>, vector<16xi32>,
      %ge3A_1005 = vector.broadcast %bitcast_convert_type3A_686 : i32 to vector<16xi32>
      %ge3A_1006 = arith.cmpi sge, %get3A_1004, %ge3A_1005 : vector<16xi32>
      %all_reduce_population_count3A_1007 = tpu.all_reduce %ge3A_1006 {dim = 0 : i64, kind = #tpu.reduction_kind<sum>} : vector<16xi1> -> vector<16xi32>
      %add3A_1008 = arith.addi %add3A_1002, %all_reduce_population_count3A_1007 : vector<16xi32>
      %get3A_1009 = arith.constant 864 : index
      %get3A_1010 = tpu.vector_load %arg6[%get3A_1009] {strides = array<i32>} : memref<1024xi32, #tpu.memory_space<vmem>>, vector<16xi32>,
      %ge3A_1011 = vector.broadcast %bitcast_convert_type3A_686 : i32 to vector<16xi32>
      %ge3A_1012 = arith.cmpi sge, %get3A_1010, %ge3A_1011 : vector<16xi32>
      %all_reduce_population_count3A_1013 = tpu.all_reduce %ge3A_1012 {dim = 0 : i64, kind = #tpu.reduction_kind<sum>} : vector<16xi1> -> vector<16xi32>
      %add3A_1014 = arith.addi %add3A_1008, %all_reduce_population_count3A_1013 : vector<16xi32>
      %get3A_1015 = arith.constant 880 : index
      %get3A_1016 = tpu.vector_load %arg6[%get3A_1015] {strides = array<i32>} : memref<1024xi32, #tpu.memory_space<vmem>>, vector<16xi32>,
      %ge3A_1017 = vector.broadcast %bitcast_convert_type3A_686 : i32 to vector<16xi32>
      %ge3A_1018 = arith.cmpi sge, %get3A_1016, %ge3A_1017 : vector<16xi32>
      %all_reduce_population_count3A_1019 = tpu.all_reduce %ge3A_1018 {dim = 0 : i64, kind = #tpu.reduction_kind<sum>} : vector<16xi1> -> vector<16xi32>
      %add3A_1020 = arith.addi %add3A_1014, %all_reduce_population_count3A_1019 : vector<16xi32>
      %get3A_1021 = arith.constant 896 : index
      %get3A_1022 = tpu.vector_load %arg6[%get3A_1021] {strides = array<i32>} : memref<1024xi32, #tpu.memory_space<vmem>>, vector<16xi32>,
      %ge3A_1023 = vector.broadcast %bitcast_convert_type3A_686 : i32 to vector<16xi32>
      %ge3A_1024 = arith.cmpi sge, %get3A_1022, %ge3A_1023 : vector<16xi32>
      %all_reduce_population_count3A_1025 = tpu.all_reduce %ge3A_1024 {dim = 0 : i64, kind = #tpu.reduction_kind<sum>} : vector<16xi1> -> vector<16xi32>
      %add3A_1026 = arith.addi %add3A_1020, %all_reduce_population_count3A_1025 : vector<16xi32>
      %get3A_1027 = arith.constant 912 : index
      %get3A_1028 = tpu.vector_load %arg6[%get3A_1027] {strides = array<i32>} : memref<1024xi32, #tpu.memory_space<vmem>>, vector<16xi32>,
      %ge3A_1029 = vector.broadcast %bitcast_convert_type3A_686 : i32 to vector<16xi32>
      %ge3A_1030 = arith.cmpi sge, %get3A_1028, %ge3A_1029 : vector<16xi32>
      %all_reduce_population_count3A_1031 = tpu.all_reduce %ge3A_1030 {dim = 0 : i64, kind = #tpu.reduction_kind<sum>} : vector<16xi1> -> vector<16xi32>
      %add3A_1032 = arith.addi %add3A_1026, %all_reduce_population_count3A_1031 : vector<16xi32>
      %get3A_1033 = arith.constant 928 : index
      %get3A_1034 = tpu.vector_load %arg6[%get3A_1033] {strides = array<i32>} : memref<1024xi32, #tpu.memory_space<vmem>>, vector<16xi32>,
      %ge3A_1035 = vector.broadcast %bitcast_convert_type3A_686 : i32 to vector<16xi32>
      %ge3A_1036 = arith.cmpi sge, %get3A_1034, %ge3A_1035 : vector<16xi32>
      %all_reduce_population_count3A_1037 = tpu.all_reduce %ge3A_1036 {dim = 0 : i64, kind = #tpu.reduction_kind<sum>} : vector<16xi1> -> vector<16xi32>
      %add3A_1038 = arith.addi %add3A_1032, %all_reduce_population_count3A_1037 : vector<16xi32>
      %get3A_1039 = arith.constant 944 : index
      %get3A_1040 = tpu.vector_load %arg6[%get3A_1039] {strides = array<i32>} : memref<1024xi32, #tpu.memory_space<vmem>>, vector<16xi32>,
      %ge3A_1041 = vector.broadcast %bitcast_convert_type3A_686 : i32 to vector<16xi32>
      %ge3A_1042 = arith.cmpi sge, %get3A_1040, %ge3A_1041 : vector<16xi32>
      %all_reduce_population_count3A_1043 = tpu.all_reduce %ge3A_1042 {dim = 0 : i64, kind = #tpu.reduction_kind<sum>} : vector<16xi1> -> vector<16xi32>
      %add3A_1044 = arith.addi %add3A_1038, %all_reduce_population_count3A_1043 : vector<16xi32>
      %get3A_1045 = arith.constant 960 : index
      %get3A_1046 = tpu.vector_load %arg6[%get3A_1045] {strides = array<i32>} : memref<1024xi32, #tpu.memory_space<vmem>>, vector<16xi32>,
      %ge3A_1047 = vector.broadcast %bitcast_convert_type3A_686 : i32 to vector<16xi32>
      %ge3A_1048 = arith.cmpi sge, %get3A_1046, %ge3A_1047 : vector<16xi32>
      %all_reduce_population_count3A_1049 = tpu.all_reduce %ge3A_1048 {dim = 0 : i64, kind = #tpu.reduction_kind<sum>} : vector<16xi1> -> vector<16xi32>
      %add3A_1050 = arith.addi %add3A_1044, %all_reduce_population_count3A_1049 : vector<16xi32>
      %get3A_1051 = arith.constant 976 : index
      %get3A_1052 = tpu.vector_load %arg6[%get3A_1051] {strides = array<i32>} : memref<1024xi32, #tpu.memory_space<vmem>>, vector<16xi32>,
      %ge3A_1053 = vector.broadcast %bitcast_convert_type3A_686 : i32 to vector<16xi32>
      %ge3A_1054 = arith.cmpi sge, %get3A_1052, %ge3A_1053 : vector<16xi32>
      %all_reduce_population_count3A_1055 = tpu.all_reduce %ge3A_1054 {dim = 0 : i64, kind = #tpu.reduction_kind<sum>} : vector<16xi1> -> vector<16xi32>
      %add3A_1056 = arith.addi %add3A_1050, %all_reduce_population_count3A_1055 : vector<16xi32>
      %get3A_1057 = arith.constant 992 : index
      %get3A_1058 = tpu.vector_load %arg6[%get3A_1057] {strides = array<i32>} : memref<1024xi32, #tpu.memory_space<vmem>>, vector<16xi32>,
      %ge3A_1059 = vector.broadcast %bitcast_convert_type3A_686 : i32 to vector<16xi32>
      %ge3A_1060 = arith.cmpi sge, %get3A_1058, %ge3A_1059 : vector<16xi32>
      %all_reduce_population_count3A_1061 = tpu.all_reduce %ge3A_1060 {dim = 0 : i64, kind = #tpu.reduction_kind<sum>} : vector<16xi1> -> vector<16xi32>
      %add3A_1062 = arith.addi %add3A_1056, %all_reduce_population_count3A_1061 : vector<16xi32>
      %get3A_1063 = arith.constant 1008 : index
      %get3A_1064 = tpu.vector_load %arg6[%get3A_1063] {strides = array<i32>} : memref<1024xi32, #tpu.memory_space<vmem>>, vector<16xi32>,
      %ge3A_1065 = vector.broadcast %bitcast_convert_type3A_686 : i32 to vector<16xi32>
      %ge3A_1066 = arith.cmpi sge, %get3A_1064, %ge3A_1065 : vector<16xi32>
      %all_reduce_population_count3A_1067 = tpu.all_reduce %ge3A_1066 {dim = 0 : i64, kind = #tpu.reduction_kind<sum>} : vector<16xi1> -> vector<16xi32>
      %add3A_1068 = arith.addi %add3A_1062, %all_reduce_population_count3A_1067 : vector<16xi32>
      %convert_element_type3A_1069 = arith.sitofp %add3A_1068 : vector<16xi32> to vector<16xf32>
      %xor3A_1070 = arith.constant -2147483648 : i32
      %xor3A_1071 = arith.xori %or3A_680, %xor3A_1070 : i32
      %bitcast_convert_type3A_1072 = arith.bitcast %xor3A_1071 : i32 to i32
      %get3A_1073 = arith.constant 0 : index
      %get3A_1074 = tpu.vector_load %arg6[%get3A_1073] {strides = array<i32>} : memref<1024xi32, #tpu.memory_space<vmem>>, vector<16xi32>,
      %ge3A_1075 = vector.broadcast %bitcast_convert_type3A_1072 : i32 to vector<16xi32>
      %ge3A_1076 = arith.cmpi sge, %get3A_1074, %ge3A_1075 : vector<16xi32>
      %all_reduce_population_count3A_1077 = tpu.all_reduce %ge3A_1076 {dim = 0 : i64, kind = #tpu.reduction_kind<sum>} : vector<16xi1> -> vector<16xi32>
      %get3A_1078 = arith.constant 16 : index
      %get3A_1079 = tpu.vector_load %arg6[%get3A_1078] {strides = array<i32>} : memref<1024xi32, #tpu.memory_space<vmem>>, vector<16xi32>,
      %ge3A_1080 = vector.broadcast %bitcast_convert_type3A_1072 : i32 to vector<16xi32>
      %ge3A_1081 = arith.cmpi sge, %get3A_1079, %ge3A_1080 : vector<16xi32>
      %all_reduce_population_count3A_1082 = tpu.all_reduce %ge3A_1081 {dim = 0 : i64, kind = #tpu.reduction_kind<sum>} : vector<16xi1> -> vector<16xi32>
      %add3A_1083 = arith.addi %all_reduce_population_count3A_1077, %all_reduce_population_count3A_1082 : vector<16xi32>
      %get3A_1084 = arith.constant 32 : index
      %get3A_1085 = tpu.vector_load %arg6[%get3A_1084] {strides = array<i32>} : memref<1024xi32, #tpu.memory_space<vmem>>, vector<16xi32>,
      %ge3A_1086 = vector.broadcast %bitcast_convert_type3A_1072 : i32 to vector<16xi32>
      %ge3A_1087 = arith.cmpi sge, %get3A_1085, %ge3A_1086 : vector<16xi32>
      %all_reduce_population_count3A_1088 = tpu.all_reduce %ge3A_1087 {dim = 0 : i64, kind = #tpu.reduction_kind<sum>} : vector<16xi1> -> vector<16xi32>
      %add3A_1089 = arith.addi %add3A_1083, %all_reduce_population_count3A_1088 : vector<16xi32>
      %get3A_1090 = arith.constant 48 : index
      %get3A_1091 = tpu.vector_load %arg6[%get3A_1090] {strides = array<i32>} : memref<1024xi32, #tpu.memory_space<vmem>>, vector<16xi32>,
      %ge3A_1092 = vector.broadcast %bitcast_convert_type3A_1072 : i32 to vector<16xi32>
      %ge3A_1093 = arith.cmpi sge, %get3A_1091, %ge3A_1092 : vector<16xi32>
      %all_reduce_population_count3A_1094 = tpu.all_reduce %ge3A_1093 {dim = 0 : i64, kind = #tpu.reduction_kind<sum>} : vector<16xi1> -> vector<16xi32>
      %add3A_1095 = arith.addi %add3A_1089, %all_reduce_population_count3A_1094 : vector<16xi32>
      %get3A_1096 = arith.constant 64 : index
      %get3A_1097 = tpu.vector_load %arg6[%get3A_1096] {strides = array<i32>} : memref<1024xi32, #tpu.memory_space<vmem>>, vector<16xi32>,
      %ge3A_1098 = vector.broadcast %bitcast_convert_type3A_1072 : i32 to vector<16xi32>
      %ge3A_1099 = arith.cmpi sge, %get3A_1097, %ge3A_1098 : vector<16xi32>
      %all_reduce_population_count3A_1100 = tpu.all_reduce %ge3A_1099 {dim = 0 : i64, kind = #tpu.reduction_kind<sum>} : vector<16xi1> -> vector<16xi32>
      %add3A_1101 = arith.addi %add3A_1095, %all_reduce_population_count3A_1100 : vector<16xi32>
      %get3A_1102 = arith.constant 80 : index
      %get3A_1103 = tpu.vector_load %arg6[%get3A_1102] {strides = array<i32>} : memref<1024xi32, #tpu.memory_space<vmem>>, vector<16xi32>,
      %ge3A_1104 = vector.broadcast %bitcast_convert_type3A_1072 : i32 to vector<16xi32>
      %ge3A_1105 = arith.cmpi sge, %get3A_1103, %ge3A_1104 : vector<16xi32>
      %all_reduce_population_count3A_1106 = tpu.all_reduce %ge3A_1105 {dim = 0 : i64, kind = #tpu.reduction_kind<sum>} : vector<16xi1> -> vector<16xi32>
      %add3A_1107 = arith.addi %add3A_1101, %all_reduce_population_count3A_1106 : vector<16xi32>
      %get3A_1108 = arith.constant 96 : index
      %get3A_1109 = tpu.vector_load %arg6[%get3A_1108] {strides = array<i32>} : memref<1024xi32, #tpu.memory_space<vmem>>, vector<16xi32>,
      %ge3A_1110 = vector.broadcast %bitcast_convert_type3A_1072 : i32 to vector<16xi32>
      %ge3A_1111 = arith.cmpi sge, %get3A_1109, %ge3A_1110 : vector<16xi32>
      %all_reduce_population_count3A_1112 = tpu.all_reduce %ge3A_1111 {dim = 0 : i64, kind = #tpu.reduction_kind<sum>} : vector<16xi1> -> vector<16xi32>
      %add3A_1113 = arith.addi %add3A_1107, %all_reduce_population_count3A_1112 : vector<16xi32>
      %get3A_1114 = arith.constant 112 : index
      %get3A_1115 = tpu.vector_load %arg6[%get3A_1114] {strides = array<i32>} : memref<1024xi32, #tpu.memory_space<vmem>>, vector<16xi32>,
      %ge3A_1116 = vector.broadcast %bitcast_convert_type3A_1072 : i32 to vector<16xi32>
      %ge3A_1117 = arith.cmpi sge, %get3A_1115, %ge3A_1116 : vector<16xi32>
      %all_reduce_population_count3A_1118 = tpu.all_reduce %ge3A_1117 {dim = 0 : i64, kind = #tpu.reduction_kind<sum>} : vector<16xi1> -> vector<16xi32>
      %add3A_1119 = arith.addi %add3A_1113, %all_reduce_population_count3A_1118 : vector<16xi32>
      %get3A_1120 = arith.constant 128 : index
      %get3A_1121 = tpu.vector_load %arg6[%get3A_1120] {strides = array<i32>} : memref<1024xi32, #tpu.memory_space<vmem>>, vector<16xi32>,
      %ge3A_1122 = vector.broadcast %bitcast_convert_type3A_1072 : i32 to vector<16xi32>
      %ge3A_1123 = arith.cmpi sge, %get3A_1121, %ge3A_1122 : vector<16xi32>
      %all_reduce_population_count3A_1124 = tpu.all_reduce %ge3A_1123 {dim = 0 : i64, kind = #tpu.reduction_kind<sum>} : vector<16xi1> -> vector<16xi32>
      %add3A_1125 = arith.addi %add3A_1119, %all_reduce_population_count3A_1124 : vector<16xi32>
      %get3A_1126 = arith.constant 144 : index
      %get3A_1127 = tpu.vector_load %arg6[%get3A_1126] {strides = array<i32>} : memref<1024xi32, #tpu.memory_space<vmem>>, vector<16xi32>,
      %ge3A_1128 = vector.broadcast %bitcast_convert_type3A_1072 : i32 to vector<16xi32>
      %ge3A_1129 = arith.cmpi sge, %get3A_1127, %ge3A_1128 : vector<16xi32>
      %all_reduce_population_count3A_1130 = tpu.all_reduce %ge3A_1129 {dim = 0 : i64, kind = #tpu.reduction_kind<sum>} : vector<16xi1> -> vector<16xi32>
      %add3A_1131 = arith.addi %add3A_1125, %all_reduce_population_count3A_1130 : vector<16xi32>
      %get3A_1132 = arith.constant 160 : index
      %get3A_1133 = tpu.vector_load %arg6[%get3A_1132] {strides = array<i32>} : memref<1024xi32, #tpu.memory_space<vmem>>, vector<16xi32>,
      %ge3A_1134 = vector.broadcast %bitcast_convert_type3A_1072 : i32 to vector<16xi32>
      %ge3A_1135 = arith.cmpi sge, %get3A_1133, %ge3A_1134 : vector<16xi32>
      %all_reduce_population_count3A_1136 = tpu.all_reduce %ge3A_1135 {dim = 0 : i64, kind = #tpu.reduction_kind<sum>} : vector<16xi1> -> vector<16xi32>
      %add3A_1137 = arith.addi %add3A_1131, %all_reduce_population_count3A_1136 : vector<16xi32>
      %get3A_1138 = arith.constant 176 : index
      %get3A_1139 = tpu.vector_load %arg6[%get3A_1138] {strides = array<i32>} : memref<1024xi32, #tpu.memory_space<vmem>>, vector<16xi32>,
      %ge3A_1140 = vector.broadcast %bitcast_convert_type3A_1072 : i32 to vector<16xi32>
      %ge3A_1141 = arith.cmpi sge, %get3A_1139, %ge3A_1140 : vector<16xi32>
      %all_reduce_population_count3A_1142 = tpu.all_reduce %ge3A_1141 {dim = 0 : i64, kind = #tpu.reduction_kind<sum>} : vector<16xi1> -> vector<16xi32>
      %add3A_1143 = arith.addi %add3A_1137, %all_reduce_population_count3A_1142 : vector<16xi32>
      %get3A_1144 = arith.constant 192 : index
      %get3A_1145 = tpu.vector_load %arg6[%get3A_1144] {strides = array<i32>} : memref<1024xi32, #tpu.memory_space<vmem>>, vector<16xi32>,
      %ge3A_1146 = vector.broadcast %bitcast_convert_type3A_1072 : i32 to vector<16xi32>
      %ge3A_1147 = arith.cmpi sge, %get3A_1145, %ge3A_1146 : vector<16xi32>
      %all_reduce_population_count3A_1148 = tpu.all_reduce %ge3A_1147 {dim = 0 : i64, kind = #tpu.reduction_kind<sum>} : vector<16xi1> -> vector<16xi32>
      %add3A_1149 = arith.addi %add3A_1143, %all_reduce_population_count3A_1148 : vector<16xi32>
      %get3A_1150 = arith.constant 208 : index
      %get3A_1151 = tpu.vector_load %arg6[%get3A_1150] {strides = array<i32>} : memref<1024xi32, #tpu.memory_space<vmem>>, vector<16xi32>,
      %ge3A_1152 = vector.broadcast %bitcast_convert_type3A_1072 : i32 to vector<16xi32>
      %ge3A_1153 = arith.cmpi sge, %get3A_1151, %ge3A_1152 : vector<16xi32>
      %all_reduce_population_count3A_1154 = tpu.all_reduce %ge3A_1153 {dim = 0 : i64, kind = #tpu.reduction_kind<sum>} : vector<16xi1> -> vector<16xi32>
      %add3A_1155 = arith.addi %add3A_1149, %all_reduce_population_count3A_1154 : vector<16xi32>
      %get3A_1156 = arith.constant 224 : index
      %get3A_1157 = tpu.vector_load %arg6[%get3A_1156] {strides = array<i32>} : memref<1024xi32, #tpu.memory_space<vmem>>, vector<16xi32>,
      %ge3A_1158 = vector.broadcast %bitcast_convert_type3A_1072 : i32 to vector<16xi32>
      %ge3A_1159 = arith.cmpi sge, %get3A_1157, %ge3A_1158 : vector<16xi32>
      %all_reduce_population_count3A_1160 = tpu.all_reduce %ge3A_1159 {dim = 0 : i64, kind = #tpu.reduction_kind<sum>} : vector<16xi1> -> vector<16xi32>
      %add3A_1161 = arith.addi %add3A_1155, %all_reduce_population_count3A_1160 : vector<16xi32>
      %get3A_1162 = arith.constant 240 : index
      %get3A_1163 = tpu.vector_load %arg6[%get3A_1162] {strides = array<i32>} : memref<1024xi32, #tpu.memory_space<vmem>>, vector<16xi32>,
      %ge3A_1164 = vector.broadcast %bitcast_convert_type3A_1072 : i32 to vector<16xi32>
      %ge3A_1165 = arith.cmpi sge, %get3A_1163, %ge3A_1164 : vector<16xi32>
      %all_reduce_population_count3A_1166 = tpu.all_reduce %ge3A_1165 {dim = 0 : i64, kind = #tpu.reduction_kind<sum>} : vector<16xi1> -> vector<16xi32>
      %add3A_1167 = arith.addi %add3A_1161, %all_reduce_population_count3A_1166 : vector<16xi32>
      %get3A_1168 = arith.constant 256 : index
      %get3A_1169 = tpu.vector_load %arg6[%get3A_1168] {strides = array<i32>} : memref<1024xi32, #tpu.memory_space<vmem>>, vector<16xi32>,
      %ge3A_1170 = vector.broadcast %bitcast_convert_type3A_1072 : i32 to vector<16xi32>
      %ge3A_1171 = arith.cmpi sge, %get3A_1169, %ge3A_1170 : vector<16xi32>
      %all_reduce_population_count3A_1172 = tpu.all_reduce %ge3A_1171 {dim = 0 : i64, kind = #tpu.reduction_kind<sum>} : vector<16xi1> -> vector<16xi32>
      %add3A_1173 = arith.addi %add3A_1167, %all_reduce_population_count3A_1172 : vector<16xi32>
      %get3A_1174 = arith.constant 272 : index
      %get3A_1175 = tpu.vector_load %arg6[%get3A_1174] {strides = array<i32>} : memref<1024xi32, #tpu.memory_space<vmem>>, vector<16xi32>,
      %ge3A_1176 = vector.broadcast %bitcast_convert_type3A_1072 : i32 to vector<16xi32>
      %ge3A_1177 = arith.cmpi sge, %get3A_1175, %ge3A_1176 : vector<16xi32>
      %all_reduce_population_count3A_1178 = tpu.all_reduce %ge3A_1177 {dim = 0 : i64, kind = #tpu.reduction_kind<sum>} : vector<16xi1> -> vector<16xi32>
      %add3A_1179 = arith.addi %add3A_1173, %all_reduce_population_count3A_1178 : vector<16xi32>
      %get3A_1180 = arith.constant 288 : index
      %get3A_1181 = tpu.vector_load %arg6[%get3A_1180] {strides = array<i32>} : memref<1024xi32, #tpu.memory_space<vmem>>, vector<16xi32>,
      %ge3A_1182 = vector.broadcast %bitcast_convert_type3A_1072 : i32 to vector<16xi32>
      %ge3A_1183 = arith.cmpi sge, %get3A_1181, %ge3A_1182 : vector<16xi32>
      %all_reduce_population_count3A_1184 = tpu.all_reduce %ge3A_1183 {dim = 0 : i64, kind = #tpu.reduction_kind<sum>} : vector<16xi1> -> vector<16xi32>
      %add3A_1185 = arith.addi %add3A_1179, %all_reduce_population_count3A_1184 : vector<16xi32>
      %get3A_1186 = arith.constant 304 : index
      %get3A_1187 = tpu.vector_load %arg6[%get3A_1186] {strides = array<i32>} : memref<1024xi32, #tpu.memory_space<vmem>>, vector<16xi32>,
      %ge3A_1188 = vector.broadcast %bitcast_convert_type3A_1072 : i32 to vector<16xi32>
      %ge3A_1189 = arith.cmpi sge, %get3A_1187, %ge3A_1188 : vector<16xi32>
      %all_reduce_population_count3A_1190 = tpu.all_reduce %ge3A_1189 {dim = 0 : i64, kind = #tpu.reduction_kind<sum>} : vector<16xi1> -> vector<16xi32>
      %add3A_1191 = arith.addi %add3A_1185, %all_reduce_population_count3A_1190 : vector<16xi32>
      %get3A_1192 = arith.constant 320 : index
      %get3A_1193 = tpu.vector_load %arg6[%get3A_1192] {strides = array<i32>} : memref<1024xi32, #tpu.memory_space<vmem>>, vector<16xi32>,
      %ge3A_1194 = vector.broadcast %bitcast_convert_type3A_1072 : i32 to vector<16xi32>
      %ge3A_1195 = arith.cmpi sge, %get3A_1193, %ge3A_1194 : vector<16xi32>
      %all_reduce_population_count3A_1196 = tpu.all_reduce %ge3A_1195 {dim = 0 : i64, kind = #tpu.reduction_kind<sum>} : vector<16xi1> -> vector<16xi32>
      %add3A_1197 = arith.addi %add3A_1191, %all_reduce_population_count3A_1196 : vector<16xi32>
      %get3A_1198 = arith.constant 336 : index
      %get3A_1199 = tpu.vector_load %arg6[%get3A_1198] {strides = array<i32>} : memref<1024xi32, #tpu.memory_space<vmem>>, vector<16xi32>,
      %ge3A_1200 = vector.broadcast %bitcast_convert_type3A_1072 : i32 to vector<16xi32>
      %ge3A_1201 = arith.cmpi sge, %get3A_1199, %ge3A_1200 : vector<16xi32>
      %all_reduce_population_count3A_1202 = tpu.all_reduce %ge3A_1201 {dim = 0 : i64, kind = #tpu.reduction_kind<sum>} : vector<16xi1> -> vector<16xi32>
      %add3A_1203 = arith.addi %add3A_1197, %all_reduce_population_count3A_1202 : vector<16xi32>
      %get3A_1204 = arith.constant 352 : index
      %get3A_1205 = tpu.vector_load %arg6[%get3A_1204] {strides = array<i32>} : memref<1024xi32, #tpu.memory_space<vmem>>, vector<16xi32>,
      %ge3A_1206 = vector.broadcast %bitcast_convert_type3A_1072 : i32 to vector<16xi32>
      %ge3A_1207 = arith.cmpi sge, %get3A_1205, %ge3A_1206 : vector<16xi32>
      %all_reduce_population_count3A_1208 = tpu.all_reduce %ge3A_1207 {dim = 0 : i64, kind = #tpu.reduction_kind<sum>} : vector<16xi1> -> vector<16xi32>
      %add3A_1209 = arith.addi %add3A_1203, %all_reduce_population_count3A_1208 : vector<16xi32>
      %get3A_1210 = arith.constant 368 : index
      %get3A_1211 = tpu.vector_load %arg6[%get3A_1210] {strides = array<i32>} : memref<1024xi32, #tpu.memory_space<vmem>>, vector<16xi32>,
      %ge3A_1212 = vector.broadcast %bitcast_convert_type3A_1072 : i32 to vector<16xi32>
      %ge3A_1213 = arith.cmpi sge, %get3A_1211, %ge3A_1212 : vector<16xi32>
      %all_reduce_population_count3A_1214 = tpu.all_reduce %ge3A_1213 {dim = 0 : i64, kind = #tpu.reduction_kind<sum>} : vector<16xi1> -> vector<16xi32>
      %add3A_1215 = arith.addi %add3A_1209, %all_reduce_population_count3A_1214 : vector<16xi32>
      %get3A_1216 = arith.constant 384 : index
      %get3A_1217 = tpu.vector_load %arg6[%get3A_1216] {strides = array<i32>} : memref<1024xi32, #tpu.memory_space<vmem>>, vector<16xi32>,
      %ge3A_1218 = vector.broadcast %bitcast_convert_type3A_1072 : i32 to vector<16xi32>
      %ge3A_1219 = arith.cmpi sge, %get3A_1217, %ge3A_1218 : vector<16xi32>
      %all_reduce_population_count3A_1220 = tpu.all_reduce %ge3A_1219 {dim = 0 : i64, kind = #tpu.reduction_kind<sum>} : vector<16xi1> -> vector<16xi32>
      %add3A_1221 = arith.addi %add3A_1215, %all_reduce_population_count3A_1220 : vector<16xi32>
      %get3A_1222 = arith.constant 400 : index
      %get3A_1223 = tpu.vector_load %arg6[%get3A_1222] {strides = array<i32>} : memref<1024xi32, #tpu.memory_space<vmem>>, vector<16xi32>,
      %ge3A_1224 = vector.broadcast %bitcast_convert_type3A_1072 : i32 to vector<16xi32>
      %ge3A_1225 = arith.cmpi sge, %get3A_1223, %ge3A_1224 : vector<16xi32>
      %all_reduce_population_count3A_1226 = tpu.all_reduce %ge3A_1225 {dim = 0 : i64, kind = #tpu.reduction_kind<sum>} : vector<16xi1> -> vector<16xi32>
      %add3A_1227 = arith.addi %add3A_1221, %all_reduce_population_count3A_1226 : vector<16xi32>
      %get3A_1228 = arith.constant 416 : index
      %get3A_1229 = tpu.vector_load %arg6[%get3A_1228] {strides = array<i32>} : memref<1024xi32, #tpu.memory_space<vmem>>, vector<16xi32>,
      %ge3A_1230 = vector.broadcast %bitcast_convert_type3A_1072 : i32 to vector<16xi32>
      %ge3A_1231 = arith.cmpi sge, %get3A_1229, %ge3A_1230 : vector<16xi32>
      %all_reduce_population_count3A_1232 = tpu.all_reduce %ge3A_1231 {dim = 0 : i64, kind = #tpu.reduction_kind<sum>} : vector<16xi1> -> vector<16xi32>
      %add3A_1233 = arith.addi %add3A_1227, %all_reduce_population_count3A_1232 : vector<16xi32>
      %get3A_1234 = arith.constant 432 : index
      %get3A_1235 = tpu.vector_load %arg6[%get3A_1234] {strides = array<i32>} : memref<1024xi32, #tpu.memory_space<vmem>>, vector<16xi32>,
      %ge3A_1236 = vector.broadcast %bitcast_convert_type3A_1072 : i32 to vector<16xi32>
      %ge3A_1237 = arith.cmpi sge, %get3A_1235, %ge3A_1236 : vector<16xi32>
      %all_reduce_population_count3A_1238 = tpu.all_reduce %ge3A_1237 {dim = 0 : i64, kind = #tpu.reduction_kind<sum>} : vector<16xi1> -> vector<16xi32>
      %add3A_1239 = arith.addi %add3A_1233, %all_reduce_population_count3A_1238 : vector<16xi32>
      %get3A_1240 = arith.constant 448 : index
      %get3A_1241 = tpu.vector_load %arg6[%get3A_1240] {strides = array<i32>} : memref<1024xi32, #tpu.memory_space<vmem>>, vector<16xi32>,
      %ge3A_1242 = vector.broadcast %bitcast_convert_type3A_1072 : i32 to vector<16xi32>
      %ge3A_1243 = arith.cmpi sge, %get3A_1241, %ge3A_1242 : vector<16xi32>
      %all_reduce_population_count3A_1244 = tpu.all_reduce %ge3A_1243 {dim = 0 : i64, kind = #tpu.reduction_kind<sum>} : vector<16xi1> -> vector<16xi32>
      %add3A_1245 = arith.addi %add3A_1239, %all_reduce_population_count3A_1244 : vector<16xi32>
      %get3A_1246 = arith.constant 464 : index
      %get3A_1247 = tpu.vector_load %arg6[%get3A_1246] {strides = array<i32>} : memref<1024xi32, #tpu.memory_space<vmem>>, vector<16xi32>,
      %ge3A_1248 = vector.broadcast %bitcast_convert_type3A_1072 : i32 to vector<16xi32>
      %ge3A_1249 = arith.cmpi sge, %get3A_1247, %ge3A_1248 : vector<16xi32>
      %all_reduce_population_count3A_1250 = tpu.all_reduce %ge3A_1249 {dim = 0 : i64, kind = #tpu.reduction_kind<sum>} : vector<16xi1> -> vector<16xi32>
      %add3A_1251 = arith.addi %add3A_1245, %all_reduce_population_count3A_1250 : vector<16xi32>
      %get3A_1252 = arith.constant 480 : index
      %get3A_1253 = tpu.vector_load %arg6[%get3A_1252] {strides = array<i32>} : memref<1024xi32, #tpu.memory_space<vmem>>, vector<16xi32>,
      %ge3A_1254 = vector.broadcast %bitcast_convert_type3A_1072 : i32 to vector<16xi32>
      %ge3A_1255 = arith.cmpi sge, %get3A_1253, %ge3A_1254 : vector<16xi32>
      %all_reduce_population_count3A_1256 = tpu.all_reduce %ge3A_1255 {dim = 0 : i64, kind = #tpu.reduction_kind<sum>} : vector<16xi1> -> vector<16xi32>
      %add3A_1257 = arith.addi %add3A_1251, %all_reduce_population_count3A_1256 : vector<16xi32>
      %get3A_1258 = arith.constant 496 : index
      %get3A_1259 = tpu.vector_load %arg6[%get3A_1258] {strides = array<i32>} : memref<1024xi32, #tpu.memory_space<vmem>>, vector<16xi32>,
      %ge3A_1260 = vector.broadcast %bitcast_convert_type3A_1072 : i32 to vector<16xi32>
      %ge3A_1261 = arith.cmpi sge, %get3A_1259, %ge3A_1260 : vector<16xi32>
      %all_reduce_population_count3A_1262 = tpu.all_reduce %ge3A_1261 {dim = 0 : i64, kind = #tpu.reduction_kind<sum>} : vector<16xi1> -> vector<16xi32>
      %add3A_1263 = arith.addi %add3A_1257, %all_reduce_population_count3A_1262 : vector<16xi32>
      %get3A_1264 = arith.constant 512 : index
      %get3A_1265 = tpu.vector_load %arg6[%get3A_1264] {strides = array<i32>} : memref<1024xi32, #tpu.memory_space<vmem>>, vector<16xi32>,
      %ge3A_1266 = vector.broadcast %bitcast_convert_type3A_1072 : i32 to vector<16xi32>
      %ge3A_1267 = arith.cmpi sge, %get3A_1265, %ge3A_1266 : vector<16xi32>
      %all_reduce_population_count3A_1268 = tpu.all_reduce %ge3A_1267 {dim = 0 : i64, kind = #tpu.reduction_kind<sum>} : vector<16xi1> -> vector<16xi32>
      %add3A_1269 = arith.addi %add3A_1263, %all_reduce_population_count3A_1268 : vector<16xi32>
      %get3A_1270 = arith.constant 528 : index
      %get3A_1271 = tpu.vector_load %arg6[%get3A_1270] {strides = array<i32>} : memref<1024xi32, #tpu.memory_space<vmem>>, vector<16xi32>,
      %ge3A_1272 = vector.broadcast %bitcast_convert_type3A_1072 : i32 to vector<16xi32>
      %ge3A_1273 = arith.cmpi sge, %get3A_1271, %ge3A_1272 : vector<16xi32>
      %all_reduce_population_count3A_1274 = tpu.all_reduce %ge3A_1273 {dim = 0 : i64, kind = #tpu.reduction_kind<sum>} : vector<16xi1> -> vector<16xi32>
      %add3A_1275 = arith.addi %add3A_1269, %all_reduce_population_count3A_1274 : vector<16xi32>
      %get3A_1276 = arith.constant 544 : index
      %get3A_1277 = tpu.vector_load %arg6[%get3A_1276] {strides = array<i32>} : memref<1024xi32, #tpu.memory_space<vmem>>, vector<16xi32>,
      %ge3A_1278 = vector.broadcast %bitcast_convert_type3A_1072 : i32 to vector<16xi32>
      %ge3A_1279 = arith.cmpi sge, %get3A_1277, %ge3A_1278 : vector<16xi32>
      %all_reduce_population_count3A_1280 = tpu.all_reduce %ge3A_1279 {dim = 0 : i64, kind = #tpu.reduction_kind<sum>} : vector<16xi1> -> vector<16xi32>
      %add3A_1281 = arith.addi %add3A_1275, %all_reduce_population_count3A_1280 : vector<16xi32>
      %get3A_1282 = arith.constant 560 : index
      %get3A_1283 = tpu.vector_load %arg6[%get3A_1282] {strides = array<i32>} : memref<1024xi32, #tpu.memory_space<vmem>>, vector<16xi32>,
      %ge3A_1284 = vector.broadcast %bitcast_convert_type3A_1072 : i32 to vector<16xi32>
      %ge3A_1285 = arith.cmpi sge, %get3A_1283, %ge3A_1284 : vector<16xi32>
      %all_reduce_population_count3A_1286 = tpu.all_reduce %ge3A_1285 {dim = 0 : i64, kind = #tpu.reduction_kind<sum>} : vector<16xi1> -> vector<16xi32>
      %add3A_1287 = arith.addi %add3A_1281, %all_reduce_population_count3A_1286 : vector<16xi32>
      %get3A_1288 = arith.constant 576 : index
      %get3A_1289 = tpu.vector_load %arg6[%get3A_1288] {strides = array<i32>} : memref<1024xi32, #tpu.memory_space<vmem>>, vector<16xi32>,
      %ge3A_1290 = vector.broadcast %bitcast_convert_type3A_1072 : i32 to vector<16xi32>
      %ge3A_1291 = arith.cmpi sge, %get3A_1289, %ge3A_1290 : vector<16xi32>
      %all_reduce_population_count3A_1292 = tpu.all_reduce %ge3A_1291 {dim = 0 : i64, kind = #tpu.reduction_kind<sum>} : vector<16xi1> -> vector<16xi32>
      %add3A_1293 = arith.addi %add3A_1287, %all_reduce_population_count3A_1292 : vector<16xi32>
      %get3A_1294 = arith.constant 592 : index
      %get3A_1295 = tpu.vector_load %arg6[%get3A_1294] {strides = array<i32>} : memref<1024xi32, #tpu.memory_space<vmem>>, vector<16xi32>,
      %ge3A_1296 = vector.broadcast %bitcast_convert_type3A_1072 : i32 to vector<16xi32>
      %ge3A_1297 = arith.cmpi sge, %get3A_1295, %ge3A_1296 : vector<16xi32>
      %all_reduce_population_count3A_1298 = tpu.all_reduce %ge3A_1297 {dim = 0 : i64, kind = #tpu.reduction_kind<sum>} : vector<16xi1> -> vector<16xi32>
      %add3A_1299 = arith.addi %add3A_1293, %all_reduce_population_count3A_1298 : vector<16xi32>
      %get3A_1300 = arith.constant 608 : index
      %get3A_1301 = tpu.vector_load %arg6[%get3A_1300] {strides = array<i32>} : memref<1024xi32, #tpu.memory_space<vmem>>, vector<16xi32>,
      %ge3A_1302 = vector.broadcast %bitcast_convert_type3A_1072 : i32 to vector<16xi32>
      %ge3A_1303 = arith.cmpi sge, %get3A_1301, %ge3A_1302 : vector<16xi32>
      %all_reduce_population_count3A_1304 = tpu.all_reduce %ge3A_1303 {dim = 0 : i64, kind = #tpu.reduction_kind<sum>} : vector<16xi1> -> vector<16xi32>
      %add3A_1305 = arith.addi %add3A_1299, %all_reduce_population_count3A_1304 : vector<16xi32>
      %get3A_1306 = arith.constant 624 : index
      %get3A_1307 = tpu.vector_load %arg6[%get3A_1306] {strides = array<i32>} : memref<1024xi32, #tpu.memory_space<vmem>>, vector<16xi32>,
      %ge3A_1308 = vector.broadcast %bitcast_convert_type3A_1072 : i32 to vector<16xi32>
      %ge3A_1309 = arith.cmpi sge, %get3A_1307, %ge3A_1308 : vector<16xi32>
      %all_reduce_population_count3A_1310 = tpu.all_reduce %ge3A_1309 {dim = 0 : i64, kind = #tpu.reduction_kind<sum>} : vector<16xi1> -> vector<16xi32>
      %add3A_1311 = arith.addi %add3A_1305, %all_reduce_population_count3A_1310 : vector<16xi32>
      %get3A_1312 = arith.constant 640 : index
      %get3A_1313 = tpu.vector_load %arg6[%get3A_1312] {strides = array<i32>} : memref<1024xi32, #tpu.memory_space<vmem>>, vector<16xi32>,
      %ge3A_1314 = vector.broadcast %bitcast_convert_type3A_1072 : i32 to vector<16xi32>
      %ge3A_1315 = arith.cmpi sge, %get3A_1313, %ge3A_1314 : vector<16xi32>
      %all_reduce_population_count3A_1316 = tpu.all_reduce %ge3A_1315 {dim = 0 : i64, kind = #tpu.reduction_kind<sum>} : vector<16xi1> -> vector<16xi32>
      %add3A_1317 = arith.addi %add3A_1311, %all_reduce_population_count3A_1316 : vector<16xi32>
      %get3A_1318 = arith.constant 656 : index
      %get3A_1319 = tpu.vector_load %arg6[%get3A_1318] {strides = array<i32>} : memref<1024xi32, #tpu.memory_space<vmem>>, vector<16xi32>,
      %ge3A_1320 = vector.broadcast %bitcast_convert_type3A_1072 : i32 to vector<16xi32>
      %ge3A_1321 = arith.cmpi sge, %get3A_1319, %ge3A_1320 : vector<16xi32>
      %all_reduce_population_count3A_1322 = tpu.all_reduce %ge3A_1321 {dim = 0 : i64, kind = #tpu.reduction_kind<sum>} : vector<16xi1> -> vector<16xi32>
      %add3A_1323 = arith.addi %add3A_1317, %all_reduce_population_count3A_1322 : vector<16xi32>
      %get3A_1324 = arith.constant 672 : index
      %get3A_1325 = tpu.vector_load %arg6[%get3A_1324] {strides = array<i32>} : memref<1024xi32, #tpu.memory_space<vmem>>, vector<16xi32>,
      %ge3A_1326 = vector.broadcast %bitcast_convert_type3A_1072 : i32 to vector<16xi32>
      %ge3A_1327 = arith.cmpi sge, %get3A_1325, %ge3A_1326 : vector<16xi32>
      %all_reduce_population_count3A_1328 = tpu.all_reduce %ge3A_1327 {dim = 0 : i64, kind = #tpu.reduction_kind<sum>} : vector<16xi1> -> vector<16xi32>
      %add3A_1329 = arith.addi %add3A_1323, %all_reduce_population_count3A_1328 : vector<16xi32>
      %get3A_1330 = arith.constant 688 : index
      %get3A_1331 = tpu.vector_load %arg6[%get3A_1330] {strides = array<i32>} : memref<1024xi32, #tpu.memory_space<vmem>>, vector<16xi32>,
      %ge3A_1332 = vector.broadcast %bitcast_convert_type3A_1072 : i32 to vector<16xi32>
      %ge3A_1333 = arith.cmpi sge, %get3A_1331, %ge3A_1332 : vector<16xi32>
      %all_reduce_population_count3A_1334 = tpu.all_reduce %ge3A_1333 {dim = 0 : i64, kind = #tpu.reduction_kind<sum>} : vector<16xi1> -> vector<16xi32>
      %add3A_1335 = arith.addi %add3A_1329, %all_reduce_population_count3A_1334 : vector<16xi32>
      %get3A_1336 = arith.constant 704 : index
      %get3A_1337 = tpu.vector_load %arg6[%get3A_1336] {strides = array<i32>} : memref<1024xi32, #tpu.memory_space<vmem>>, vector<16xi32>,
      %ge3A_1338 = vector.broadcast %bitcast_convert_type3A_1072 : i32 to vector<16xi32>
      %ge3A_1339 = arith.cmpi sge, %get3A_1337, %ge3A_1338 : vector<16xi32>
      %all_reduce_population_count3A_1340 = tpu.all_reduce %ge3A_1339 {dim = 0 : i64, kind = #tpu.reduction_kind<sum>} : vector<16xi1> -> vector<16xi32>
      %add3A_1341 = arith.addi %add3A_1335, %all_reduce_population_count3A_1340 : vector<16xi32>
      %get3A_1342 = arith.constant 720 : index
      %get3A_1343 = tpu.vector_load %arg6[%get3A_1342] {strides = array<i32>} : memref<1024xi32, #tpu.memory_space<vmem>>, vector<16xi32>,
      %ge3A_1344 = vector.broadcast %bitcast_convert_type3A_1072 : i32 to vector<16xi32>
      %ge3A_1345 = arith.cmpi sge, %get3A_1343, %ge3A_1344 : vector<16xi32>
      %all_reduce_population_count3A_1346 = tpu.all_reduce %ge3A_1345 {dim = 0 : i64, kind = #tpu.reduction_kind<sum>} : vector<16xi1> -> vector<16xi32>
      %add3A_1347 = arith.addi %add3A_1341, %all_reduce_population_count3A_1346 : vector<16xi32>
      %get3A_1348 = arith.constant 736 : index
      %get3A_1349 = tpu.vector_load %arg6[%get3A_1348] {strides = array<i32>} : memref<1024xi32, #tpu.memory_space<vmem>>, vector<16xi32>,
      %ge3A_1350 = vector.broadcast %bitcast_convert_type3A_1072 : i32 to vector<16xi32>
      %ge3A_1351 = arith.cmpi sge, %get3A_1349, %ge3A_1350 : vector<16xi32>
      %all_reduce_population_count3A_1352 = tpu.all_reduce %ge3A_1351 {dim = 0 : i64, kind = #tpu.reduction_kind<sum>} : vector<16xi1> -> vector<16xi32>
      %add3A_1353 = arith.addi %add3A_1347, %all_reduce_population_count3A_1352 : vector<16xi32>
      %get3A_1354 = arith.constant 752 : index
      %get3A_1355 = tpu.vector_load %arg6[%get3A_1354] {strides = array<i32>} : memref<1024xi32, #tpu.memory_space<vmem>>, vector<16xi32>,
      %ge3A_1356 = vector.broadcast %bitcast_convert_type3A_1072 : i32 to vector<16xi32>
      %ge3A_1357 = arith.cmpi sge, %get3A_1355, %ge3A_1356 : vector<16xi32>
      %all_reduce_population_count3A_1358 = tpu.all_reduce %ge3A_1357 {dim = 0 : i64, kind = #tpu.reduction_kind<sum>} : vector<16xi1> -> vector<16xi32>
      %add3A_1359 = arith.addi %add3A_1353, %all_reduce_population_count3A_1358 : vector<16xi32>
      %get3A_1360 = arith.constant 768 : index
      %get3A_1361 = tpu.vector_load %arg6[%get3A_1360] {strides = array<i32>} : memref<1024xi32, #tpu.memory_space<vmem>>, vector<16xi32>,
      %ge3A_1362 = vector.broadcast %bitcast_convert_type3A_1072 : i32 to vector<16xi32>
      %ge3A_1363 = arith.cmpi sge, %get3A_1361, %ge3A_1362 : vector<16xi32>
      %all_reduce_population_count3A_1364 = tpu.all_reduce %ge3A_1363 {dim = 0 : i64, kind = #tpu.reduction_kind<sum>} : vector<16xi1> -> vector<16xi32>
      %add3A_1365 = arith.addi %add3A_1359, %all_reduce_population_count3A_1364 : vector<16xi32>
      %get3A_1366 = arith.constant 784 : index
      %get3A_1367 = tpu.vector_load %arg6[%get3A_1366] {strides = array<i32>} : memref<1024xi32, #tpu.memory_space<vmem>>, vector<16xi32>,
      %ge3A_1368 = vector.broadcast %bitcast_convert_type3A_1072 : i32 to vector<16xi32>
      %ge3A_1369 = arith.cmpi sge, %get3A_1367, %ge3A_1368 : vector<16xi32>
      %all_reduce_population_count3A_1370 = tpu.all_reduce %ge3A_1369 {dim = 0 : i64, kind = #tpu.reduction_kind<sum>} : vector<16xi1> -> vector<16xi32>
      %add3A_1371 = arith.addi %add3A_1365, %all_reduce_population_count3A_1370 : vector<16xi32>
      %get3A_1372 = arith.constant 800 : index
      %get3A_1373 = tpu.vector_load %arg6[%get3A_1372] {strides = array<i32>} : memref<1024xi32, #tpu.memory_space<vmem>>, vector<16xi32>,
      %ge3A_1374 = vector.broadcast %bitcast_convert_type3A_1072 : i32 to vector<16xi32>
      %ge3A_1375 = arith.cmpi sge, %get3A_1373, %ge3A_1374 : vector<16xi32>
      %all_reduce_population_count3A_1376 = tpu.all_reduce %ge3A_1375 {dim = 0 : i64, kind = #tpu.reduction_kind<sum>} : vector<16xi1> -> vector<16xi32>
      %add3A_1377 = arith.addi %add3A_1371, %all_reduce_population_count3A_1376 : vector<16xi32>
      %get3A_1378 = arith.constant 816 : index
      %get3A_1379 = tpu.vector_load %arg6[%get3A_1378] {strides = array<i32>} : memref<1024xi32, #tpu.memory_space<vmem>>, vector<16xi32>,
      %ge3A_1380 = vector.broadcast %bitcast_convert_type3A_1072 : i32 to vector<16xi32>
      %ge3A_1381 = arith.cmpi sge, %get3A_1379, %ge3A_1380 : vector<16xi32>
      %all_reduce_population_count3A_1382 = tpu.all_reduce %ge3A_1381 {dim = 0 : i64, kind = #tpu.reduction_kind<sum>} : vector<16xi1> -> vector<16xi32>
      %add3A_1383 = arith.addi %add3A_1377, %all_reduce_population_count3A_1382 : vector<16xi32>
      %get3A_1384 = arith.constant 832 : index
      %get3A_1385 = tpu.vector_load %arg6[%get3A_1384] {strides = array<i32>} : memref<1024xi32, #tpu.memory_space<vmem>>, vector<16xi32>,
      %ge3A_1386 = vector.broadcast %bitcast_convert_type3A_1072 : i32 to vector<16xi32>
      %ge3A_1387 = arith.cmpi sge, %get3A_1385, %ge3A_1386 : vector<16xi32>
      %all_reduce_population_count3A_1388 = tpu.all_reduce %ge3A_1387 {dim = 0 : i64, kind = #tpu.reduction_kind<sum>} : vector<16xi1> -> vector<16xi32>
      %add3A_1389 = arith.addi %add3A_1383, %all_reduce_population_count3A_1388 : vector<16xi32>
      %get3A_1390 = arith.constant 848 : index
      %get3A_1391 = tpu.vector_load %arg6[%get3A_1390] {strides = array<i32>} : memref<1024xi32, #tpu.memory_space<vmem>>, vector<16xi32>,
      %ge3A_1392 = vector.broadcast %bitcast_convert_type3A_1072 : i32 to vector<16xi32>
      %ge3A_1393 = arith.cmpi sge, %get3A_1391, %ge3A_1392 : vector<16xi32>
      %all_reduce_population_count3A_1394 = tpu.all_reduce %ge3A_1393 {dim = 0 : i64, kind = #tpu.reduction_kind<sum>} : vector<16xi1> -> vector<16xi32>
      %add3A_1395 = arith.addi %add3A_1389, %all_reduce_population_count3A_1394 : vector<16xi32>
      %get3A_1396 = arith.constant 864 : index
      %get3A_1397 = tpu.vector_load %arg6[%get3A_1396] {strides = array<i32>} : memref<1024xi32, #tpu.memory_space<vmem>>, vector<16xi32>,
      %ge3A_1398 = vector.broadcast %bitcast_convert_type3A_1072 : i32 to vector<16xi32>
      %ge3A_1399 = arith.cmpi sge, %get3A_1397, %ge3A_1398 : vector<16xi32>
      %all_reduce_population_count3A_1400 = tpu.all_reduce %ge3A_1399 {dim = 0 : i64, kind = #tpu.reduction_kind<sum>} : vector<16xi1> -> vector<16xi32>
      %add3A_1401 = arith.addi %add3A_1395, %all_reduce_population_count3A_1400 : vector<16xi32>
      %get3A_1402 = arith.constant 880 : index
      %get3A_1403 = tpu.vector_load %arg6[%get3A_1402] {strides = array<i32>} : memref<1024xi32, #tpu.memory_space<vmem>>, vector<16xi32>,
      %ge3A_1404 = vector.broadcast %bitcast_convert_type3A_1072 : i32 to vector<16xi32>
      %ge3A_1405 = arith.cmpi sge, %get3A_1403, %ge3A_1404 : vector<16xi32>
      %all_reduce_population_count3A_1406 = tpu.all_reduce %ge3A_1405 {dim = 0 : i64, kind = #tpu.reduction_kind<sum>} : vector<16xi1> -> vector<16xi32>
      %add3A_1407 = arith.addi %add3A_1401, %all_reduce_population_count3A_1406 : vector<16xi32>
      %get3A_1408 = arith.constant 896 : index
      %get3A_1409 = tpu.vector_load %arg6[%get3A_1408] {strides = array<i32>} : memref<1024xi32, #tpu.memory_space<vmem>>, vector<16xi32>,
      %ge3A_1410 = vector.broadcast %bitcast_convert_type3A_1072 : i32 to vector<16xi32>
      %ge3A_1411 = arith.cmpi sge, %get3A_1409, %ge3A_1410 : vector<16xi32>
      %all_reduce_population_count3A_1412 = tpu.all_reduce %ge3A_1411 {dim = 0 : i64, kind = #tpu.reduction_kind<sum>} : vector<16xi1> -> vector<16xi32>
      %add3A_1413 = arith.addi %add3A_1407, %all_reduce_population_count3A_1412 : vector<16xi32>
      %get3A_1414 = arith.constant 912 : index
      %get3A_1415 = tpu.vector_load %arg6[%get3A_1414] {strides = array<i32>} : memref<1024xi32, #tpu.memory_space<vmem>>, vector<16xi32>,
      %ge3A_1416 = vector.broadcast %bitcast_convert_type3A_1072 : i32 to vector<16xi32>
      %ge3A_1417 = arith.cmpi sge, %get3A_1415, %ge3A_1416 : vector<16xi32>
      %all_reduce_population_count3A_1418 = tpu.all_reduce %ge3A_1417 {dim = 0 : i64, kind = #tpu.reduction_kind<sum>} : vector<16xi1> -> vector<16xi32>
      %add3A_1419 = arith.addi %add3A_1413, %all_reduce_population_count3A_1418 : vector<16xi32>
      %get3A_1420 = arith.constant 928 : index
      %get3A_1421 = tpu.vector_load %arg6[%get3A_1420] {strides = array<i32>} : memref<1024xi32, #tpu.memory_space<vmem>>, vector<16xi32>,
      %ge3A_1422 = vector.broadcast %bitcast_convert_type3A_1072 : i32 to vector<16xi32>
      %ge3A_1423 = arith.cmpi sge, %get3A_1421, %ge3A_1422 : vector<16xi32>
      %all_reduce_population_count3A_1424 = tpu.all_reduce %ge3A_1423 {dim = 0 : i64, kind = #tpu.reduction_kind<sum>} : vector<16xi1> -> vector<16xi32>
      %add3A_1425 = arith.addi %add3A_1419, %all_reduce_population_count3A_1424 : vector<16xi32>
      %get3A_1426 = arith.constant 944 : index
      %get3A_1427 = tpu.vector_load %arg6[%get3A_1426] {strides = array<i32>} : memref<1024xi32, #tpu.memory_space<vmem>>, vector<16xi32>,
      %ge3A_1428 = vector.broadcast %bitcast_convert_type3A_1072 : i32 to vector<16xi32>
      %ge3A_1429 = arith.cmpi sge, %get3A_1427, %ge3A_1428 : vector<16xi32>
      %all_reduce_population_count3A_1430 = tpu.all_reduce %ge3A_1429 {dim = 0 : i64, kind = #tpu.reduction_kind<sum>} : vector<16xi1> -> vector<16xi32>
      %add3A_1431 = arith.addi %add3A_1425, %all_reduce_population_count3A_1430 : vector<16xi32>
      %get3A_1432 = arith.constant 960 : index
      %get3A_1433 = tpu.vector_load %arg6[%get3A_1432] {strides = array<i32>} : memref<1024xi32, #tpu.memory_space<vmem>>, vector<16xi32>,
      %ge3A_1434 = vector.broadcast %bitcast_convert_type3A_1072 : i32 to vector<16xi32>
      %ge3A_1435 = arith.cmpi sge, %get3A_1433, %ge3A_1434 : vector<16xi32>
      %all_reduce_population_count3A_1436 = tpu.all_reduce %ge3A_1435 {dim = 0 : i64, kind = #tpu.reduction_kind<sum>} : vector<16xi1> -> vector<16xi32>
      %add3A_1437 = arith.addi %add3A_1431, %all_reduce_population_count3A_1436 : vector<16xi32>
      %get3A_1438 = arith.constant 976 : index
      %get3A_1439 = tpu.vector_load %arg6[%get3A_1438] {strides = array<i32>} : memref<1024xi32, #tpu.memory_space<vmem>>, vector<16xi32>,
      %ge3A_1440 = vector.broadcast %bitcast_convert_type3A_1072 : i32 to vector<16xi32>
      %ge3A_1441 = arith.cmpi sge, %get3A_1439, %ge3A_1440 : vector<16xi32>
      %all_reduce_population_count3A_1442 = tpu.all_reduce %ge3A_1441 {dim = 0 : i64, kind = #tpu.reduction_kind<sum>} : vector<16xi1> -> vector<16xi32>
      %add3A_1443 = arith.addi %add3A_1437, %all_reduce_population_count3A_1442 : vector<16xi32>
      %get3A_1444 = arith.constant 992 : index
      %get3A_1445 = tpu.vector_load %arg6[%get3A_1444] {strides = array<i32>} : memref<1024xi32, #tpu.memory_space<vmem>>, vector<16xi32>,
      %ge3A_1446 = vector.broadcast %bitcast_convert_type3A_1072 : i32 to vector<16xi32>
      %ge3A_1447 = arith.cmpi sge, %get3A_1445, %ge3A_1446 : vector<16xi32>
      %all_reduce_population_count3A_1448 = tpu.all_reduce %ge3A_1447 {dim = 0 : i64, kind = #tpu.reduction_kind<sum>} : vector<16xi1> -> vector<16xi32>
      %add3A_1449 = arith.addi %add3A_1443, %all_reduce_population_count3A_1448 : vector<16xi32>
      %get3A_1450 = arith.constant 1008 : index
      %get3A_1451 = tpu.vector_load %arg6[%get3A_1450] {strides = array<i32>} : memref<1024xi32, #tpu.memory_space<vmem>>, vector<16xi32>,
      %ge3A_1452 = vector.broadcast %bitcast_convert_type3A_1072 : i32 to vector<16xi32>
      %ge3A_1453 = arith.cmpi sge, %get3A_1451, %ge3A_1452 : vector<16xi32>
      %all_reduce_population_count3A_1454 = tpu.all_reduce %ge3A_1453 {dim = 0 : i64, kind = #tpu.reduction_kind<sum>} : vector<16xi1> -> vector<16xi32>
      %add3A_1455 = arith.addi %add3A_1449, %all_reduce_population_count3A_1454 : vector<16xi32>
      %convert_element_type3A_1456 = arith.sitofp %add3A_1455 : vector<16xi32> to vector<16xf32>
      %xor3A_1457 = arith.constant -2147483648 : i32
      %xor3A_1458 = arith.xori %or3A_683, %xor3A_1457 : i32
      %bitcast_convert_type3A_1459 = arith.bitcast %xor3A_1458 : i32 to i32
      %get3A_1460 = arith.constant 0 : index
      %get3A_1461 = tpu.vector_load %arg6[%get3A_1460] {strides = array<i32>} : memref<1024xi32, #tpu.memory_space<vmem>>, vector<16xi32>,
      %ge3A_1462 = vector.broadcast %bitcast_convert_type3A_1459 : i32 to vector<16xi32>
      %ge3A_1463 = arith.cmpi sge, %get3A_1461, %ge3A_1462 : vector<16xi32>
      %all_reduce_population_count3A_1464 = tpu.all_reduce %ge3A_1463 {dim = 0 : i64, kind = #tpu.reduction_kind<sum>} : vector<16xi1> -> vector<16xi32>
      %get3A_1465 = arith.constant 16 : index
      %get3A_1466 = tpu.vector_load %arg6[%get3A_1465] {strides = array<i32>} : memref<1024xi32, #tpu.memory_space<vmem>>, vector<16xi32>,
      %ge3A_1467 = vector.broadcast %bitcast_convert_type3A_1459 : i32 to vector<16xi32>
      %ge3A_1468 = arith.cmpi sge, %get3A_1466, %ge3A_1467 : vector<16xi32>
      %all_reduce_population_count3A_1469 = tpu.all_reduce %ge3A_1468 {dim = 0 : i64, kind = #tpu.reduction_kind<sum>} : vector<16xi1> -> vector<16xi32>
      %add3A_1470 = arith.addi %all_reduce_population_count3A_1464, %all_reduce_population_count3A_1469 : vector<16xi32>
      %get3A_1471 = arith.constant 32 : index
      %get3A_1472 = tpu.vector_load %arg6[%get3A_1471] {strides = array<i32>} : memref<1024xi32, #tpu.memory_space<vmem>>, vector<16xi32>,
      %ge3A_1473 = vector.broadcast %bitcast_convert_type3A_1459 : i32 to vector<16xi32>
      %ge3A_1474 = arith.cmpi sge, %get3A_1472, %ge3A_1473 : vector<16xi32>
      %all_reduce_population_count3A_1475 = tpu.all_reduce %ge3A_1474 {dim = 0 : i64, kind = #tpu.reduction_kind<sum>} : vector<16xi1> -> vector<16xi32>
      %add3A_1476 = arith.addi %add3A_1470, %all_reduce_population_count3A_1475 : vector<16xi32>
      %get3A_1477 = arith.constant 48 : index
      %get3A_1478 = tpu.vector_load %arg6[%get3A_1477] {strides = array<i32>} : memref<1024xi32, #tpu.memory_space<vmem>>, vector<16xi32>,
      %ge3A_1479 = vector.broadcast %bitcast_convert_type3A_1459 : i32 to vector<16xi32>
      %ge3A_1480 = arith.cmpi sge, %get3A_1478, %ge3A_1479 : vector<16xi32>
      %all_reduce_population_count3A_1481 = tpu.all_reduce %ge3A_1480 {dim = 0 : i64, kind = #tpu.reduction_kind<sum>} : vector<16xi1> -> vector<16xi32>
      %add3A_1482 = arith.addi %add3A_1476, %all_reduce_population_count3A_1481 : vector<16xi32>
      %get3A_1483 = arith.constant 64 : index
      %get3A_1484 = tpu.vector_load %arg6[%get3A_1483] {strides = array<i32>} : memref<1024xi32, #tpu.memory_space<vmem>>, vector<16xi32>,
      %ge3A_1485 = vector.broadcast %bitcast_convert_type3A_1459 : i32 to vector<16xi32>
      %ge3A_1486 = arith.cmpi sge, %get3A_1484, %ge3A_1485 : vector<16xi32>
      %all_reduce_population_count3A_1487 = tpu.all_reduce %ge3A_1486 {dim = 0 : i64, kind = #tpu.reduction_kind<sum>} : vector<16xi1> -> vector<16xi32>
      %add3A_1488 = arith.addi %add3A_1482, %all_reduce_population_count3A_1487 : vector<16xi32>
      %get3A_1489 = arith.constant 80 : index
      %get3A_1490 = tpu.vector_load %arg6[%get3A_1489] {strides = array<i32>} : memref<1024xi32, #tpu.memory_space<vmem>>, vector<16xi32>,
      %ge3A_1491 = vector.broadcast %bitcast_convert_type3A_1459 : i32 to vector<16xi32>
      %ge3A_1492 = arith.cmpi sge, %get3A_1490, %ge3A_1491 : vector<16xi32>
      %all_reduce_population_count3A_1493 = tpu.all_reduce %ge3A_1492 {dim = 0 : i64, kind = #tpu.reduction_kind<sum>} : vector<16xi1> -> vector<16xi32>
      %add3A_1494 = arith.addi %add3A_1488, %all_reduce_population_count3A_1493 : vector<16xi32>
      %get3A_1495 = arith.constant 96 : index
      %get3A_1496 = tpu.vector_load %arg6[%get3A_1495] {strides = array<i32>} : memref<1024xi32, #tpu.memory_space<vmem>>, vector<16xi32>,
      %ge3A_1497 = vector.broadcast %bitcast_convert_type3A_1459 : i32 to vector<16xi32>
      %ge3A_1498 = arith.cmpi sge, %get3A_1496, %ge3A_1497 : vector<16xi32>
      %all_reduce_population_count3A_1499 = tpu.all_reduce %ge3A_1498 {dim = 0 : i64, kind = #tpu.reduction_kind<sum>} : vector<16xi1> -> vector<16xi32>
      %add3A_1500 = arith.addi %add3A_1494, %all_reduce_population_count3A_1499 : vector<16xi32>
      %get3A_1501 = arith.constant 112 : index
      %get3A_1502 = tpu.vector_load %arg6[%get3A_1501] {strides = array<i32>} : memref<1024xi32, #tpu.memory_space<vmem>>, vector<16xi32>,
      %ge3A_1503 = vector.broadcast %bitcast_convert_type3A_1459 : i32 to vector<16xi32>
      %ge3A_1504 = arith.cmpi sge, %get3A_1502, %ge3A_1503 : vector<16xi32>
      %all_reduce_population_count3A_1505 = tpu.all_reduce %ge3A_1504 {dim = 0 : i64, kind = #tpu.reduction_kind<sum>} : vector<16xi1> -> vector<16xi32>
      %add3A_1506 = arith.addi %add3A_1500, %all_reduce_population_count3A_1505 : vector<16xi32>
      %get3A_1507 = arith.constant 128 : index
      %get3A_1508 = tpu.vector_load %arg6[%get3A_1507] {strides = array<i32>} : memref<1024xi32, #tpu.memory_space<vmem>>, vector<16xi32>,
      %ge3A_1509 = vector.broadcast %bitcast_convert_type3A_1459 : i32 to vector<16xi32>
      %ge3A_1510 = arith.cmpi sge, %get3A_1508, %ge3A_1509 : vector<16xi32>
      %all_reduce_population_count3A_1511 = tpu.all_reduce %ge3A_1510 {dim = 0 : i64, kind = #tpu.reduction_kind<sum>} : vector<16xi1> -> vector<16xi32>
      %add3A_1512 = arith.addi %add3A_1506, %all_reduce_population_count3A_1511 : vector<16xi32>
      %get3A_1513 = arith.constant 144 : index
      %get3A_1514 = tpu.vector_load %arg6[%get3A_1513] {strides = array<i32>} : memref<1024xi32, #tpu.memory_space<vmem>>, vector<16xi32>,
      %ge3A_1515 = vector.broadcast %bitcast_convert_type3A_1459 : i32 to vector<16xi32>
      %ge3A_1516 = arith.cmpi sge, %get3A_1514, %ge3A_1515 : vector<16xi32>
      %all_reduce_population_count3A_1517 = tpu.all_reduce %ge3A_1516 {dim = 0 : i64, kind = #tpu.reduction_kind<sum>} : vector<16xi1> -> vector<16xi32>
      %add3A_1518 = arith.addi %add3A_1512, %all_reduce_population_count3A_1517 : vector<16xi32>
      %get3A_1519 = arith.constant 160 : index
      %get3A_1520 = tpu.vector_load %arg6[%get3A_1519] {strides = array<i32>} : memref<1024xi32, #tpu.memory_space<vmem>>, vector<16xi32>,
      %ge3A_1521 = vector.broadcast %bitcast_convert_type3A_1459 : i32 to vector<16xi32>
      %ge3A_1522 = arith.cmpi sge, %get3A_1520, %ge3A_1521 : vector<16xi32>
      %all_reduce_population_count3A_1523 = tpu.all_reduce %ge3A_1522 {dim = 0 : i64, kind = #tpu.reduction_kind<sum>} : vector<16xi1> -> vector<16xi32>
      %add3A_1524 = arith.addi %add3A_1518, %all_reduce_population_count3A_1523 : vector<16xi32>
      %get3A_1525 = arith.constant 176 : index
      %get3A_1526 = tpu.vector_load %arg6[%get3A_1525] {strides = array<i32>} : memref<1024xi32, #tpu.memory_space<vmem>>, vector<16xi32>,
      %ge3A_1527 = vector.broadcast %bitcast_convert_type3A_1459 : i32 to vector<16xi32>
      %ge3A_1528 = arith.cmpi sge, %get3A_1526, %ge3A_1527 : vector<16xi32>
      %all_reduce_population_count3A_1529 = tpu.all_reduce %ge3A_1528 {dim = 0 : i64, kind = #tpu.reduction_kind<sum>} : vector<16xi1> -> vector<16xi32>
      %add3A_1530 = arith.addi %add3A_1524, %all_reduce_population_count3A_1529 : vector<16xi32>
      %get3A_1531 = arith.constant 192 : index
      %get3A_1532 = tpu.vector_load %arg6[%get3A_1531] {strides = array<i32>} : memref<1024xi32, #tpu.memory_space<vmem>>, vector<16xi32>,
      %ge3A_1533 = vector.broadcast %bitcast_convert_type3A_1459 : i32 to vector<16xi32>
      %ge3A_1534 = arith.cmpi sge, %get3A_1532, %ge3A_1533 : vector<16xi32>
      %all_reduce_population_count3A_1535 = tpu.all_reduce %ge3A_1534 {dim = 0 : i64, kind = #tpu.reduction_kind<sum>} : vector<16xi1> -> vector<16xi32>
      %add3A_1536 = arith.addi %add3A_1530, %all_reduce_population_count3A_1535 : vector<16xi32>
      %get3A_1537 = arith.constant 208 : index
      %get3A_1538 = tpu.vector_load %arg6[%get3A_1537] {strides = array<i32>} : memref<1024xi32, #tpu.memory_space<vmem>>, vector<16xi32>,
      %ge3A_1539 = vector.broadcast %bitcast_convert_type3A_1459 : i32 to vector<16xi32>
      %ge3A_1540 = arith.cmpi sge, %get3A_1538, %ge3A_1539 : vector<16xi32>
      %all_reduce_population_count3A_1541 = tpu.all_reduce %ge3A_1540 {dim = 0 : i64, kind = #tpu.reduction_kind<sum>} : vector<16xi1> -> vector<16xi32>
      %add3A_1542 = arith.addi %add3A_1536, %all_reduce_population_count3A_1541 : vector<16xi32>
      %get3A_1543 = arith.constant 224 : index
      %get3A_1544 = tpu.vector_load %arg6[%get3A_1543] {strides = array<i32>} : memref<1024xi32, #tpu.memory_space<vmem>>, vector<16xi32>,
      %ge3A_1545 = vector.broadcast %bitcast_convert_type3A_1459 : i32 to vector<16xi32>
      %ge3A_1546 = arith.cmpi sge, %get3A_1544, %ge3A_1545 : vector<16xi32>
      %all_reduce_population_count3A_1547 = tpu.all_reduce %ge3A_1546 {dim = 0 : i64, kind = #tpu.reduction_kind<sum>} : vector<16xi1> -> vector<16xi32>
      %add3A_1548 = arith.addi %add3A_1542, %all_reduce_population_count3A_1547 : vector<16xi32>
      %get3A_1549 = arith.constant 240 : index
      %get3A_1550 = tpu.vector_load %arg6[%get3A_1549] {strides = array<i32>} : memref<1024xi32, #tpu.memory_space<vmem>>, vector<16xi32>,
      %ge3A_1551 = vector.broadcast %bitcast_convert_type3A_1459 : i32 to vector<16xi32>
      %ge3A_1552 = arith.cmpi sge, %get3A_1550, %ge3A_1551 : vector<16xi32>
      %all_reduce_population_count3A_1553 = tpu.all_reduce %ge3A_1552 {dim = 0 : i64, kind = #tpu.reduction_kind<sum>} : vector<16xi1> -> vector<16xi32>
      %add3A_1554 = arith.addi %add3A_1548, %all_reduce_population_count3A_1553 : vector<16xi32>
      %get3A_1555 = arith.constant 256 : index
      %get3A_1556 = tpu.vector_load %arg6[%get3A_1555] {strides = array<i32>} : memref<1024xi32, #tpu.memory_space<vmem>>, vector<16xi32>,
      %ge3A_1557 = vector.broadcast %bitcast_convert_type3A_1459 : i32 to vector<16xi32>
      %ge3A_1558 = arith.cmpi sge, %get3A_1556, %ge3A_1557 : vector<16xi32>
      %all_reduce_population_count3A_1559 = tpu.all_reduce %ge3A_1558 {dim = 0 : i64, kind = #tpu.reduction_kind<sum>} : vector<16xi1> -> vector<16xi32>
      %add3A_1560 = arith.addi %add3A_1554, %all_reduce_population_count3A_1559 : vector<16xi32>
      %get3A_1561 = arith.constant 272 : index
      %get3A_1562 = tpu.vector_load %arg6[%get3A_1561] {strides = array<i32>} : memref<1024xi32, #tpu.memory_space<vmem>>, vector<16xi32>,
      %ge3A_1563 = vector.broadcast %bitcast_convert_type3A_1459 : i32 to vector<16xi32>
      %ge3A_1564 = arith.cmpi sge, %get3A_1562, %ge3A_1563 : vector<16xi32>
      %all_reduce_population_count3A_1565 = tpu.all_reduce %ge3A_1564 {dim = 0 : i64, kind = #tpu.reduction_kind<sum>} : vector<16xi1> -> vector<16xi32>
      %add3A_1566 = arith.addi %add3A_1560, %all_reduce_population_count3A_1565 : vector<16xi32>
      %get3A_1567 = arith.constant 288 : index
      %get3A_1568 = tpu.vector_load %arg6[%get3A_1567] {strides = array<i32>} : memref<1024xi32, #tpu.memory_space<vmem>>, vector<16xi32>,
      %ge3A_1569 = vector.broadcast %bitcast_convert_type3A_1459 : i32 to vector<16xi32>
      %ge3A_1570 = arith.cmpi sge, %get3A_1568, %ge3A_1569 : vector<16xi32>
      %all_reduce_population_count3A_1571 = tpu.all_reduce %ge3A_1570 {dim = 0 : i64, kind = #tpu.reduction_kind<sum>} : vector<16xi1> -> vector<16xi32>
      %add3A_1572 = arith.addi %add3A_1566, %all_reduce_population_count3A_1571 : vector<16xi32>
      %get3A_1573 = arith.constant 304 : index
      %get3A_1574 = tpu.vector_load %arg6[%get3A_1573] {strides = array<i32>} : memref<1024xi32, #tpu.memory_space<vmem>>, vector<16xi32>,
      %ge3A_1575 = vector.broadcast %bitcast_convert_type3A_1459 : i32 to vector<16xi32>
      %ge3A_1576 = arith.cmpi sge, %get3A_1574, %ge3A_1575 : vector<16xi32>
      %all_reduce_population_count3A_1577 = tpu.all_reduce %ge3A_1576 {dim = 0 : i64, kind = #tpu.reduction_kind<sum>} : vector<16xi1> -> vector<16xi32>
      %add3A_1578 = arith.addi %add3A_1572, %all_reduce_population_count3A_1577 : vector<16xi32>
      %get3A_1579 = arith.constant 320 : index
      %get3A_1580 = tpu.vector_load %arg6[%get3A_1579] {strides = array<i32>} : memref<1024xi32, #tpu.memory_space<vmem>>, vector<16xi32>,
      %ge3A_1581 = vector.broadcast %bitcast_convert_type3A_1459 : i32 to vector<16xi32>
      %ge3A_1582 = arith.cmpi sge, %get3A_1580, %ge3A_1581 : vector<16xi32>
      %all_reduce_population_count3A_1583 = tpu.all_reduce %ge3A_1582 {dim = 0 : i64, kind = #tpu.reduction_kind<sum>} : vector<16xi1> -> vector<16xi32>
      %add3A_1584 = arith.addi %add3A_1578, %all_reduce_population_count3A_1583 : vector<16xi32>
      %get3A_1585 = arith.constant 336 : index
      %get3A_1586 = tpu.vector_load %arg6[%get3A_1585] {strides = array<i32>} : memref<1024xi32, #tpu.memory_space<vmem>>, vector<16xi32>,
      %ge3A_1587 = vector.broadcast %bitcast_convert_type3A_1459 : i32 to vector<16xi32>
      %ge3A_1588 = arith.cmpi sge, %get3A_1586, %ge3A_1587 : vector<16xi32>
      %all_reduce_population_count3A_1589 = tpu.all_reduce %ge3A_1588 {dim = 0 : i64, kind = #tpu.reduction_kind<sum>} : vector<16xi1> -> vector<16xi32>
      %add3A_1590 = arith.addi %add3A_1584, %all_reduce_population_count3A_1589 : vector<16xi32>
      %get3A_1591 = arith.constant 352 : index
      %get3A_1592 = tpu.vector_load %arg6[%get3A_1591] {strides = array<i32>} : memref<1024xi32, #tpu.memory_space<vmem>>, vector<16xi32>,
      %ge3A_1593 = vector.broadcast %bitcast_convert_type3A_1459 : i32 to vector<16xi32>
      %ge3A_1594 = arith.cmpi sge, %get3A_1592, %ge3A_1593 : vector<16xi32>
      %all_reduce_population_count3A_1595 = tpu.all_reduce %ge3A_1594 {dim = 0 : i64, kind = #tpu.reduction_kind<sum>} : vector<16xi1> -> vector<16xi32>
      %add3A_1596 = arith.addi %add3A_1590, %all_reduce_population_count3A_1595 : vector<16xi32>
      %get3A_1597 = arith.constant 368 : index
      %get3A_1598 = tpu.vector_load %arg6[%get3A_1597] {strides = array<i32>} : memref<1024xi32, #tpu.memory_space<vmem>>, vector<16xi32>,
      %ge3A_1599 = vector.broadcast %bitcast_convert_type3A_1459 : i32 to vector<16xi32>
      %ge3A_1600 = arith.cmpi sge, %get3A_1598, %ge3A_1599 : vector<16xi32>
      %all_reduce_population_count3A_1601 = tpu.all_reduce %ge3A_1600 {dim = 0 : i64, kind = #tpu.reduction_kind<sum>} : vector<16xi1> -> vector<16xi32>
      %add3A_1602 = arith.addi %add3A_1596, %all_reduce_population_count3A_1601 : vector<16xi32>
      %get3A_1603 = arith.constant 384 : index
      %get3A_1604 = tpu.vector_load %arg6[%get3A_1603] {strides = array<i32>} : memref<1024xi32, #tpu.memory_space<vmem>>, vector<16xi32>,
      %ge3A_1605 = vector.broadcast %bitcast_convert_type3A_1459 : i32 to vector<16xi32>
      %ge3A_1606 = arith.cmpi sge, %get3A_1604, %ge3A_1605 : vector<16xi32>
      %all_reduce_population_count3A_1607 = tpu.all_reduce %ge3A_1606 {dim = 0 : i64, kind = #tpu.reduction_kind<sum>} : vector<16xi1> -> vector<16xi32>
      %add3A_1608 = arith.addi %add3A_1602, %all_reduce_population_count3A_1607 : vector<16xi32>
      %get3A_1609 = arith.constant 400 : index
      %get3A_1610 = tpu.vector_load %arg6[%get3A_1609] {strides = array<i32>} : memref<1024xi32, #tpu.memory_space<vmem>>, vector<16xi32>,
      %ge3A_1611 = vector.broadcast %bitcast_convert_type3A_1459 : i32 to vector<16xi32>
      %ge3A_1612 = arith.cmpi sge, %get3A_1610, %ge3A_1611 : vector<16xi32>
      %all_reduce_population_count3A_1613 = tpu.all_reduce %ge3A_1612 {dim = 0 : i64, kind = #tpu.reduction_kind<sum>} : vector<16xi1> -> vector<16xi32>
      %add3A_1614 = arith.addi %add3A_1608, %all_reduce_population_count3A_1613 : vector<16xi32>
      %get3A_1615 = arith.constant 416 : index
      %get3A_1616 = tpu.vector_load %arg6[%get3A_1615] {strides = array<i32>} : memref<1024xi32, #tpu.memory_space<vmem>>, vector<16xi32>,
      %ge3A_1617 = vector.broadcast %bitcast_convert_type3A_1459 : i32 to vector<16xi32>
      %ge3A_1618 = arith.cmpi sge, %get3A_1616, %ge3A_1617 : vector<16xi32>
      %all_reduce_population_count3A_1619 = tpu.all_reduce %ge3A_1618 {dim = 0 : i64, kind = #tpu.reduction_kind<sum>} : vector<16xi1> -> vector<16xi32>
      %add3A_1620 = arith.addi %add3A_1614, %all_reduce_population_count3A_1619 : vector<16xi32>
      %get3A_1621 = arith.constant 432 : index
      %get3A_1622 = tpu.vector_load %arg6[%get3A_1621] {strides = array<i32>} : memref<1024xi32, #tpu.memory_space<vmem>>, vector<16xi32>,
      %ge3A_1623 = vector.broadcast %bitcast_convert_type3A_1459 : i32 to vector<16xi32>
      %ge3A_1624 = arith.cmpi sge, %get3A_1622, %ge3A_1623 : vector<16xi32>
      %all_reduce_population_count3A_1625 = tpu.all_reduce %ge3A_1624 {dim = 0 : i64, kind = #tpu.reduction_kind<sum>} : vector<16xi1> -> vector<16xi32>
      %add3A_1626 = arith.addi %add3A_1620, %all_reduce_population_count3A_1625 : vector<16xi32>
      %get3A_1627 = arith.constant 448 : index
      %get3A_1628 = tpu.vector_load %arg6[%get3A_1627] {strides = array<i32>} : memref<1024xi32, #tpu.memory_space<vmem>>, vector<16xi32>,
      %ge3A_1629 = vector.broadcast %bitcast_convert_type3A_1459 : i32 to vector<16xi32>
      %ge3A_1630 = arith.cmpi sge, %get3A_1628, %ge3A_1629 : vector<16xi32>
      %all_reduce_population_count3A_1631 = tpu.all_reduce %ge3A_1630 {dim = 0 : i64, kind = #tpu.reduction_kind<sum>} : vector<16xi1> -> vector<16xi32>
      %add3A_1632 = arith.addi %add3A_1626, %all_reduce_population_count3A_1631 : vector<16xi32>
      %get3A_1633 = arith.constant 464 : index
      %get3A_1634 = tpu.vector_load %arg6[%get3A_1633] {strides = array<i32>} : memref<1024xi32, #tpu.memory_space<vmem>>, vector<16xi32>,
      %ge3A_1635 = vector.broadcast %bitcast_convert_type3A_1459 : i32 to vector<16xi32>
      %ge3A_1636 = arith.cmpi sge, %get3A_1634, %ge3A_1635 : vector<16xi32>
      %all_reduce_population_count3A_1637 = tpu.all_reduce %ge3A_1636 {dim = 0 : i64, kind = #tpu.reduction_kind<sum>} : vector<16xi1> -> vector<16xi32>
      %add3A_1638 = arith.addi %add3A_1632, %all_reduce_population_count3A_1637 : vector<16xi32>
      %get3A_1639 = arith.constant 480 : index
      %get3A_1640 = tpu.vector_load %arg6[%get3A_1639] {strides = array<i32>} : memref<1024xi32, #tpu.memory_space<vmem>>, vector<16xi32>,
      %ge3A_1641 = vector.broadcast %bitcast_convert_type3A_1459 : i32 to vector<16xi32>
      %ge3A_1642 = arith.cmpi sge, %get3A_1640, %ge3A_1641 : vector<16xi32>
      %all_reduce_population_count3A_1643 = tpu.all_reduce %ge3A_1642 {dim = 0 : i64, kind = #tpu.reduction_kind<sum>} : vector<16xi1> -> vector<16xi32>
      %add3A_1644 = arith.addi %add3A_1638, %all_reduce_population_count3A_1643 : vector<16xi32>
      %get3A_1645 = arith.constant 496 : index
      %get3A_1646 = tpu.vector_load %arg6[%get3A_1645] {strides = array<i32>} : memref<1024xi32, #tpu.memory_space<vmem>>, vector<16xi32>,
      %ge3A_1647 = vector.broadcast %bitcast_convert_type3A_1459 : i32 to vector<16xi32>
      %ge3A_1648 = arith.cmpi sge, %get3A_1646, %ge3A_1647 : vector<16xi32>
      %all_reduce_population_count3A_1649 = tpu.all_reduce %ge3A_1648 {dim = 0 : i64, kind = #tpu.reduction_kind<sum>} : vector<16xi1> -> vector<16xi32>
      %add3A_1650 = arith.addi %add3A_1644, %all_reduce_population_count3A_1649 : vector<16xi32>
      %get3A_1651 = arith.constant 512 : index
      %get3A_1652 = tpu.vector_load %arg6[%get3A_1651] {strides = array<i32>} : memref<1024xi32, #tpu.memory_space<vmem>>, vector<16xi32>,
      %ge3A_1653 = vector.broadcast %bitcast_convert_type3A_1459 : i32 to vector<16xi32>
      %ge3A_1654 = arith.cmpi sge, %get3A_1652, %ge3A_1653 : vector<16xi32>
      %all_reduce_population_count3A_1655 = tpu.all_reduce %ge3A_1654 {dim = 0 : i64, kind = #tpu.reduction_kind<sum>} : vector<16xi1> -> vector<16xi32>
      %add3A_1656 = arith.addi %add3A_1650, %all_reduce_population_count3A_1655 : vector<16xi32>
      %get3A_1657 = arith.constant 528 : index
      %get3A_1658 = tpu.vector_load %arg6[%get3A_1657] {strides = array<i32>} : memref<1024xi32, #tpu.memory_space<vmem>>, vector<16xi32>,
      %ge3A_1659 = vector.broadcast %bitcast_convert_type3A_1459 : i32 to vector<16xi32>
      %ge3A_1660 = arith.cmpi sge, %get3A_1658, %ge3A_1659 : vector<16xi32>
      %all_reduce_population_count3A_1661 = tpu.all_reduce %ge3A_1660 {dim = 0 : i64, kind = #tpu.reduction_kind<sum>} : vector<16xi1> -> vector<16xi32>
      %add3A_1662 = arith.addi %add3A_1656, %all_reduce_population_count3A_1661 : vector<16xi32>
      %get3A_1663 = arith.constant 544 : index
      %get3A_1664 = tpu.vector_load %arg6[%get3A_1663] {strides = array<i32>} : memref<1024xi32, #tpu.memory_space<vmem>>, vector<16xi32>,
      %ge3A_1665 = vector.broadcast %bitcast_convert_type3A_1459 : i32 to vector<16xi32>
      %ge3A_1666 = arith.cmpi sge, %get3A_1664, %ge3A_1665 : vector<16xi32>
      %all_reduce_population_count3A_1667 = tpu.all_reduce %ge3A_1666 {dim = 0 : i64, kind = #tpu.reduction_kind<sum>} : vector<16xi1> -> vector<16xi32>
      %add3A_1668 = arith.addi %add3A_1662, %all_reduce_population_count3A_1667 : vector<16xi32>
      %get3A_1669 = arith.constant 560 : index
      %get3A_1670 = tpu.vector_load %arg6[%get3A_1669] {strides = array<i32>} : memref<1024xi32, #tpu.memory_space<vmem>>, vector<16xi32>,
      %ge3A_1671 = vector.broadcast %bitcast_convert_type3A_1459 : i32 to vector<16xi32>
      %ge3A_1672 = arith.cmpi sge, %get3A_1670, %ge3A_1671 : vector<16xi32>
      %all_reduce_population_count3A_1673 = tpu.all_reduce %ge3A_1672 {dim = 0 : i64, kind = #tpu.reduction_kind<sum>} : vector<16xi1> -> vector<16xi32>
      %add3A_1674 = arith.addi %add3A_1668, %all_reduce_population_count3A_1673 : vector<16xi32>
      %get3A_1675 = arith.constant 576 : index
      %get3A_1676 = tpu.vector_load %arg6[%get3A_1675] {strides = array<i32>} : memref<1024xi32, #tpu.memory_space<vmem>>, vector<16xi32>,
      %ge3A_1677 = vector.broadcast %bitcast_convert_type3A_1459 : i32 to vector<16xi32>
      %ge3A_1678 = arith.cmpi sge, %get3A_1676, %ge3A_1677 : vector<16xi32>
      %all_reduce_population_count3A_1679 = tpu.all_reduce %ge3A_1678 {dim = 0 : i64, kind = #tpu.reduction_kind<sum>} : vector<16xi1> -> vector<16xi32>
      %add3A_1680 = arith.addi %add3A_1674, %all_reduce_population_count3A_1679 : vector<16xi32>
      %get3A_1681 = arith.constant 592 : index
      %get3A_1682 = tpu.vector_load %arg6[%get3A_1681] {strides = array<i32>} : memref<1024xi32, #tpu.memory_space<vmem>>, vector<16xi32>,
      %ge3A_1683 = vector.broadcast %bitcast_convert_type3A_1459 : i32 to vector<16xi32>
      %ge3A_1684 = arith.cmpi sge, %get3A_1682, %ge3A_1683 : vector<16xi32>
      %all_reduce_population_count3A_1685 = tpu.all_reduce %ge3A_1684 {dim = 0 : i64, kind = #tpu.reduction_kind<sum>} : vector<16xi1> -> vector<16xi32>
      %add3A_1686 = arith.addi %add3A_1680, %all_reduce_population_count3A_1685 : vector<16xi32>
      %get3A_1687 = arith.constant 608 : index
      %get3A_1688 = tpu.vector_load %arg6[%get3A_1687] {strides = array<i32>} : memref<1024xi32, #tpu.memory_space<vmem>>, vector<16xi32>,
      %ge3A_1689 = vector.broadcast %bitcast_convert_type3A_1459 : i32 to vector<16xi32>
      %ge3A_1690 = arith.cmpi sge, %get3A_1688, %ge3A_1689 : vector<16xi32>
      %all_reduce_population_count3A_1691 = tpu.all_reduce %ge3A_1690 {dim = 0 : i64, kind = #tpu.reduction_kind<sum>} : vector<16xi1> -> vector<16xi32>
      %add3A_1692 = arith.addi %add3A_1686, %all_reduce_population_count3A_1691 : vector<16xi32>
      %get3A_1693 = arith.constant 624 : index
      %get3A_1694 = tpu.vector_load %arg6[%get3A_1693] {strides = array<i32>} : memref<1024xi32, #tpu.memory_space<vmem>>, vector<16xi32>,
      %ge3A_1695 = vector.broadcast %bitcast_convert_type3A_1459 : i32 to vector<16xi32>
      %ge3A_1696 = arith.cmpi sge, %get3A_1694, %ge3A_1695 : vector<16xi32>
      %all_reduce_population_count3A_1697 = tpu.all_reduce %ge3A_1696 {dim = 0 : i64, kind = #tpu.reduction_kind<sum>} : vector<16xi1> -> vector<16xi32>
      %add3A_1698 = arith.addi %add3A_1692, %all_reduce_population_count3A_1697 : vector<16xi32>
      %get3A_1699 = arith.constant 640 : index
      %get3A_1700 = tpu.vector_load %arg6[%get3A_1699] {strides = array<i32>} : memref<1024xi32, #tpu.memory_space<vmem>>, vector<16xi32>,
      %ge3A_1701 = vector.broadcast %bitcast_convert_type3A_1459 : i32 to vector<16xi32>
      %ge3A_1702 = arith.cmpi sge, %get3A_1700, %ge3A_1701 : vector<16xi32>
      %all_reduce_population_count3A_1703 = tpu.all_reduce %ge3A_1702 {dim = 0 : i64, kind = #tpu.reduction_kind<sum>} : vector<16xi1> -> vector<16xi32>
      %add3A_1704 = arith.addi %add3A_1698, %all_reduce_population_count3A_1703 : vector<16xi32>
      %get3A_1705 = arith.constant 656 : index
      %get3A_1706 = tpu.vector_load %arg6[%get3A_1705] {strides = array<i32>} : memref<1024xi32, #tpu.memory_space<vmem>>, vector<16xi32>,
      %ge3A_1707 = vector.broadcast %bitcast_convert_type3A_1459 : i32 to vector<16xi32>
      %ge3A_1708 = arith.cmpi sge, %get3A_1706, %ge3A_1707 : vector<16xi32>
      %all_reduce_population_count3A_1709 = tpu.all_reduce %ge3A_1708 {dim = 0 : i64, kind = #tpu.reduction_kind<sum>} : vector<16xi1> -> vector<16xi32>
      %add3A_1710 = arith.addi %add3A_1704, %all_reduce_population_count3A_1709 : vector<16xi32>
      %get3A_1711 = arith.constant 672 : index
      %get3A_1712 = tpu.vector_load %arg6[%get3A_1711] {strides = array<i32>} : memref<1024xi32, #tpu.memory_space<vmem>>, vector<16xi32>,
      %ge3A_1713 = vector.broadcast %bitcast_convert_type3A_1459 : i32 to vector<16xi32>
      %ge3A_1714 = arith.cmpi sge, %get3A_1712, %ge3A_1713 : vector<16xi32>
      %all_reduce_population_count3A_1715 = tpu.all_reduce %ge3A_1714 {dim = 0 : i64, kind = #tpu.reduction_kind<sum>} : vector<16xi1> -> vector<16xi32>
      %add3A_1716 = arith.addi %add3A_1710, %all_reduce_population_count3A_1715 : vector<16xi32>
      %get3A_1717 = arith.constant 688 : index
      %get3A_1718 = tpu.vector_load %arg6[%get3A_1717] {strides = array<i32>} : memref<1024xi32, #tpu.memory_space<vmem>>, vector<16xi32>,
      %ge3A_1719 = vector.broadcast %bitcast_convert_type3A_1459 : i32 to vector<16xi32>
      %ge3A_1720 = arith.cmpi sge, %get3A_1718, %ge3A_1719 : vector<16xi32>
      %all_reduce_population_count3A_1721 = tpu.all_reduce %ge3A_1720 {dim = 0 : i64, kind = #tpu.reduction_kind<sum>} : vector<16xi1> -> vector<16xi32>
      %add3A_1722 = arith.addi %add3A_1716, %all_reduce_population_count3A_1721 : vector<16xi32>
      %get3A_1723 = arith.constant 704 : index
      %get3A_1724 = tpu.vector_load %arg6[%get3A_1723] {strides = array<i32>} : memref<1024xi32, #tpu.memory_space<vmem>>, vector<16xi32>,
      %ge3A_1725 = vector.broadcast %bitcast_convert_type3A_1459 : i32 to vector<16xi32>
      %ge3A_1726 = arith.cmpi sge, %get3A_1724, %ge3A_1725 : vector<16xi32>
      %all_reduce_population_count3A_1727 = tpu.all_reduce %ge3A_1726 {dim = 0 : i64, kind = #tpu.reduction_kind<sum>} : vector<16xi1> -> vector<16xi32>
      %add3A_1728 = arith.addi %add3A_1722, %all_reduce_population_count3A_1727 : vector<16xi32>
      %get3A_1729 = arith.constant 720 : index
      %get3A_1730 = tpu.vector_load %arg6[%get3A_1729] {strides = array<i32>} : memref<1024xi32, #tpu.memory_space<vmem>>, vector<16xi32>,
      %ge3A_1731 = vector.broadcast %bitcast_convert_type3A_1459 : i32 to vector<16xi32>
      %ge3A_1732 = arith.cmpi sge, %get3A_1730, %ge3A_1731 : vector<16xi32>
      %all_reduce_population_count3A_1733 = tpu.all_reduce %ge3A_1732 {dim = 0 : i64, kind = #tpu.reduction_kind<sum>} : vector<16xi1> -> vector<16xi32>
      %add3A_1734 = arith.addi %add3A_1728, %all_reduce_population_count3A_1733 : vector<16xi32>
      %get3A_1735 = arith.constant 736 : index
      %get3A_1736 = tpu.vector_load %arg6[%get3A_1735] {strides = array<i32>} : memref<1024xi32, #tpu.memory_space<vmem>>, vector<16xi32>,
      %ge3A_1737 = vector.broadcast %bitcast_convert_type3A_1459 : i32 to vector<16xi32>
      %ge3A_1738 = arith.cmpi sge, %get3A_1736, %ge3A_1737 : vector<16xi32>
      %all_reduce_population_count3A_1739 = tpu.all_reduce %ge3A_1738 {dim = 0 : i64, kind = #tpu.reduction_kind<sum>} : vector<16xi1> -> vector<16xi32>
      %add3A_1740 = arith.addi %add3A_1734, %all_reduce_population_count3A_1739 : vector<16xi32>
      %get3A_1741 = arith.constant 752 : index
      %get3A_1742 = tpu.vector_load %arg6[%get3A_1741] {strides = array<i32>} : memref<1024xi32, #tpu.memory_space<vmem>>, vector<16xi32>,
      %ge3A_1743 = vector.broadcast %bitcast_convert_type3A_1459 : i32 to vector<16xi32>
      %ge3A_1744 = arith.cmpi sge, %get3A_1742, %ge3A_1743 : vector<16xi32>
      %all_reduce_population_count3A_1745 = tpu.all_reduce %ge3A_1744 {dim = 0 : i64, kind = #tpu.reduction_kind<sum>} : vector<16xi1> -> vector<16xi32>
      %add3A_1746 = arith.addi %add3A_1740, %all_reduce_population_count3A_1745 : vector<16xi32>
      %get3A_1747 = arith.constant 768 : index
      %get3A_1748 = tpu.vector_load %arg6[%get3A_1747] {strides = array<i32>} : memref<1024xi32, #tpu.memory_space<vmem>>, vector<16xi32>,
      %ge3A_1749 = vector.broadcast %bitcast_convert_type3A_1459 : i32 to vector<16xi32>
      %ge3A_1750 = arith.cmpi sge, %get3A_1748, %ge3A_1749 : vector<16xi32>
      %all_reduce_population_count3A_1751 = tpu.all_reduce %ge3A_1750 {dim = 0 : i64, kind = #tpu.reduction_kind<sum>} : vector<16xi1> -> vector<16xi32>
      %add3A_1752 = arith.addi %add3A_1746, %all_reduce_population_count3A_1751 : vector<16xi32>
      %get3A_1753 = arith.constant 784 : index
      %get3A_1754 = tpu.vector_load %arg6[%get3A_1753] {strides = array<i32>} : memref<1024xi32, #tpu.memory_space<vmem>>, vector<16xi32>,
      %ge3A_1755 = vector.broadcast %bitcast_convert_type3A_1459 : i32 to vector<16xi32>
      %ge3A_1756 = arith.cmpi sge, %get3A_1754, %ge3A_1755 : vector<16xi32>
      %all_reduce_population_count3A_1757 = tpu.all_reduce %ge3A_1756 {dim = 0 : i64, kind = #tpu.reduction_kind<sum>} : vector<16xi1> -> vector<16xi32>
      %add3A_1758 = arith.addi %add3A_1752, %all_reduce_population_count3A_1757 : vector<16xi32>
      %get3A_1759 = arith.constant 800 : index
      %get3A_1760 = tpu.vector_load %arg6[%get3A_1759] {strides = array<i32>} : memref<1024xi32, #tpu.memory_space<vmem>>, vector<16xi32>,
      %ge3A_1761 = vector.broadcast %bitcast_convert_type3A_1459 : i32 to vector<16xi32>
      %ge3A_1762 = arith.cmpi sge, %get3A_1760, %ge3A_1761 : vector<16xi32>
      %all_reduce_population_count3A_1763 = tpu.all_reduce %ge3A_1762 {dim = 0 : i64, kind = #tpu.reduction_kind<sum>} : vector<16xi1> -> vector<16xi32>
      %add3A_1764 = arith.addi %add3A_1758, %all_reduce_population_count3A_1763 : vector<16xi32>
      %get3A_1765 = arith.constant 816 : index
      %get3A_1766 = tpu.vector_load %arg6[%get3A_1765] {strides = array<i32>} : memref<1024xi32, #tpu.memory_space<vmem>>, vector<16xi32>,
      %ge3A_1767 = vector.broadcast %bitcast_convert_type3A_1459 : i32 to vector<16xi32>
      %ge3A_1768 = arith.cmpi sge, %get3A_1766, %ge3A_1767 : vector<16xi32>
      %all_reduce_population_count3A_1769 = tpu.all_reduce %ge3A_1768 {dim = 0 : i64, kind = #tpu.reduction_kind<sum>} : vector<16xi1> -> vector<16xi32>
      %add3A_1770 = arith.addi %add3A_1764, %all_reduce_population_count3A_1769 : vector<16xi32>
      %get3A_1771 = arith.constant 832 : index
      %get3A_1772 = tpu.vector_load %arg6[%get3A_1771] {strides = array<i32>} : memref<1024xi32, #tpu.memory_space<vmem>>, vector<16xi32>,
      %ge3A_1773 = vector.broadcast %bitcast_convert_type3A_1459 : i32 to vector<16xi32>
      %ge3A_1774 = arith.cmpi sge, %get3A_1772, %ge3A_1773 : vector<16xi32>
      %all_reduce_population_count3A_1775 = tpu.all_reduce %ge3A_1774 {dim = 0 : i64, kind = #tpu.reduction_kind<sum>} : vector<16xi1> -> vector<16xi32>
      %add3A_1776 = arith.addi %add3A_1770, %all_reduce_population_count3A_1775 : vector<16xi32>
      %get3A_1777 = arith.constant 848 : index
      %get3A_1778 = tpu.vector_load %arg6[%get3A_1777] {strides = array<i32>} : memref<1024xi32, #tpu.memory_space<vmem>>, vector<16xi32>,
      %ge3A_1779 = vector.broadcast %bitcast_convert_type3A_1459 : i32 to vector<16xi32>
      %ge3A_1780 = arith.cmpi sge, %get3A_1778, %ge3A_1779 : vector<16xi32>
      %all_reduce_population_count3A_1781 = tpu.all_reduce %ge3A_1780 {dim = 0 : i64, kind = #tpu.reduction_kind<sum>} : vector<16xi1> -> vector<16xi32>
      %add3A_1782 = arith.addi %add3A_1776, %all_reduce_population_count3A_1781 : vector<16xi32>
      %get3A_1783 = arith.constant 864 : index
      %get3A_1784 = tpu.vector_load %arg6[%get3A_1783] {strides = array<i32>} : memref<1024xi32, #tpu.memory_space<vmem>>, vector<16xi32>,
      %ge3A_1785 = vector.broadcast %bitcast_convert_type3A_1459 : i32 to vector<16xi32>
      %ge3A_1786 = arith.cmpi sge, %get3A_1784, %ge3A_1785 : vector<16xi32>
      %all_reduce_population_count3A_1787 = tpu.all_reduce %ge3A_1786 {dim = 0 : i64, kind = #tpu.reduction_kind<sum>} : vector<16xi1> -> vector<16xi32>
      %add3A_1788 = arith.addi %add3A_1782, %all_reduce_population_count3A_1787 : vector<16xi32>
      %get3A_1789 = arith.constant 880 : index
      %get3A_1790 = tpu.vector_load %arg6[%get3A_1789] {strides = array<i32>} : memref<1024xi32, #tpu.memory_space<vmem>>, vector<16xi32>,
      %ge3A_1791 = vector.broadcast %bitcast_convert_type3A_1459 : i32 to vector<16xi32>
      %ge3A_1792 = arith.cmpi sge, %get3A_1790, %ge3A_1791 : vector<16xi32>
      %all_reduce_population_count3A_1793 = tpu.all_reduce %ge3A_1792 {dim = 0 : i64, kind = #tpu.reduction_kind<sum>} : vector<16xi1> -> vector<16xi32>
      %add3A_1794 = arith.addi %add3A_1788, %all_reduce_population_count3A_1793 : vector<16xi32>
      %get3A_1795 = arith.constant 896 : index
      %get3A_1796 = tpu.vector_load %arg6[%get3A_1795] {strides = array<i32>} : memref<1024xi32, #tpu.memory_space<vmem>>, vector<16xi32>,
      %ge3A_1797 = vector.broadcast %bitcast_convert_type3A_1459 : i32 to vector<16xi32>
      %ge3A_1798 = arith.cmpi sge, %get3A_1796, %ge3A_1797 : vector<16xi32>
      %all_reduce_population_count3A_1799 = tpu.all_reduce %ge3A_1798 {dim = 0 : i64, kind = #tpu.reduction_kind<sum>} : vector<16xi1> -> vector<16xi32>
      %add3A_1800 = arith.addi %add3A_1794, %all_reduce_population_count3A_1799 : vector<16xi32>
      %get3A_1801 = arith.constant 912 : index
      %get3A_1802 = tpu.vector_load %arg6[%get3A_1801] {strides = array<i32>} : memref<1024xi32, #tpu.memory_space<vmem>>, vector<16xi32>,
      %ge3A_1803 = vector.broadcast %bitcast_convert_type3A_1459 : i32 to vector<16xi32>
      %ge3A_1804 = arith.cmpi sge, %get3A_1802, %ge3A_1803 : vector<16xi32>
      %all_reduce_population_count3A_1805 = tpu.all_reduce %ge3A_1804 {dim = 0 : i64, kind = #tpu.reduction_kind<sum>} : vector<16xi1> -> vector<16xi32>
      %add3A_1806 = arith.addi %add3A_1800, %all_reduce_population_count3A_1805 : vector<16xi32>
      %get3A_1807 = arith.constant 928 : index
      %get3A_1808 = tpu.vector_load %arg6[%get3A_1807] {strides = array<i32>} : memref<1024xi32, #tpu.memory_space<vmem>>, vector<16xi32>,
      %ge3A_1809 = vector.broadcast %bitcast_convert_type3A_1459 : i32 to vector<16xi32>
      %ge3A_1810 = arith.cmpi sge, %get3A_1808, %ge3A_1809 : vector<16xi32>
      %all_reduce_population_count3A_1811 = tpu.all_reduce %ge3A_1810 {dim = 0 : i64, kind = #tpu.reduction_kind<sum>} : vector<16xi1> -> vector<16xi32>
      %add3A_1812 = arith.addi %add3A_1806, %all_reduce_population_count3A_1811 : vector<16xi32>
      %get3A_1813 = arith.constant 944 : index
      %get3A_1814 = tpu.vector_load %arg6[%get3A_1813] {strides = array<i32>} : memref<1024xi32, #tpu.memory_space<vmem>>, vector<16xi32>,
      %ge3A_1815 = vector.broadcast %bitcast_convert_type3A_1459 : i32 to vector<16xi32>
      %ge3A_1816 = arith.cmpi sge, %get3A_1814, %ge3A_1815 : vector<16xi32>
      %all_reduce_population_count3A_1817 = tpu.all_reduce %ge3A_1816 {dim = 0 : i64, kind = #tpu.reduction_kind<sum>} : vector<16xi1> -> vector<16xi32>
      %add3A_1818 = arith.addi %add3A_1812, %all_reduce_population_count3A_1817 : vector<16xi32>
      %get3A_1819 = arith.constant 960 : index
      %get3A_1820 = tpu.vector_load %arg6[%get3A_1819] {strides = array<i32>} : memref<1024xi32, #tpu.memory_space<vmem>>, vector<16xi32>,
      %ge3A_1821 = vector.broadcast %bitcast_convert_type3A_1459 : i32 to vector<16xi32>
      %ge3A_1822 = arith.cmpi sge, %get3A_1820, %ge3A_1821 : vector<16xi32>
      %all_reduce_population_count3A_1823 = tpu.all_reduce %ge3A_1822 {dim = 0 : i64, kind = #tpu.reduction_kind<sum>} : vector<16xi1> -> vector<16xi32>
      %add3A_1824 = arith.addi %add3A_1818, %all_reduce_population_count3A_1823 : vector<16xi32>
      %get3A_1825 = arith.constant 976 : index
      %get3A_1826 = tpu.vector_load %arg6[%get3A_1825] {strides = array<i32>} : memref<1024xi32, #tpu.memory_space<vmem>>, vector<16xi32>,
      %ge3A_1827 = vector.broadcast %bitcast_convert_type3A_1459 : i32 to vector<16xi32>
      %ge3A_1828 = arith.cmpi sge, %get3A_1826, %ge3A_1827 : vector<16xi32>
      %all_reduce_population_count3A_1829 = tpu.all_reduce %ge3A_1828 {dim = 0 : i64, kind = #tpu.reduction_kind<sum>} : vector<16xi1> -> vector<16xi32>
      %add3A_1830 = arith.addi %add3A_1824, %all_reduce_population_count3A_1829 : vector<16xi32>
      %get3A_1831 = arith.constant 992 : index
      %get3A_1832 = tpu.vector_load %arg6[%get3A_1831] {strides = array<i32>} : memref<1024xi32, #tpu.memory_space<vmem>>, vector<16xi32>,
      %ge3A_1833 = vector.broadcast %bitcast_convert_type3A_1459 : i32 to vector<16xi32>
      %ge3A_1834 = arith.cmpi sge, %get3A_1832, %ge3A_1833 : vector<16xi32>
      %all_reduce_population_count3A_1835 = tpu.all_reduce %ge3A_1834 {dim = 0 : i64, kind = #tpu.reduction_kind<sum>} : vector<16xi1> -> vector<16xi32>
      %add3A_1836 = arith.addi %add3A_1830, %all_reduce_population_count3A_1835 : vector<16xi32>
      %get3A_1837 = arith.constant 1008 : index
      %get3A_1838 = tpu.vector_load %arg6[%get3A_1837] {strides = array<i32>} : memref<1024xi32, #tpu.memory_space<vmem>>, vector<16xi32>,
      %ge3A_1839 = vector.broadcast %bitcast_convert_type3A_1459 : i32 to vector<16xi32>
      %ge3A_1840 = arith.cmpi sge, %get3A_1838, %ge3A_1839 : vector<16xi32>
      %all_reduce_population_count3A_1841 = tpu.all_reduce %ge3A_1840 {dim = 0 : i64, kind = #tpu.reduction_kind<sum>} : vector<16xi1> -> vector<16xi32>
      %add3A_1842 = arith.addi %add3A_1836, %all_reduce_population_count3A_1841 : vector<16xi32>
      %convert_element_type3A_1843 = arith.sitofp %add3A_1842 : vector<16xi32> to vector<16xf32>
      %jit3A_1844 = arith.constant 0.000000e+00 : f32
      %broadcast_in_dim3A_1845 = vector.broadcast %jit3A_1844 : f32 to vector<16xf32>
      %select_n3A_1846 = arith.select %eq3A_11, %convert_element_type3A_1843, %broadcast_in_dim3A_1845 : vector<16xi1>, vector<16xf32>
      %select_n3A_1847 = arith.select %eq3A_7, %convert_element_type3A_1456, %select_n3A_1846 : vector<16xi1>, vector<16xf32>
      %select_n3A_1848 = arith.select %eq3A_2, %convert_element_type3A_1069, %select_n3A_1847 : vector<16xi1>, vector<16xf32>
      %swap3A_1849 = arith.constant 0 : index
      %swap3A_1850 = tpu.vector_load %arg7[%swap3A_1849] {strides = array<i32>} : memref<16xf32, #tpu.memory_space<vmem>>, vector<16xf32>,
      tpu.vector_store %arg7[%swap3A_1849], %select_n3A_1848 {strides = array<i32>} : memref<16xf32, #tpu.memory_space<vmem>>, vector<16xf32>,
      %mul3A_1851 = arith.constant 16 : i32
      %mul3A_1852 = arith.muli %arg1, %mul3A_1851 : i32
      "tpu.region"() ({
        %run_scoped3A_1914 = tpu.sem_alloc : memref<!tpu.dma_semaphore, #tpu.memory_space<semaphore_mem>>
        %dma_start3A = tpu.memref_slice %arg9[%scan3A_670, %mul3A_1852] : memref<34x256xf32, #tpu.memory_space<vmem_shared>> -> memref<1x16xf32, #tpu.memory_space<vmem_shared>>
        %dma_start3A_1915 = tpu.memref_squeeze %dma_start3A : memref<1x16xf32, #tpu.memory_space<vmem_shared>> -> memref<16xf32, #tpu.memory_space<vmem_shared>>
        %dma_start3A_1916 = tpu.memref_slice %arg9[%scan3A_670, %mul3A_1852] : memref<34x256xf32, #tpu.memory_space<vmem_shared>> -> memref<1x16xf32, #tpu.memory_space<vmem_shared>>
        %dma_start3A_1917 = tpu.memref_squeeze %dma_start3A_1916 : memref<1x16xf32, #tpu.memory_space<vmem_shared>> -> memref<16xf32, #tpu.memory_space<vmem_shared>>
        tpu.enqueue_dma source(%arg7 : memref<16xf32, #tpu.memory_space<vmem>>) target(%dma_start3A_1917 : memref<16xf32, #tpu.memory_space<vmem_shared>>) target_semaphore(%run_scoped3A_1914 : memref<!tpu.dma_semaphore, #tpu.memory_space<semaphore_mem>>)
        %dma_wait3A = tpu.memref_slice %arg9[%scan3A_670, %mul3A_1852] : memref<34x256xf32, #tpu.memory_space<vmem_shared>> -> memref<1x16xf32, #tpu.memory_space<vmem_shared>>
        %dma_wait3A_1918 = tpu.memref_squeeze %dma_wait3A : memref<1x16xf32, #tpu.memory_space<vmem_shared>> -> memref<16xf32, #tpu.memory_space<vmem_shared>>
        %dma_wait3A_1919 = tpu.memref_slice %arg9[%scan3A_670, %mul3A_1852] : memref<34x256xf32, #tpu.memory_space<vmem_shared>> -> memref<1x16xf32, #tpu.memory_space<vmem_shared>>
        %dma_wait3A_1920 = tpu.memref_squeeze %dma_wait3A_1919 : memref<1x16xf32, #tpu.memory_space<vmem_shared>> -> memref<16xf32, #tpu.memory_space<vmem_shared>>
        tpu.wait_dma2 semaphore(%run_scoped3A_1914 : memref<!tpu.dma_semaphore, #tpu.memory_space<semaphore_mem>>) src(%arg7 : memref<16xf32, #tpu.memory_space<vmem>>) dst(%dma_wait3A_1920 : memref<16xf32, #tpu.memory_space<vmem_shared>>)
        tpu.yield
      }) : () -> ()
      %barrier3A_1853 = arith.constant 0 : index
      tpu.barrier barrier_id(%barrier3A_1853)
      "tpu.region"() ({
        %run_scoped3A_1914 = tpu.sem_alloc : memref<!tpu.dma_semaphore, #tpu.memory_space<semaphore_mem>>
        %dma_start3A = arith.constant 0 : i32
        %dma_start3A_1915 = tpu.memref_slice %arg9[%scan3A_670, %dma_start3A] : memref<34x256xf32, #tpu.memory_space<vmem_shared>> -> memref<1x256xf32, #tpu.memory_space<vmem_shared>>
        %dma_start3A_1916 = tpu.memref_squeeze %dma_start3A_1915 : memref<1x256xf32, #tpu.memory_space<vmem_shared>> -> memref<256xf32, #tpu.memory_space<vmem_shared>>
        %dma_start3A_1917 = arith.constant 0 : i32
        %dma_start3A_1918 = tpu.memref_slice %arg9[%scan3A_670, %dma_start3A_1917] : memref<34x256xf32, #tpu.memory_space<vmem_shared>> -> memref<1x256xf32, #tpu.memory_space<vmem_shared>>
        %dma_start3A_1919 = tpu.memref_squeeze %dma_start3A_1918 : memref<1x256xf32, #tpu.memory_space<vmem_shared>> -> memref<256xf32, #tpu.memory_space<vmem_shared>>
        tpu.enqueue_dma source(%dma_start3A_1919 : memref<256xf32, #tpu.memory_space<vmem_shared>>) target(%arg8 : memref<256xf32, #tpu.memory_space<vmem>>) target_semaphore(%run_scoped3A_1914 : memref<!tpu.dma_semaphore, #tpu.memory_space<semaphore_mem>>)
        %dma_wait3A = arith.constant 0 : i32
        %dma_wait3A_1920 = tpu.memref_slice %arg9[%scan3A_670, %dma_wait3A] : memref<34x256xf32, #tpu.memory_space<vmem_shared>> -> memref<1x256xf32, #tpu.memory_space<vmem_shared>>
        %dma_wait3A_1921 = tpu.memref_squeeze %dma_wait3A_1920 : memref<1x256xf32, #tpu.memory_space<vmem_shared>> -> memref<256xf32, #tpu.memory_space<vmem_shared>>
        %dma_wait3A_1922 = arith.constant 0 : i32
        %dma_wait3A_1923 = tpu.memref_slice %arg9[%scan3A_670, %dma_wait3A_1922] : memref<34x256xf32, #tpu.memory_space<vmem_shared>> -> memref<1x256xf32, #tpu.memory_space<vmem_shared>>
        %dma_wait3A_1924 = tpu.memref_squeeze %dma_wait3A_1923 : memref<1x256xf32, #tpu.memory_space<vmem_shared>> -> memref<256xf32, #tpu.memory_space<vmem_shared>>
        tpu.wait_dma2 semaphore(%run_scoped3A_1914 : memref<!tpu.dma_semaphore, #tpu.memory_space<semaphore_mem>>) src(%dma_wait3A_1924 : memref<256xf32, #tpu.memory_space<vmem_shared>>) dst(%arg8 : memref<256xf32, #tpu.memory_space<vmem>>)
        tpu.yield
      }) : () -> ()
      %get3A_1854 = arith.constant 0 : index
      %get3A_1855 = tpu.vector_load %arg8[%get3A_1854] {strides = array<i32>} : memref<256xf32, #tpu.memory_space<vmem>>, vector<16xf32>,
      %get3A_1856 = arith.constant 16 : index
      %get3A_1857 = tpu.vector_load %arg8[%get3A_1856] {strides = array<i32>} : memref<256xf32, #tpu.memory_space<vmem>>, vector<16xf32>,
      %add3A_1858 = arith.addf %get3A_1855, %get3A_1857 : vector<16xf32>
      %get3A_1859 = arith.constant 32 : index
      %get3A_1860 = tpu.vector_load %arg8[%get3A_1859] {strides = array<i32>} : memref<256xf32, #tpu.memory_space<vmem>>, vector<16xf32>,
      %add3A_1861 = arith.addf %add3A_1858, %get3A_1860 : vector<16xf32>
      %get3A_1862 = arith.constant 48 : index
      %get3A_1863 = tpu.vector_load %arg8[%get3A_1862] {strides = array<i32>} : memref<256xf32, #tpu.memory_space<vmem>>, vector<16xf32>,
      %add3A_1864 = arith.addf %add3A_1861, %get3A_1863 : vector<16xf32>
      %get3A_1865 = arith.constant 64 : index
      %get3A_1866 = tpu.vector_load %arg8[%get3A_1865] {strides = array<i32>} : memref<256xf32, #tpu.memory_space<vmem>>, vector<16xf32>,
      %add3A_1867 = arith.addf %add3A_1864, %get3A_1866 : vector<16xf32>
      %get3A_1868 = arith.constant 80 : index
      %get3A_1869 = tpu.vector_load %arg8[%get3A_1868] {strides = array<i32>} : memref<256xf32, #tpu.memory_space<vmem>>, vector<16xf32>,
      %add3A_1870 = arith.addf %add3A_1867, %get3A_1869 : vector<16xf32>
      %get3A_1871 = arith.constant 96 : index
      %get3A_1872 = tpu.vector_load %arg8[%get3A_1871] {strides = array<i32>} : memref<256xf32, #tpu.memory_space<vmem>>, vector<16xf32>,
      %add3A_1873 = arith.addf %add3A_1870, %get3A_1872 : vector<16xf32>
      %get3A_1874 = arith.constant 112 : index
      %get3A_1875 = tpu.vector_load %arg8[%get3A_1874] {strides = array<i32>} : memref<256xf32, #tpu.memory_space<vmem>>, vector<16xf32>,
      %add3A_1876 = arith.addf %add3A_1873, %get3A_1875 : vector<16xf32>
      %get3A_1877 = arith.constant 128 : index
      %get3A_1878 = tpu.vector_load %arg8[%get3A_1877] {strides = array<i32>} : memref<256xf32, #tpu.memory_space<vmem>>, vector<16xf32>,
      %add3A_1879 = arith.addf %add3A_1876, %get3A_1878 : vector<16xf32>
      %get3A_1880 = arith.constant 144 : index
      %get3A_1881 = tpu.vector_load %arg8[%get3A_1880] {strides = array<i32>} : memref<256xf32, #tpu.memory_space<vmem>>, vector<16xf32>,
      %add3A_1882 = arith.addf %add3A_1879, %get3A_1881 : vector<16xf32>
      %get3A_1883 = arith.constant 160 : index
      %get3A_1884 = tpu.vector_load %arg8[%get3A_1883] {strides = array<i32>} : memref<256xf32, #tpu.memory_space<vmem>>, vector<16xf32>,
      %add3A_1885 = arith.addf %add3A_1882, %get3A_1884 : vector<16xf32>
      %get3A_1886 = arith.constant 176 : index
      %get3A_1887 = tpu.vector_load %arg8[%get3A_1886] {strides = array<i32>} : memref<256xf32, #tpu.memory_space<vmem>>, vector<16xf32>,
      %add3A_1888 = arith.addf %add3A_1885, %get3A_1887 : vector<16xf32>
      %get3A_1889 = arith.constant 192 : index
      %get3A_1890 = tpu.vector_load %arg8[%get3A_1889] {strides = array<i32>} : memref<256xf32, #tpu.memory_space<vmem>>, vector<16xf32>,
      %add3A_1891 = arith.addf %add3A_1888, %get3A_1890 : vector<16xf32>
      %get3A_1892 = arith.constant 208 : index
      %get3A_1893 = tpu.vector_load %arg8[%get3A_1892] {strides = array<i32>} : memref<256xf32, #tpu.memory_space<vmem>>, vector<16xf32>,
      %add3A_1894 = arith.addf %add3A_1891, %get3A_1893 : vector<16xf32>
      %get3A_1895 = arith.constant 224 : index
      %get3A_1896 = tpu.vector_load %arg8[%get3A_1895] {strides = array<i32>} : memref<256xf32, #tpu.memory_space<vmem>>, vector<16xf32>,
      %add3A_1897 = arith.addf %add3A_1894, %get3A_1896 : vector<16xf32>
      %get3A_1898 = arith.constant 240 : index
      %get3A_1899 = tpu.vector_load %arg8[%get3A_1898] {strides = array<i32>} : memref<256xf32, #tpu.memory_space<vmem>>, vector<16xf32>,
      %add3A_1900 = arith.addf %add3A_1897, %get3A_1899 : vector<16xf32>
      %slice3A = vector.extract_strided_slice %add3A_1900 {offsets = [0], sizes = [1], strides = [1]} : vector<16xf32> to vector<1xf32>
      %squeeze3A = vector.extract %slice3A[0] : f32 from vector<1xf32>
      %slice3A_1901 = vector.extract_strided_slice %add3A_1900 {offsets = [1], sizes = [1], strides = [1]} : vector<16xf32> to vector<1xf32>
      %squeeze3A_1902 = vector.extract %slice3A_1901[0] : f32 from vector<1xf32>
      %slice3A_1903 = vector.extract_strided_slice %add3A_1900 {offsets = [2], sizes = [1], strides = [1]} : vector<16xf32> to vector<1xf32>
      %squeeze3A_1904 = vector.extract %slice3A_1903[0] : f32 from vector<1xf32>
      %ge3A_1905 = arith.constant 1.146800e+04 : f32
      %ge3A_1906 = arith.cmpf oge, %squeeze3A_1904, %ge3A_1905 : f32
      %ge3A_1907 = arith.constant 1.146800e+04 : f32
      %ge3A_1908 = arith.cmpf oge, %squeeze3A, %ge3A_1907 : f32
      %ge3A_1909 = arith.constant 1.146800e+04 : f32
      %ge3A_1910 = arith.cmpf oge, %squeeze3A_1902, %ge3A_1909 : f32
      %select_n3A_1911 = arith.select %ge3A_1910, %or3A_680, %scan3A_671 : i32
      %select_n3A_1912 = arith.select %ge3A_1908, %or3A, %select_n3A_1911 : i32
      %select_n3A_1913 = arith.select %ge3A_1906, %or3A_683, %select_n3A_1912 : i32
      scf.yield %select_n3A_1913 : i32
    }
    %scan3A_17 = arith.constant 16 : i32
    %xor3A = arith.constant -2147483648 : i32
    %xor3A_18 = arith.xori %scan3A_16, %xor3A : i32
    %bitcast_convert_type3A = arith.bitcast %xor3A_18 : i32 to i32
    %broadcast_in_dim3A_19 = arith.constant 0 : i32
    %broadcast_in_dim3A_20 = vector.broadcast %broadcast_in_dim3A_19 : i32 to vector<16xi32>
    %get3A = arith.constant 0 : index
    %get3A_21 = tpu.vector_load %arg6[%get3A] {strides = array<i32>} : memref<1024xi32, #tpu.memory_space<vmem>>, vector<16xi32>,
    %gt3A = vector.broadcast %bitcast_convert_type3A : i32 to vector<16xi32>
    %gt3A_22 = arith.cmpi sgt, %get3A_21, %gt3A : vector<16xi32>
    %get3A_23 = arith.constant 0 : index
    %get3A_24 = tpu.vector_load %arg5[%get3A_23] {strides = array<i32>} : memref<1024xf32, #tpu.memory_space<vmem>>, vector<16xf32>,
    %select_n3A = arith.select %gt3A_22, %get3A_24, %broadcast_in_dim3A_3 : vector<16xi1>, vector<16xf32>
    %add3A = arith.addf %broadcast_in_dim3A_3, %select_n3A : vector<16xf32>
    %all_reduce_population_count3A = tpu.all_reduce %gt3A_22 {dim = 0 : i64, kind = #tpu.reduction_kind<sum>} : vector<16xi1> -> vector<16xi32>
    %add3A_25 = arith.addi %broadcast_in_dim3A_20, %all_reduce_population_count3A : vector<16xi32>
    %get3A_26 = arith.constant 16 : index
    %get3A_27 = tpu.vector_load %arg6[%get3A_26] {strides = array<i32>} : memref<1024xi32, #tpu.memory_space<vmem>>, vector<16xi32>,
    %gt3A_28 = vector.broadcast %bitcast_convert_type3A : i32 to vector<16xi32>
    %gt3A_29 = arith.cmpi sgt, %get3A_27, %gt3A_28 : vector<16xi32>
    %get3A_30 = arith.constant 16 : index
    %get3A_31 = tpu.vector_load %arg5[%get3A_30] {strides = array<i32>} : memref<1024xf32, #tpu.memory_space<vmem>>, vector<16xf32>,
    %select_n3A_32 = arith.select %gt3A_29, %get3A_31, %broadcast_in_dim3A_3 : vector<16xi1>, vector<16xf32>
    %add3A_33 = arith.addf %add3A, %select_n3A_32 : vector<16xf32>
    %all_reduce_population_count3A_34 = tpu.all_reduce %gt3A_29 {dim = 0 : i64, kind = #tpu.reduction_kind<sum>} : vector<16xi1> -> vector<16xi32>
    %add3A_35 = arith.addi %add3A_25, %all_reduce_population_count3A_34 : vector<16xi32>
    %get3A_36 = arith.constant 32 : index
    %get3A_37 = tpu.vector_load %arg6[%get3A_36] {strides = array<i32>} : memref<1024xi32, #tpu.memory_space<vmem>>, vector<16xi32>,
    %gt3A_38 = vector.broadcast %bitcast_convert_type3A : i32 to vector<16xi32>
    %gt3A_39 = arith.cmpi sgt, %get3A_37, %gt3A_38 : vector<16xi32>
    %get3A_40 = arith.constant 32 : index
    %get3A_41 = tpu.vector_load %arg5[%get3A_40] {strides = array<i32>} : memref<1024xf32, #tpu.memory_space<vmem>>, vector<16xf32>,
    %select_n3A_42 = arith.select %gt3A_39, %get3A_41, %broadcast_in_dim3A_3 : vector<16xi1>, vector<16xf32>
    %add3A_43 = arith.addf %add3A_33, %select_n3A_42 : vector<16xf32>
    %all_reduce_population_count3A_44 = tpu.all_reduce %gt3A_39 {dim = 0 : i64, kind = #tpu.reduction_kind<sum>} : vector<16xi1> -> vector<16xi32>
    %add3A_45 = arith.addi %add3A_35, %all_reduce_population_count3A_44 : vector<16xi32>
    %get3A_46 = arith.constant 48 : index
    %get3A_47 = tpu.vector_load %arg6[%get3A_46] {strides = array<i32>} : memref<1024xi32, #tpu.memory_space<vmem>>, vector<16xi32>,
    %gt3A_48 = vector.broadcast %bitcast_convert_type3A : i32 to vector<16xi32>
    %gt3A_49 = arith.cmpi sgt, %get3A_47, %gt3A_48 : vector<16xi32>
    %get3A_50 = arith.constant 48 : index
    %get3A_51 = tpu.vector_load %arg5[%get3A_50] {strides = array<i32>} : memref<1024xf32, #tpu.memory_space<vmem>>, vector<16xf32>,
    %select_n3A_52 = arith.select %gt3A_49, %get3A_51, %broadcast_in_dim3A_3 : vector<16xi1>, vector<16xf32>
    %add3A_53 = arith.addf %add3A_43, %select_n3A_52 : vector<16xf32>
    %all_reduce_population_count3A_54 = tpu.all_reduce %gt3A_49 {dim = 0 : i64, kind = #tpu.reduction_kind<sum>} : vector<16xi1> -> vector<16xi32>
    %add3A_55 = arith.addi %add3A_45, %all_reduce_population_count3A_54 : vector<16xi32>
    %get3A_56 = arith.constant 64 : index
    %get3A_57 = tpu.vector_load %arg6[%get3A_56] {strides = array<i32>} : memref<1024xi32, #tpu.memory_space<vmem>>, vector<16xi32>,
    %gt3A_58 = vector.broadcast %bitcast_convert_type3A : i32 to vector<16xi32>
    %gt3A_59 = arith.cmpi sgt, %get3A_57, %gt3A_58 : vector<16xi32>
    %get3A_60 = arith.constant 64 : index
    %get3A_61 = tpu.vector_load %arg5[%get3A_60] {strides = array<i32>} : memref<1024xf32, #tpu.memory_space<vmem>>, vector<16xf32>,
    %select_n3A_62 = arith.select %gt3A_59, %get3A_61, %broadcast_in_dim3A_3 : vector<16xi1>, vector<16xf32>
    %add3A_63 = arith.addf %add3A_53, %select_n3A_62 : vector<16xf32>
    %all_reduce_population_count3A_64 = tpu.all_reduce %gt3A_59 {dim = 0 : i64, kind = #tpu.reduction_kind<sum>} : vector<16xi1> -> vector<16xi32>
    %add3A_65 = arith.addi %add3A_55, %all_reduce_population_count3A_64 : vector<16xi32>
    %get3A_66 = arith.constant 80 : index
    %get3A_67 = tpu.vector_load %arg6[%get3A_66] {strides = array<i32>} : memref<1024xi32, #tpu.memory_space<vmem>>, vector<16xi32>,
    %gt3A_68 = vector.broadcast %bitcast_convert_type3A : i32 to vector<16xi32>
    %gt3A_69 = arith.cmpi sgt, %get3A_67, %gt3A_68 : vector<16xi32>
    %get3A_70 = arith.constant 80 : index
    %get3A_71 = tpu.vector_load %arg5[%get3A_70] {strides = array<i32>} : memref<1024xf32, #tpu.memory_space<vmem>>, vector<16xf32>,
    %select_n3A_72 = arith.select %gt3A_69, %get3A_71, %broadcast_in_dim3A_3 : vector<16xi1>, vector<16xf32>
    %add3A_73 = arith.addf %add3A_63, %select_n3A_72 : vector<16xf32>
    %all_reduce_population_count3A_74 = tpu.all_reduce %gt3A_69 {dim = 0 : i64, kind = #tpu.reduction_kind<sum>} : vector<16xi1> -> vector<16xi32>
    %add3A_75 = arith.addi %add3A_65, %all_reduce_population_count3A_74 : vector<16xi32>
    %get3A_76 = arith.constant 96 : index
    %get3A_77 = tpu.vector_load %arg6[%get3A_76] {strides = array<i32>} : memref<1024xi32, #tpu.memory_space<vmem>>, vector<16xi32>,
    %gt3A_78 = vector.broadcast %bitcast_convert_type3A : i32 to vector<16xi32>
    %gt3A_79 = arith.cmpi sgt, %get3A_77, %gt3A_78 : vector<16xi32>
    %get3A_80 = arith.constant 96 : index
    %get3A_81 = tpu.vector_load %arg5[%get3A_80] {strides = array<i32>} : memref<1024xf32, #tpu.memory_space<vmem>>, vector<16xf32>,
    %select_n3A_82 = arith.select %gt3A_79, %get3A_81, %broadcast_in_dim3A_3 : vector<16xi1>, vector<16xf32>
    %add3A_83 = arith.addf %add3A_73, %select_n3A_82 : vector<16xf32>
    %all_reduce_population_count3A_84 = tpu.all_reduce %gt3A_79 {dim = 0 : i64, kind = #tpu.reduction_kind<sum>} : vector<16xi1> -> vector<16xi32>
    %add3A_85 = arith.addi %add3A_75, %all_reduce_population_count3A_84 : vector<16xi32>
    %get3A_86 = arith.constant 112 : index
    %get3A_87 = tpu.vector_load %arg6[%get3A_86] {strides = array<i32>} : memref<1024xi32, #tpu.memory_space<vmem>>, vector<16xi32>,
    %gt3A_88 = vector.broadcast %bitcast_convert_type3A : i32 to vector<16xi32>
    %gt3A_89 = arith.cmpi sgt, %get3A_87, %gt3A_88 : vector<16xi32>
    %get3A_90 = arith.constant 112 : index
    %get3A_91 = tpu.vector_load %arg5[%get3A_90] {strides = array<i32>} : memref<1024xf32, #tpu.memory_space<vmem>>, vector<16xf32>,
    %select_n3A_92 = arith.select %gt3A_89, %get3A_91, %broadcast_in_dim3A_3 : vector<16xi1>, vector<16xf32>
    %add3A_93 = arith.addf %add3A_83, %select_n3A_92 : vector<16xf32>
    %all_reduce_population_count3A_94 = tpu.all_reduce %gt3A_89 {dim = 0 : i64, kind = #tpu.reduction_kind<sum>} : vector<16xi1> -> vector<16xi32>
    %add3A_95 = arith.addi %add3A_85, %all_reduce_population_count3A_94 : vector<16xi32>
    %get3A_96 = arith.constant 128 : index
    %get3A_97 = tpu.vector_load %arg6[%get3A_96] {strides = array<i32>} : memref<1024xi32, #tpu.memory_space<vmem>>, vector<16xi32>,
    %gt3A_98 = vector.broadcast %bitcast_convert_type3A : i32 to vector<16xi32>
    %gt3A_99 = arith.cmpi sgt, %get3A_97, %gt3A_98 : vector<16xi32>
    %get3A_100 = arith.constant 128 : index
    %get3A_101 = tpu.vector_load %arg5[%get3A_100] {strides = array<i32>} : memref<1024xf32, #tpu.memory_space<vmem>>, vector<16xf32>,
    %select_n3A_102 = arith.select %gt3A_99, %get3A_101, %broadcast_in_dim3A_3 : vector<16xi1>, vector<16xf32>
    %add3A_103 = arith.addf %add3A_93, %select_n3A_102 : vector<16xf32>
    %all_reduce_population_count3A_104 = tpu.all_reduce %gt3A_99 {dim = 0 : i64, kind = #tpu.reduction_kind<sum>} : vector<16xi1> -> vector<16xi32>
    %add3A_105 = arith.addi %add3A_95, %all_reduce_population_count3A_104 : vector<16xi32>
    %get3A_106 = arith.constant 144 : index
    %get3A_107 = tpu.vector_load %arg6[%get3A_106] {strides = array<i32>} : memref<1024xi32, #tpu.memory_space<vmem>>, vector<16xi32>,
    %gt3A_108 = vector.broadcast %bitcast_convert_type3A : i32 to vector<16xi32>
    %gt3A_109 = arith.cmpi sgt, %get3A_107, %gt3A_108 : vector<16xi32>
    %get3A_110 = arith.constant 144 : index
    %get3A_111 = tpu.vector_load %arg5[%get3A_110] {strides = array<i32>} : memref<1024xf32, #tpu.memory_space<vmem>>, vector<16xf32>,
    %select_n3A_112 = arith.select %gt3A_109, %get3A_111, %broadcast_in_dim3A_3 : vector<16xi1>, vector<16xf32>
    %add3A_113 = arith.addf %add3A_103, %select_n3A_112 : vector<16xf32>
    %all_reduce_population_count3A_114 = tpu.all_reduce %gt3A_109 {dim = 0 : i64, kind = #tpu.reduction_kind<sum>} : vector<16xi1> -> vector<16xi32>
    %add3A_115 = arith.addi %add3A_105, %all_reduce_population_count3A_114 : vector<16xi32>
    %get3A_116 = arith.constant 160 : index
    %get3A_117 = tpu.vector_load %arg6[%get3A_116] {strides = array<i32>} : memref<1024xi32, #tpu.memory_space<vmem>>, vector<16xi32>,
    %gt3A_118 = vector.broadcast %bitcast_convert_type3A : i32 to vector<16xi32>
    %gt3A_119 = arith.cmpi sgt, %get3A_117, %gt3A_118 : vector<16xi32>
    %get3A_120 = arith.constant 160 : index
    %get3A_121 = tpu.vector_load %arg5[%get3A_120] {strides = array<i32>} : memref<1024xf32, #tpu.memory_space<vmem>>, vector<16xf32>,
    %select_n3A_122 = arith.select %gt3A_119, %get3A_121, %broadcast_in_dim3A_3 : vector<16xi1>, vector<16xf32>
    %add3A_123 = arith.addf %add3A_113, %select_n3A_122 : vector<16xf32>
    %all_reduce_population_count3A_124 = tpu.all_reduce %gt3A_119 {dim = 0 : i64, kind = #tpu.reduction_kind<sum>} : vector<16xi1> -> vector<16xi32>
    %add3A_125 = arith.addi %add3A_115, %all_reduce_population_count3A_124 : vector<16xi32>
    %get3A_126 = arith.constant 176 : index
    %get3A_127 = tpu.vector_load %arg6[%get3A_126] {strides = array<i32>} : memref<1024xi32, #tpu.memory_space<vmem>>, vector<16xi32>,
    %gt3A_128 = vector.broadcast %bitcast_convert_type3A : i32 to vector<16xi32>
    %gt3A_129 = arith.cmpi sgt, %get3A_127, %gt3A_128 : vector<16xi32>
    %get3A_130 = arith.constant 176 : index
    %get3A_131 = tpu.vector_load %arg5[%get3A_130] {strides = array<i32>} : memref<1024xf32, #tpu.memory_space<vmem>>, vector<16xf32>,
    %select_n3A_132 = arith.select %gt3A_129, %get3A_131, %broadcast_in_dim3A_3 : vector<16xi1>, vector<16xf32>
    %add3A_133 = arith.addf %add3A_123, %select_n3A_132 : vector<16xf32>
    %all_reduce_population_count3A_134 = tpu.all_reduce %gt3A_129 {dim = 0 : i64, kind = #tpu.reduction_kind<sum>} : vector<16xi1> -> vector<16xi32>
    %add3A_135 = arith.addi %add3A_125, %all_reduce_population_count3A_134 : vector<16xi32>
    %get3A_136 = arith.constant 192 : index
    %get3A_137 = tpu.vector_load %arg6[%get3A_136] {strides = array<i32>} : memref<1024xi32, #tpu.memory_space<vmem>>, vector<16xi32>,
    %gt3A_138 = vector.broadcast %bitcast_convert_type3A : i32 to vector<16xi32>
    %gt3A_139 = arith.cmpi sgt, %get3A_137, %gt3A_138 : vector<16xi32>
    %get3A_140 = arith.constant 192 : index
    %get3A_141 = tpu.vector_load %arg5[%get3A_140] {strides = array<i32>} : memref<1024xf32, #tpu.memory_space<vmem>>, vector<16xf32>,
    %select_n3A_142 = arith.select %gt3A_139, %get3A_141, %broadcast_in_dim3A_3 : vector<16xi1>, vector<16xf32>
    %add3A_143 = arith.addf %add3A_133, %select_n3A_142 : vector<16xf32>
    %all_reduce_population_count3A_144 = tpu.all_reduce %gt3A_139 {dim = 0 : i64, kind = #tpu.reduction_kind<sum>} : vector<16xi1> -> vector<16xi32>
    %add3A_145 = arith.addi %add3A_135, %all_reduce_population_count3A_144 : vector<16xi32>
    %get3A_146 = arith.constant 208 : index
    %get3A_147 = tpu.vector_load %arg6[%get3A_146] {strides = array<i32>} : memref<1024xi32, #tpu.memory_space<vmem>>, vector<16xi32>,
    %gt3A_148 = vector.broadcast %bitcast_convert_type3A : i32 to vector<16xi32>
    %gt3A_149 = arith.cmpi sgt, %get3A_147, %gt3A_148 : vector<16xi32>
    %get3A_150 = arith.constant 208 : index
    %get3A_151 = tpu.vector_load %arg5[%get3A_150] {strides = array<i32>} : memref<1024xf32, #tpu.memory_space<vmem>>, vector<16xf32>,
    %select_n3A_152 = arith.select %gt3A_149, %get3A_151, %broadcast_in_dim3A_3 : vector<16xi1>, vector<16xf32>
    %add3A_153 = arith.addf %add3A_143, %select_n3A_152 : vector<16xf32>
    %all_reduce_population_count3A_154 = tpu.all_reduce %gt3A_149 {dim = 0 : i64, kind = #tpu.reduction_kind<sum>} : vector<16xi1> -> vector<16xi32>
    %add3A_155 = arith.addi %add3A_145, %all_reduce_population_count3A_154 : vector<16xi32>
    %get3A_156 = arith.constant 224 : index
    %get3A_157 = tpu.vector_load %arg6[%get3A_156] {strides = array<i32>} : memref<1024xi32, #tpu.memory_space<vmem>>, vector<16xi32>,
    %gt3A_158 = vector.broadcast %bitcast_convert_type3A : i32 to vector<16xi32>
    %gt3A_159 = arith.cmpi sgt, %get3A_157, %gt3A_158 : vector<16xi32>
    %get3A_160 = arith.constant 224 : index
    %get3A_161 = tpu.vector_load %arg5[%get3A_160] {strides = array<i32>} : memref<1024xf32, #tpu.memory_space<vmem>>, vector<16xf32>,
    %select_n3A_162 = arith.select %gt3A_159, %get3A_161, %broadcast_in_dim3A_3 : vector<16xi1>, vector<16xf32>
    %add3A_163 = arith.addf %add3A_153, %select_n3A_162 : vector<16xf32>
    %all_reduce_population_count3A_164 = tpu.all_reduce %gt3A_159 {dim = 0 : i64, kind = #tpu.reduction_kind<sum>} : vector<16xi1> -> vector<16xi32>
    %add3A_165 = arith.addi %add3A_155, %all_reduce_population_count3A_164 : vector<16xi32>
    %get3A_166 = arith.constant 240 : index
    %get3A_167 = tpu.vector_load %arg6[%get3A_166] {strides = array<i32>} : memref<1024xi32, #tpu.memory_space<vmem>>, vector<16xi32>,
    %gt3A_168 = vector.broadcast %bitcast_convert_type3A : i32 to vector<16xi32>
    %gt3A_169 = arith.cmpi sgt, %get3A_167, %gt3A_168 : vector<16xi32>
    %get3A_170 = arith.constant 240 : index
    %get3A_171 = tpu.vector_load %arg5[%get3A_170] {strides = array<i32>} : memref<1024xf32, #tpu.memory_space<vmem>>, vector<16xf32>,
    %select_n3A_172 = arith.select %gt3A_169, %get3A_171, %broadcast_in_dim3A_3 : vector<16xi1>, vector<16xf32>
    %add3A_173 = arith.addf %add3A_163, %select_n3A_172 : vector<16xf32>
    %all_reduce_population_count3A_174 = tpu.all_reduce %gt3A_169 {dim = 0 : i64, kind = #tpu.reduction_kind<sum>} : vector<16xi1> -> vector<16xi32>
    %add3A_175 = arith.addi %add3A_165, %all_reduce_population_count3A_174 : vector<16xi32>
    %get3A_176 = arith.constant 256 : index
    %get3A_177 = tpu.vector_load %arg6[%get3A_176] {strides = array<i32>} : memref<1024xi32, #tpu.memory_space<vmem>>, vector<16xi32>,
    %gt3A_178 = vector.broadcast %bitcast_convert_type3A : i32 to vector<16xi32>
    %gt3A_179 = arith.cmpi sgt, %get3A_177, %gt3A_178 : vector<16xi32>
    %get3A_180 = arith.constant 256 : index
    %get3A_181 = tpu.vector_load %arg5[%get3A_180] {strides = array<i32>} : memref<1024xf32, #tpu.memory_space<vmem>>, vector<16xf32>,
    %select_n3A_182 = arith.select %gt3A_179, %get3A_181, %broadcast_in_dim3A_3 : vector<16xi1>, vector<16xf32>
    %add3A_183 = arith.addf %add3A_173, %select_n3A_182 : vector<16xf32>
    %all_reduce_population_count3A_184 = tpu.all_reduce %gt3A_179 {dim = 0 : i64, kind = #tpu.reduction_kind<sum>} : vector<16xi1> -> vector<16xi32>
    %add3A_185 = arith.addi %add3A_175, %all_reduce_population_count3A_184 : vector<16xi32>
    %get3A_186 = arith.constant 272 : index
    %get3A_187 = tpu.vector_load %arg6[%get3A_186] {strides = array<i32>} : memref<1024xi32, #tpu.memory_space<vmem>>, vector<16xi32>,
    %gt3A_188 = vector.broadcast %bitcast_convert_type3A : i32 to vector<16xi32>
    %gt3A_189 = arith.cmpi sgt, %get3A_187, %gt3A_188 : vector<16xi32>
    %get3A_190 = arith.constant 272 : index
    %get3A_191 = tpu.vector_load %arg5[%get3A_190] {strides = array<i32>} : memref<1024xf32, #tpu.memory_space<vmem>>, vector<16xf32>,
    %select_n3A_192 = arith.select %gt3A_189, %get3A_191, %broadcast_in_dim3A_3 : vector<16xi1>, vector<16xf32>
    %add3A_193 = arith.addf %add3A_183, %select_n3A_192 : vector<16xf32>
    %all_reduce_population_count3A_194 = tpu.all_reduce %gt3A_189 {dim = 0 : i64, kind = #tpu.reduction_kind<sum>} : vector<16xi1> -> vector<16xi32>
    %add3A_195 = arith.addi %add3A_185, %all_reduce_population_count3A_194 : vector<16xi32>
    %get3A_196 = arith.constant 288 : index
    %get3A_197 = tpu.vector_load %arg6[%get3A_196] {strides = array<i32>} : memref<1024xi32, #tpu.memory_space<vmem>>, vector<16xi32>,
    %gt3A_198 = vector.broadcast %bitcast_convert_type3A : i32 to vector<16xi32>
    %gt3A_199 = arith.cmpi sgt, %get3A_197, %gt3A_198 : vector<16xi32>
    %get3A_200 = arith.constant 288 : index
    %get3A_201 = tpu.vector_load %arg5[%get3A_200] {strides = array<i32>} : memref<1024xf32, #tpu.memory_space<vmem>>, vector<16xf32>,
    %select_n3A_202 = arith.select %gt3A_199, %get3A_201, %broadcast_in_dim3A_3 : vector<16xi1>, vector<16xf32>
    %add3A_203 = arith.addf %add3A_193, %select_n3A_202 : vector<16xf32>
    %all_reduce_population_count3A_204 = tpu.all_reduce %gt3A_199 {dim = 0 : i64, kind = #tpu.reduction_kind<sum>} : vector<16xi1> -> vector<16xi32>
    %add3A_205 = arith.addi %add3A_195, %all_reduce_population_count3A_204 : vector<16xi32>
    %get3A_206 = arith.constant 304 : index
    %get3A_207 = tpu.vector_load %arg6[%get3A_206] {strides = array<i32>} : memref<1024xi32, #tpu.memory_space<vmem>>, vector<16xi32>,
    %gt3A_208 = vector.broadcast %bitcast_convert_type3A : i32 to vector<16xi32>
    %gt3A_209 = arith.cmpi sgt, %get3A_207, %gt3A_208 : vector<16xi32>
    %get3A_210 = arith.constant 304 : index
    %get3A_211 = tpu.vector_load %arg5[%get3A_210] {strides = array<i32>} : memref<1024xf32, #tpu.memory_space<vmem>>, vector<16xf32>,
    %select_n3A_212 = arith.select %gt3A_209, %get3A_211, %broadcast_in_dim3A_3 : vector<16xi1>, vector<16xf32>
    %add3A_213 = arith.addf %add3A_203, %select_n3A_212 : vector<16xf32>
    %all_reduce_population_count3A_214 = tpu.all_reduce %gt3A_209 {dim = 0 : i64, kind = #tpu.reduction_kind<sum>} : vector<16xi1> -> vector<16xi32>
    %add3A_215 = arith.addi %add3A_205, %all_reduce_population_count3A_214 : vector<16xi32>
    %get3A_216 = arith.constant 320 : index
    %get3A_217 = tpu.vector_load %arg6[%get3A_216] {strides = array<i32>} : memref<1024xi32, #tpu.memory_space<vmem>>, vector<16xi32>,
    %gt3A_218 = vector.broadcast %bitcast_convert_type3A : i32 to vector<16xi32>
    %gt3A_219 = arith.cmpi sgt, %get3A_217, %gt3A_218 : vector<16xi32>
    %get3A_220 = arith.constant 320 : index
    %get3A_221 = tpu.vector_load %arg5[%get3A_220] {strides = array<i32>} : memref<1024xf32, #tpu.memory_space<vmem>>, vector<16xf32>,
    %select_n3A_222 = arith.select %gt3A_219, %get3A_221, %broadcast_in_dim3A_3 : vector<16xi1>, vector<16xf32>
    %add3A_223 = arith.addf %add3A_213, %select_n3A_222 : vector<16xf32>
    %all_reduce_population_count3A_224 = tpu.all_reduce %gt3A_219 {dim = 0 : i64, kind = #tpu.reduction_kind<sum>} : vector<16xi1> -> vector<16xi32>
    %add3A_225 = arith.addi %add3A_215, %all_reduce_population_count3A_224 : vector<16xi32>
    %get3A_226 = arith.constant 336 : index
    %get3A_227 = tpu.vector_load %arg6[%get3A_226] {strides = array<i32>} : memref<1024xi32, #tpu.memory_space<vmem>>, vector<16xi32>,
    %gt3A_228 = vector.broadcast %bitcast_convert_type3A : i32 to vector<16xi32>
    %gt3A_229 = arith.cmpi sgt, %get3A_227, %gt3A_228 : vector<16xi32>
    %get3A_230 = arith.constant 336 : index
    %get3A_231 = tpu.vector_load %arg5[%get3A_230] {strides = array<i32>} : memref<1024xf32, #tpu.memory_space<vmem>>, vector<16xf32>,
    %select_n3A_232 = arith.select %gt3A_229, %get3A_231, %broadcast_in_dim3A_3 : vector<16xi1>, vector<16xf32>
    %add3A_233 = arith.addf %add3A_223, %select_n3A_232 : vector<16xf32>
    %all_reduce_population_count3A_234 = tpu.all_reduce %gt3A_229 {dim = 0 : i64, kind = #tpu.reduction_kind<sum>} : vector<16xi1> -> vector<16xi32>
    %add3A_235 = arith.addi %add3A_225, %all_reduce_population_count3A_234 : vector<16xi32>
    %get3A_236 = arith.constant 352 : index
    %get3A_237 = tpu.vector_load %arg6[%get3A_236] {strides = array<i32>} : memref<1024xi32, #tpu.memory_space<vmem>>, vector<16xi32>,
    %gt3A_238 = vector.broadcast %bitcast_convert_type3A : i32 to vector<16xi32>
    %gt3A_239 = arith.cmpi sgt, %get3A_237, %gt3A_238 : vector<16xi32>
    %get3A_240 = arith.constant 352 : index
    %get3A_241 = tpu.vector_load %arg5[%get3A_240] {strides = array<i32>} : memref<1024xf32, #tpu.memory_space<vmem>>, vector<16xf32>,
    %select_n3A_242 = arith.select %gt3A_239, %get3A_241, %broadcast_in_dim3A_3 : vector<16xi1>, vector<16xf32>
    %add3A_243 = arith.addf %add3A_233, %select_n3A_242 : vector<16xf32>
    %all_reduce_population_count3A_244 = tpu.all_reduce %gt3A_239 {dim = 0 : i64, kind = #tpu.reduction_kind<sum>} : vector<16xi1> -> vector<16xi32>
    %add3A_245 = arith.addi %add3A_235, %all_reduce_population_count3A_244 : vector<16xi32>
    %get3A_246 = arith.constant 368 : index
    %get3A_247 = tpu.vector_load %arg6[%get3A_246] {strides = array<i32>} : memref<1024xi32, #tpu.memory_space<vmem>>, vector<16xi32>,
    %gt3A_248 = vector.broadcast %bitcast_convert_type3A : i32 to vector<16xi32>
    %gt3A_249 = arith.cmpi sgt, %get3A_247, %gt3A_248 : vector<16xi32>
    %get3A_250 = arith.constant 368 : index
    %get3A_251 = tpu.vector_load %arg5[%get3A_250] {strides = array<i32>} : memref<1024xf32, #tpu.memory_space<vmem>>, vector<16xf32>,
    %select_n3A_252 = arith.select %gt3A_249, %get3A_251, %broadcast_in_dim3A_3 : vector<16xi1>, vector<16xf32>
    %add3A_253 = arith.addf %add3A_243, %select_n3A_252 : vector<16xf32>
    %all_reduce_population_count3A_254 = tpu.all_reduce %gt3A_249 {dim = 0 : i64, kind = #tpu.reduction_kind<sum>} : vector<16xi1> -> vector<16xi32>
    %add3A_255 = arith.addi %add3A_245, %all_reduce_population_count3A_254 : vector<16xi32>
    %get3A_256 = arith.constant 384 : index
    %get3A_257 = tpu.vector_load %arg6[%get3A_256] {strides = array<i32>} : memref<1024xi32, #tpu.memory_space<vmem>>, vector<16xi32>,
    %gt3A_258 = vector.broadcast %bitcast_convert_type3A : i32 to vector<16xi32>
    %gt3A_259 = arith.cmpi sgt, %get3A_257, %gt3A_258 : vector<16xi32>
    %get3A_260 = arith.constant 384 : index
    %get3A_261 = tpu.vector_load %arg5[%get3A_260] {strides = array<i32>} : memref<1024xf32, #tpu.memory_space<vmem>>, vector<16xf32>,
    %select_n3A_262 = arith.select %gt3A_259, %get3A_261, %broadcast_in_dim3A_3 : vector<16xi1>, vector<16xf32>
    %add3A_263 = arith.addf %add3A_253, %select_n3A_262 : vector<16xf32>
    %all_reduce_population_count3A_264 = tpu.all_reduce %gt3A_259 {dim = 0 : i64, kind = #tpu.reduction_kind<sum>} : vector<16xi1> -> vector<16xi32>
    %add3A_265 = arith.addi %add3A_255, %all_reduce_population_count3A_264 : vector<16xi32>
    %get3A_266 = arith.constant 400 : index
    %get3A_267 = tpu.vector_load %arg6[%get3A_266] {strides = array<i32>} : memref<1024xi32, #tpu.memory_space<vmem>>, vector<16xi32>,
    %gt3A_268 = vector.broadcast %bitcast_convert_type3A : i32 to vector<16xi32>
    %gt3A_269 = arith.cmpi sgt, %get3A_267, %gt3A_268 : vector<16xi32>
    %get3A_270 = arith.constant 400 : index
    %get3A_271 = tpu.vector_load %arg5[%get3A_270] {strides = array<i32>} : memref<1024xf32, #tpu.memory_space<vmem>>, vector<16xf32>,
    %select_n3A_272 = arith.select %gt3A_269, %get3A_271, %broadcast_in_dim3A_3 : vector<16xi1>, vector<16xf32>
    %add3A_273 = arith.addf %add3A_263, %select_n3A_272 : vector<16xf32>
    %all_reduce_population_count3A_274 = tpu.all_reduce %gt3A_269 {dim = 0 : i64, kind = #tpu.reduction_kind<sum>} : vector<16xi1> -> vector<16xi32>
    %add3A_275 = arith.addi %add3A_265, %all_reduce_population_count3A_274 : vector<16xi32>
    %get3A_276 = arith.constant 416 : index
    %get3A_277 = tpu.vector_load %arg6[%get3A_276] {strides = array<i32>} : memref<1024xi32, #tpu.memory_space<vmem>>, vector<16xi32>,
    %gt3A_278 = vector.broadcast %bitcast_convert_type3A : i32 to vector<16xi32>
    %gt3A_279 = arith.cmpi sgt, %get3A_277, %gt3A_278 : vector<16xi32>
    %get3A_280 = arith.constant 416 : index
    %get3A_281 = tpu.vector_load %arg5[%get3A_280] {strides = array<i32>} : memref<1024xf32, #tpu.memory_space<vmem>>, vector<16xf32>,
    %select_n3A_282 = arith.select %gt3A_279, %get3A_281, %broadcast_in_dim3A_3 : vector<16xi1>, vector<16xf32>
    %add3A_283 = arith.addf %add3A_273, %select_n3A_282 : vector<16xf32>
    %all_reduce_population_count3A_284 = tpu.all_reduce %gt3A_279 {dim = 0 : i64, kind = #tpu.reduction_kind<sum>} : vector<16xi1> -> vector<16xi32>
    %add3A_285 = arith.addi %add3A_275, %all_reduce_population_count3A_284 : vector<16xi32>
    %get3A_286 = arith.constant 432 : index
    %get3A_287 = tpu.vector_load %arg6[%get3A_286] {strides = array<i32>} : memref<1024xi32, #tpu.memory_space<vmem>>, vector<16xi32>,
    %gt3A_288 = vector.broadcast %bitcast_convert_type3A : i32 to vector<16xi32>
    %gt3A_289 = arith.cmpi sgt, %get3A_287, %gt3A_288 : vector<16xi32>
    %get3A_290 = arith.constant 432 : index
    %get3A_291 = tpu.vector_load %arg5[%get3A_290] {strides = array<i32>} : memref<1024xf32, #tpu.memory_space<vmem>>, vector<16xf32>,
    %select_n3A_292 = arith.select %gt3A_289, %get3A_291, %broadcast_in_dim3A_3 : vector<16xi1>, vector<16xf32>
    %add3A_293 = arith.addf %add3A_283, %select_n3A_292 : vector<16xf32>
    %all_reduce_population_count3A_294 = tpu.all_reduce %gt3A_289 {dim = 0 : i64, kind = #tpu.reduction_kind<sum>} : vector<16xi1> -> vector<16xi32>
    %add3A_295 = arith.addi %add3A_285, %all_reduce_population_count3A_294 : vector<16xi32>
    %get3A_296 = arith.constant 448 : index
    %get3A_297 = tpu.vector_load %arg6[%get3A_296] {strides = array<i32>} : memref<1024xi32, #tpu.memory_space<vmem>>, vector<16xi32>,
    %gt3A_298 = vector.broadcast %bitcast_convert_type3A : i32 to vector<16xi32>
    %gt3A_299 = arith.cmpi sgt, %get3A_297, %gt3A_298 : vector<16xi32>
    %get3A_300 = arith.constant 448 : index
    %get3A_301 = tpu.vector_load %arg5[%get3A_300] {strides = array<i32>} : memref<1024xf32, #tpu.memory_space<vmem>>, vector<16xf32>,
    %select_n3A_302 = arith.select %gt3A_299, %get3A_301, %broadcast_in_dim3A_3 : vector<16xi1>, vector<16xf32>
    %add3A_303 = arith.addf %add3A_293, %select_n3A_302 : vector<16xf32>
    %all_reduce_population_count3A_304 = tpu.all_reduce %gt3A_299 {dim = 0 : i64, kind = #tpu.reduction_kind<sum>} : vector<16xi1> -> vector<16xi32>
    %add3A_305 = arith.addi %add3A_295, %all_reduce_population_count3A_304 : vector<16xi32>
    %get3A_306 = arith.constant 464 : index
    %get3A_307 = tpu.vector_load %arg6[%get3A_306] {strides = array<i32>} : memref<1024xi32, #tpu.memory_space<vmem>>, vector<16xi32>,
    %gt3A_308 = vector.broadcast %bitcast_convert_type3A : i32 to vector<16xi32>
    %gt3A_309 = arith.cmpi sgt, %get3A_307, %gt3A_308 : vector<16xi32>
    %get3A_310 = arith.constant 464 : index
    %get3A_311 = tpu.vector_load %arg5[%get3A_310] {strides = array<i32>} : memref<1024xf32, #tpu.memory_space<vmem>>, vector<16xf32>,
    %select_n3A_312 = arith.select %gt3A_309, %get3A_311, %broadcast_in_dim3A_3 : vector<16xi1>, vector<16xf32>
    %add3A_313 = arith.addf %add3A_303, %select_n3A_312 : vector<16xf32>
    %all_reduce_population_count3A_314 = tpu.all_reduce %gt3A_309 {dim = 0 : i64, kind = #tpu.reduction_kind<sum>} : vector<16xi1> -> vector<16xi32>
    %add3A_315 = arith.addi %add3A_305, %all_reduce_population_count3A_314 : vector<16xi32>
    %get3A_316 = arith.constant 480 : index
    %get3A_317 = tpu.vector_load %arg6[%get3A_316] {strides = array<i32>} : memref<1024xi32, #tpu.memory_space<vmem>>, vector<16xi32>,
    %gt3A_318 = vector.broadcast %bitcast_convert_type3A : i32 to vector<16xi32>
    %gt3A_319 = arith.cmpi sgt, %get3A_317, %gt3A_318 : vector<16xi32>
    %get3A_320 = arith.constant 480 : index
    %get3A_321 = tpu.vector_load %arg5[%get3A_320] {strides = array<i32>} : memref<1024xf32, #tpu.memory_space<vmem>>, vector<16xf32>,
    %select_n3A_322 = arith.select %gt3A_319, %get3A_321, %broadcast_in_dim3A_3 : vector<16xi1>, vector<16xf32>
    %add3A_323 = arith.addf %add3A_313, %select_n3A_322 : vector<16xf32>
    %all_reduce_population_count3A_324 = tpu.all_reduce %gt3A_319 {dim = 0 : i64, kind = #tpu.reduction_kind<sum>} : vector<16xi1> -> vector<16xi32>
    %add3A_325 = arith.addi %add3A_315, %all_reduce_population_count3A_324 : vector<16xi32>
    %get3A_326 = arith.constant 496 : index
    %get3A_327 = tpu.vector_load %arg6[%get3A_326] {strides = array<i32>} : memref<1024xi32, #tpu.memory_space<vmem>>, vector<16xi32>,
    %gt3A_328 = vector.broadcast %bitcast_convert_type3A : i32 to vector<16xi32>
    %gt3A_329 = arith.cmpi sgt, %get3A_327, %gt3A_328 : vector<16xi32>
    %get3A_330 = arith.constant 496 : index
    %get3A_331 = tpu.vector_load %arg5[%get3A_330] {strides = array<i32>} : memref<1024xf32, #tpu.memory_space<vmem>>, vector<16xf32>,
    %select_n3A_332 = arith.select %gt3A_329, %get3A_331, %broadcast_in_dim3A_3 : vector<16xi1>, vector<16xf32>
    %add3A_333 = arith.addf %add3A_323, %select_n3A_332 : vector<16xf32>
    %all_reduce_population_count3A_334 = tpu.all_reduce %gt3A_329 {dim = 0 : i64, kind = #tpu.reduction_kind<sum>} : vector<16xi1> -> vector<16xi32>
    %add3A_335 = arith.addi %add3A_325, %all_reduce_population_count3A_334 : vector<16xi32>
    %get3A_336 = arith.constant 512 : index
    %get3A_337 = tpu.vector_load %arg6[%get3A_336] {strides = array<i32>} : memref<1024xi32, #tpu.memory_space<vmem>>, vector<16xi32>,
    %gt3A_338 = vector.broadcast %bitcast_convert_type3A : i32 to vector<16xi32>
    %gt3A_339 = arith.cmpi sgt, %get3A_337, %gt3A_338 : vector<16xi32>
    %get3A_340 = arith.constant 512 : index
    %get3A_341 = tpu.vector_load %arg5[%get3A_340] {strides = array<i32>} : memref<1024xf32, #tpu.memory_space<vmem>>, vector<16xf32>,
    %select_n3A_342 = arith.select %gt3A_339, %get3A_341, %broadcast_in_dim3A_3 : vector<16xi1>, vector<16xf32>
    %add3A_343 = arith.addf %add3A_333, %select_n3A_342 : vector<16xf32>
    %all_reduce_population_count3A_344 = tpu.all_reduce %gt3A_339 {dim = 0 : i64, kind = #tpu.reduction_kind<sum>} : vector<16xi1> -> vector<16xi32>
    %add3A_345 = arith.addi %add3A_335, %all_reduce_population_count3A_344 : vector<16xi32>
    %get3A_346 = arith.constant 528 : index
    %get3A_347 = tpu.vector_load %arg6[%get3A_346] {strides = array<i32>} : memref<1024xi32, #tpu.memory_space<vmem>>, vector<16xi32>,
    %gt3A_348 = vector.broadcast %bitcast_convert_type3A : i32 to vector<16xi32>
    %gt3A_349 = arith.cmpi sgt, %get3A_347, %gt3A_348 : vector<16xi32>
    %get3A_350 = arith.constant 528 : index
    %get3A_351 = tpu.vector_load %arg5[%get3A_350] {strides = array<i32>} : memref<1024xf32, #tpu.memory_space<vmem>>, vector<16xf32>,
    %select_n3A_352 = arith.select %gt3A_349, %get3A_351, %broadcast_in_dim3A_3 : vector<16xi1>, vector<16xf32>
    %add3A_353 = arith.addf %add3A_343, %select_n3A_352 : vector<16xf32>
    %all_reduce_population_count3A_354 = tpu.all_reduce %gt3A_349 {dim = 0 : i64, kind = #tpu.reduction_kind<sum>} : vector<16xi1> -> vector<16xi32>
    %add3A_355 = arith.addi %add3A_345, %all_reduce_population_count3A_354 : vector<16xi32>
    %get3A_356 = arith.constant 544 : index
    %get3A_357 = tpu.vector_load %arg6[%get3A_356] {strides = array<i32>} : memref<1024xi32, #tpu.memory_space<vmem>>, vector<16xi32>,
    %gt3A_358 = vector.broadcast %bitcast_convert_type3A : i32 to vector<16xi32>
    %gt3A_359 = arith.cmpi sgt, %get3A_357, %gt3A_358 : vector<16xi32>
    %get3A_360 = arith.constant 544 : index
    %get3A_361 = tpu.vector_load %arg5[%get3A_360] {strides = array<i32>} : memref<1024xf32, #tpu.memory_space<vmem>>, vector<16xf32>,
    %select_n3A_362 = arith.select %gt3A_359, %get3A_361, %broadcast_in_dim3A_3 : vector<16xi1>, vector<16xf32>
    %add3A_363 = arith.addf %add3A_353, %select_n3A_362 : vector<16xf32>
    %all_reduce_population_count3A_364 = tpu.all_reduce %gt3A_359 {dim = 0 : i64, kind = #tpu.reduction_kind<sum>} : vector<16xi1> -> vector<16xi32>
    %add3A_365 = arith.addi %add3A_355, %all_reduce_population_count3A_364 : vector<16xi32>
    %get3A_366 = arith.constant 560 : index
    %get3A_367 = tpu.vector_load %arg6[%get3A_366] {strides = array<i32>} : memref<1024xi32, #tpu.memory_space<vmem>>, vector<16xi32>,
    %gt3A_368 = vector.broadcast %bitcast_convert_type3A : i32 to vector<16xi32>
    %gt3A_369 = arith.cmpi sgt, %get3A_367, %gt3A_368 : vector<16xi32>
    %get3A_370 = arith.constant 560 : index
    %get3A_371 = tpu.vector_load %arg5[%get3A_370] {strides = array<i32>} : memref<1024xf32, #tpu.memory_space<vmem>>, vector<16xf32>,
    %select_n3A_372 = arith.select %gt3A_369, %get3A_371, %broadcast_in_dim3A_3 : vector<16xi1>, vector<16xf32>
    %add3A_373 = arith.addf %add3A_363, %select_n3A_372 : vector<16xf32>
    %all_reduce_population_count3A_374 = tpu.all_reduce %gt3A_369 {dim = 0 : i64, kind = #tpu.reduction_kind<sum>} : vector<16xi1> -> vector<16xi32>
    %add3A_375 = arith.addi %add3A_365, %all_reduce_population_count3A_374 : vector<16xi32>
    %get3A_376 = arith.constant 576 : index
    %get3A_377 = tpu.vector_load %arg6[%get3A_376] {strides = array<i32>} : memref<1024xi32, #tpu.memory_space<vmem>>, vector<16xi32>,
    %gt3A_378 = vector.broadcast %bitcast_convert_type3A : i32 to vector<16xi32>
    %gt3A_379 = arith.cmpi sgt, %get3A_377, %gt3A_378 : vector<16xi32>
    %get3A_380 = arith.constant 576 : index
    %get3A_381 = tpu.vector_load %arg5[%get3A_380] {strides = array<i32>} : memref<1024xf32, #tpu.memory_space<vmem>>, vector<16xf32>,
    %select_n3A_382 = arith.select %gt3A_379, %get3A_381, %broadcast_in_dim3A_3 : vector<16xi1>, vector<16xf32>
    %add3A_383 = arith.addf %add3A_373, %select_n3A_382 : vector<16xf32>
    %all_reduce_population_count3A_384 = tpu.all_reduce %gt3A_379 {dim = 0 : i64, kind = #tpu.reduction_kind<sum>} : vector<16xi1> -> vector<16xi32>
    %add3A_385 = arith.addi %add3A_375, %all_reduce_population_count3A_384 : vector<16xi32>
    %get3A_386 = arith.constant 592 : index
    %get3A_387 = tpu.vector_load %arg6[%get3A_386] {strides = array<i32>} : memref<1024xi32, #tpu.memory_space<vmem>>, vector<16xi32>,
    %gt3A_388 = vector.broadcast %bitcast_convert_type3A : i32 to vector<16xi32>
    %gt3A_389 = arith.cmpi sgt, %get3A_387, %gt3A_388 : vector<16xi32>
    %get3A_390 = arith.constant 592 : index
    %get3A_391 = tpu.vector_load %arg5[%get3A_390] {strides = array<i32>} : memref<1024xf32, #tpu.memory_space<vmem>>, vector<16xf32>,
    %select_n3A_392 = arith.select %gt3A_389, %get3A_391, %broadcast_in_dim3A_3 : vector<16xi1>, vector<16xf32>
    %add3A_393 = arith.addf %add3A_383, %select_n3A_392 : vector<16xf32>
    %all_reduce_population_count3A_394 = tpu.all_reduce %gt3A_389 {dim = 0 : i64, kind = #tpu.reduction_kind<sum>} : vector<16xi1> -> vector<16xi32>
    %add3A_395 = arith.addi %add3A_385, %all_reduce_population_count3A_394 : vector<16xi32>
    %get3A_396 = arith.constant 608 : index
    %get3A_397 = tpu.vector_load %arg6[%get3A_396] {strides = array<i32>} : memref<1024xi32, #tpu.memory_space<vmem>>, vector<16xi32>,
    %gt3A_398 = vector.broadcast %bitcast_convert_type3A : i32 to vector<16xi32>
    %gt3A_399 = arith.cmpi sgt, %get3A_397, %gt3A_398 : vector<16xi32>
    %get3A_400 = arith.constant 608 : index
    %get3A_401 = tpu.vector_load %arg5[%get3A_400] {strides = array<i32>} : memref<1024xf32, #tpu.memory_space<vmem>>, vector<16xf32>,
    %select_n3A_402 = arith.select %gt3A_399, %get3A_401, %broadcast_in_dim3A_3 : vector<16xi1>, vector<16xf32>
    %add3A_403 = arith.addf %add3A_393, %select_n3A_402 : vector<16xf32>
    %all_reduce_population_count3A_404 = tpu.all_reduce %gt3A_399 {dim = 0 : i64, kind = #tpu.reduction_kind<sum>} : vector<16xi1> -> vector<16xi32>
    %add3A_405 = arith.addi %add3A_395, %all_reduce_population_count3A_404 : vector<16xi32>
    %get3A_406 = arith.constant 624 : index
    %get3A_407 = tpu.vector_load %arg6[%get3A_406] {strides = array<i32>} : memref<1024xi32, #tpu.memory_space<vmem>>, vector<16xi32>,
    %gt3A_408 = vector.broadcast %bitcast_convert_type3A : i32 to vector<16xi32>
    %gt3A_409 = arith.cmpi sgt, %get3A_407, %gt3A_408 : vector<16xi32>
    %get3A_410 = arith.constant 624 : index
    %get3A_411 = tpu.vector_load %arg5[%get3A_410] {strides = array<i32>} : memref<1024xf32, #tpu.memory_space<vmem>>, vector<16xf32>,
    %select_n3A_412 = arith.select %gt3A_409, %get3A_411, %broadcast_in_dim3A_3 : vector<16xi1>, vector<16xf32>
    %add3A_413 = arith.addf %add3A_403, %select_n3A_412 : vector<16xf32>
    %all_reduce_population_count3A_414 = tpu.all_reduce %gt3A_409 {dim = 0 : i64, kind = #tpu.reduction_kind<sum>} : vector<16xi1> -> vector<16xi32>
    %add3A_415 = arith.addi %add3A_405, %all_reduce_population_count3A_414 : vector<16xi32>
    %get3A_416 = arith.constant 640 : index
    %get3A_417 = tpu.vector_load %arg6[%get3A_416] {strides = array<i32>} : memref<1024xi32, #tpu.memory_space<vmem>>, vector<16xi32>,
    %gt3A_418 = vector.broadcast %bitcast_convert_type3A : i32 to vector<16xi32>
    %gt3A_419 = arith.cmpi sgt, %get3A_417, %gt3A_418 : vector<16xi32>
    %get3A_420 = arith.constant 640 : index
    %get3A_421 = tpu.vector_load %arg5[%get3A_420] {strides = array<i32>} : memref<1024xf32, #tpu.memory_space<vmem>>, vector<16xf32>,
    %select_n3A_422 = arith.select %gt3A_419, %get3A_421, %broadcast_in_dim3A_3 : vector<16xi1>, vector<16xf32>
    %add3A_423 = arith.addf %add3A_413, %select_n3A_422 : vector<16xf32>
    %all_reduce_population_count3A_424 = tpu.all_reduce %gt3A_419 {dim = 0 : i64, kind = #tpu.reduction_kind<sum>} : vector<16xi1> -> vector<16xi32>
    %add3A_425 = arith.addi %add3A_415, %all_reduce_population_count3A_424 : vector<16xi32>
    %get3A_426 = arith.constant 656 : index
    %get3A_427 = tpu.vector_load %arg6[%get3A_426] {strides = array<i32>} : memref<1024xi32, #tpu.memory_space<vmem>>, vector<16xi32>,
    %gt3A_428 = vector.broadcast %bitcast_convert_type3A : i32 to vector<16xi32>
    %gt3A_429 = arith.cmpi sgt, %get3A_427, %gt3A_428 : vector<16xi32>
    %get3A_430 = arith.constant 656 : index
    %get3A_431 = tpu.vector_load %arg5[%get3A_430] {strides = array<i32>} : memref<1024xf32, #tpu.memory_space<vmem>>, vector<16xf32>,
    %select_n3A_432 = arith.select %gt3A_429, %get3A_431, %broadcast_in_dim3A_3 : vector<16xi1>, vector<16xf32>
    %add3A_433 = arith.addf %add3A_423, %select_n3A_432 : vector<16xf32>
    %all_reduce_population_count3A_434 = tpu.all_reduce %gt3A_429 {dim = 0 : i64, kind = #tpu.reduction_kind<sum>} : vector<16xi1> -> vector<16xi32>
    %add3A_435 = arith.addi %add3A_425, %all_reduce_population_count3A_434 : vector<16xi32>
    %get3A_436 = arith.constant 672 : index
    %get3A_437 = tpu.vector_load %arg6[%get3A_436] {strides = array<i32>} : memref<1024xi32, #tpu.memory_space<vmem>>, vector<16xi32>,
    %gt3A_438 = vector.broadcast %bitcast_convert_type3A : i32 to vector<16xi32>
    %gt3A_439 = arith.cmpi sgt, %get3A_437, %gt3A_438 : vector<16xi32>
    %get3A_440 = arith.constant 672 : index
    %get3A_441 = tpu.vector_load %arg5[%get3A_440] {strides = array<i32>} : memref<1024xf32, #tpu.memory_space<vmem>>, vector<16xf32>,
    %select_n3A_442 = arith.select %gt3A_439, %get3A_441, %broadcast_in_dim3A_3 : vector<16xi1>, vector<16xf32>
    %add3A_443 = arith.addf %add3A_433, %select_n3A_442 : vector<16xf32>
    %all_reduce_population_count3A_444 = tpu.all_reduce %gt3A_439 {dim = 0 : i64, kind = #tpu.reduction_kind<sum>} : vector<16xi1> -> vector<16xi32>
    %add3A_445 = arith.addi %add3A_435, %all_reduce_population_count3A_444 : vector<16xi32>
    %get3A_446 = arith.constant 688 : index
    %get3A_447 = tpu.vector_load %arg6[%get3A_446] {strides = array<i32>} : memref<1024xi32, #tpu.memory_space<vmem>>, vector<16xi32>,
    %gt3A_448 = vector.broadcast %bitcast_convert_type3A : i32 to vector<16xi32>
    %gt3A_449 = arith.cmpi sgt, %get3A_447, %gt3A_448 : vector<16xi32>
    %get3A_450 = arith.constant 688 : index
    %get3A_451 = tpu.vector_load %arg5[%get3A_450] {strides = array<i32>} : memref<1024xf32, #tpu.memory_space<vmem>>, vector<16xf32>,
    %select_n3A_452 = arith.select %gt3A_449, %get3A_451, %broadcast_in_dim3A_3 : vector<16xi1>, vector<16xf32>
    %add3A_453 = arith.addf %add3A_443, %select_n3A_452 : vector<16xf32>
    %all_reduce_population_count3A_454 = tpu.all_reduce %gt3A_449 {dim = 0 : i64, kind = #tpu.reduction_kind<sum>} : vector<16xi1> -> vector<16xi32>
    %add3A_455 = arith.addi %add3A_445, %all_reduce_population_count3A_454 : vector<16xi32>
    %get3A_456 = arith.constant 704 : index
    %get3A_457 = tpu.vector_load %arg6[%get3A_456] {strides = array<i32>} : memref<1024xi32, #tpu.memory_space<vmem>>, vector<16xi32>,
    %gt3A_458 = vector.broadcast %bitcast_convert_type3A : i32 to vector<16xi32>
    %gt3A_459 = arith.cmpi sgt, %get3A_457, %gt3A_458 : vector<16xi32>
    %get3A_460 = arith.constant 704 : index
    %get3A_461 = tpu.vector_load %arg5[%get3A_460] {strides = array<i32>} : memref<1024xf32, #tpu.memory_space<vmem>>, vector<16xf32>,
    %select_n3A_462 = arith.select %gt3A_459, %get3A_461, %broadcast_in_dim3A_3 : vector<16xi1>, vector<16xf32>
    %add3A_463 = arith.addf %add3A_453, %select_n3A_462 : vector<16xf32>
    %all_reduce_population_count3A_464 = tpu.all_reduce %gt3A_459 {dim = 0 : i64, kind = #tpu.reduction_kind<sum>} : vector<16xi1> -> vector<16xi32>
    %add3A_465 = arith.addi %add3A_455, %all_reduce_population_count3A_464 : vector<16xi32>
    %get3A_466 = arith.constant 720 : index
    %get3A_467 = tpu.vector_load %arg6[%get3A_466] {strides = array<i32>} : memref<1024xi32, #tpu.memory_space<vmem>>, vector<16xi32>,
    %gt3A_468 = vector.broadcast %bitcast_convert_type3A : i32 to vector<16xi32>
    %gt3A_469 = arith.cmpi sgt, %get3A_467, %gt3A_468 : vector<16xi32>
    %get3A_470 = arith.constant 720 : index
    %get3A_471 = tpu.vector_load %arg5[%get3A_470] {strides = array<i32>} : memref<1024xf32, #tpu.memory_space<vmem>>, vector<16xf32>,
    %select_n3A_472 = arith.select %gt3A_469, %get3A_471, %broadcast_in_dim3A_3 : vector<16xi1>, vector<16xf32>
    %add3A_473 = arith.addf %add3A_463, %select_n3A_472 : vector<16xf32>
    %all_reduce_population_count3A_474 = tpu.all_reduce %gt3A_469 {dim = 0 : i64, kind = #tpu.reduction_kind<sum>} : vector<16xi1> -> vector<16xi32>
    %add3A_475 = arith.addi %add3A_465, %all_reduce_population_count3A_474 : vector<16xi32>
    %get3A_476 = arith.constant 736 : index
    %get3A_477 = tpu.vector_load %arg6[%get3A_476] {strides = array<i32>} : memref<1024xi32, #tpu.memory_space<vmem>>, vector<16xi32>,
    %gt3A_478 = vector.broadcast %bitcast_convert_type3A : i32 to vector<16xi32>
    %gt3A_479 = arith.cmpi sgt, %get3A_477, %gt3A_478 : vector<16xi32>
    %get3A_480 = arith.constant 736 : index
    %get3A_481 = tpu.vector_load %arg5[%get3A_480] {strides = array<i32>} : memref<1024xf32, #tpu.memory_space<vmem>>, vector<16xf32>,
    %select_n3A_482 = arith.select %gt3A_479, %get3A_481, %broadcast_in_dim3A_3 : vector<16xi1>, vector<16xf32>
    %add3A_483 = arith.addf %add3A_473, %select_n3A_482 : vector<16xf32>
    %all_reduce_population_count3A_484 = tpu.all_reduce %gt3A_479 {dim = 0 : i64, kind = #tpu.reduction_kind<sum>} : vector<16xi1> -> vector<16xi32>
    %add3A_485 = arith.addi %add3A_475, %all_reduce_population_count3A_484 : vector<16xi32>
    %get3A_486 = arith.constant 752 : index
    %get3A_487 = tpu.vector_load %arg6[%get3A_486] {strides = array<i32>} : memref<1024xi32, #tpu.memory_space<vmem>>, vector<16xi32>,
    %gt3A_488 = vector.broadcast %bitcast_convert_type3A : i32 to vector<16xi32>
    %gt3A_489 = arith.cmpi sgt, %get3A_487, %gt3A_488 : vector<16xi32>
    %get3A_490 = arith.constant 752 : index
    %get3A_491 = tpu.vector_load %arg5[%get3A_490] {strides = array<i32>} : memref<1024xf32, #tpu.memory_space<vmem>>, vector<16xf32>,
    %select_n3A_492 = arith.select %gt3A_489, %get3A_491, %broadcast_in_dim3A_3 : vector<16xi1>, vector<16xf32>
    %add3A_493 = arith.addf %add3A_483, %select_n3A_492 : vector<16xf32>
    %all_reduce_population_count3A_494 = tpu.all_reduce %gt3A_489 {dim = 0 : i64, kind = #tpu.reduction_kind<sum>} : vector<16xi1> -> vector<16xi32>
    %add3A_495 = arith.addi %add3A_485, %all_reduce_population_count3A_494 : vector<16xi32>
    %get3A_496 = arith.constant 768 : index
    %get3A_497 = tpu.vector_load %arg6[%get3A_496] {strides = array<i32>} : memref<1024xi32, #tpu.memory_space<vmem>>, vector<16xi32>,
    %gt3A_498 = vector.broadcast %bitcast_convert_type3A : i32 to vector<16xi32>
    %gt3A_499 = arith.cmpi sgt, %get3A_497, %gt3A_498 : vector<16xi32>
    %get3A_500 = arith.constant 768 : index
    %get3A_501 = tpu.vector_load %arg5[%get3A_500] {strides = array<i32>} : memref<1024xf32, #tpu.memory_space<vmem>>, vector<16xf32>,
    %select_n3A_502 = arith.select %gt3A_499, %get3A_501, %broadcast_in_dim3A_3 : vector<16xi1>, vector<16xf32>
    %add3A_503 = arith.addf %add3A_493, %select_n3A_502 : vector<16xf32>
    %all_reduce_population_count3A_504 = tpu.all_reduce %gt3A_499 {dim = 0 : i64, kind = #tpu.reduction_kind<sum>} : vector<16xi1> -> vector<16xi32>
    %add3A_505 = arith.addi %add3A_495, %all_reduce_population_count3A_504 : vector<16xi32>
    %get3A_506 = arith.constant 784 : index
    %get3A_507 = tpu.vector_load %arg6[%get3A_506] {strides = array<i32>} : memref<1024xi32, #tpu.memory_space<vmem>>, vector<16xi32>,
    %gt3A_508 = vector.broadcast %bitcast_convert_type3A : i32 to vector<16xi32>
    %gt3A_509 = arith.cmpi sgt, %get3A_507, %gt3A_508 : vector<16xi32>
    %get3A_510 = arith.constant 784 : index
    %get3A_511 = tpu.vector_load %arg5[%get3A_510] {strides = array<i32>} : memref<1024xf32, #tpu.memory_space<vmem>>, vector<16xf32>,
    %select_n3A_512 = arith.select %gt3A_509, %get3A_511, %broadcast_in_dim3A_3 : vector<16xi1>, vector<16xf32>
    %add3A_513 = arith.addf %add3A_503, %select_n3A_512 : vector<16xf32>
    %all_reduce_population_count3A_514 = tpu.all_reduce %gt3A_509 {dim = 0 : i64, kind = #tpu.reduction_kind<sum>} : vector<16xi1> -> vector<16xi32>
    %add3A_515 = arith.addi %add3A_505, %all_reduce_population_count3A_514 : vector<16xi32>
    %get3A_516 = arith.constant 800 : index
    %get3A_517 = tpu.vector_load %arg6[%get3A_516] {strides = array<i32>} : memref<1024xi32, #tpu.memory_space<vmem>>, vector<16xi32>,
    %gt3A_518 = vector.broadcast %bitcast_convert_type3A : i32 to vector<16xi32>
    %gt3A_519 = arith.cmpi sgt, %get3A_517, %gt3A_518 : vector<16xi32>
    %get3A_520 = arith.constant 800 : index
    %get3A_521 = tpu.vector_load %arg5[%get3A_520] {strides = array<i32>} : memref<1024xf32, #tpu.memory_space<vmem>>, vector<16xf32>,
    %select_n3A_522 = arith.select %gt3A_519, %get3A_521, %broadcast_in_dim3A_3 : vector<16xi1>, vector<16xf32>
    %add3A_523 = arith.addf %add3A_513, %select_n3A_522 : vector<16xf32>
    %all_reduce_population_count3A_524 = tpu.all_reduce %gt3A_519 {dim = 0 : i64, kind = #tpu.reduction_kind<sum>} : vector<16xi1> -> vector<16xi32>
    %add3A_525 = arith.addi %add3A_515, %all_reduce_population_count3A_524 : vector<16xi32>
    %get3A_526 = arith.constant 816 : index
    %get3A_527 = tpu.vector_load %arg6[%get3A_526] {strides = array<i32>} : memref<1024xi32, #tpu.memory_space<vmem>>, vector<16xi32>,
    %gt3A_528 = vector.broadcast %bitcast_convert_type3A : i32 to vector<16xi32>
    %gt3A_529 = arith.cmpi sgt, %get3A_527, %gt3A_528 : vector<16xi32>
    %get3A_530 = arith.constant 816 : index
    %get3A_531 = tpu.vector_load %arg5[%get3A_530] {strides = array<i32>} : memref<1024xf32, #tpu.memory_space<vmem>>, vector<16xf32>,
    %select_n3A_532 = arith.select %gt3A_529, %get3A_531, %broadcast_in_dim3A_3 : vector<16xi1>, vector<16xf32>
    %add3A_533 = arith.addf %add3A_523, %select_n3A_532 : vector<16xf32>
    %all_reduce_population_count3A_534 = tpu.all_reduce %gt3A_529 {dim = 0 : i64, kind = #tpu.reduction_kind<sum>} : vector<16xi1> -> vector<16xi32>
    %add3A_535 = arith.addi %add3A_525, %all_reduce_population_count3A_534 : vector<16xi32>
    %get3A_536 = arith.constant 832 : index
    %get3A_537 = tpu.vector_load %arg6[%get3A_536] {strides = array<i32>} : memref<1024xi32, #tpu.memory_space<vmem>>, vector<16xi32>,
    %gt3A_538 = vector.broadcast %bitcast_convert_type3A : i32 to vector<16xi32>
    %gt3A_539 = arith.cmpi sgt, %get3A_537, %gt3A_538 : vector<16xi32>
    %get3A_540 = arith.constant 832 : index
    %get3A_541 = tpu.vector_load %arg5[%get3A_540] {strides = array<i32>} : memref<1024xf32, #tpu.memory_space<vmem>>, vector<16xf32>,
    %select_n3A_542 = arith.select %gt3A_539, %get3A_541, %broadcast_in_dim3A_3 : vector<16xi1>, vector<16xf32>
    %add3A_543 = arith.addf %add3A_533, %select_n3A_542 : vector<16xf32>
    %all_reduce_population_count3A_544 = tpu.all_reduce %gt3A_539 {dim = 0 : i64, kind = #tpu.reduction_kind<sum>} : vector<16xi1> -> vector<16xi32>
    %add3A_545 = arith.addi %add3A_535, %all_reduce_population_count3A_544 : vector<16xi32>
    %get3A_546 = arith.constant 848 : index
    %get3A_547 = tpu.vector_load %arg6[%get3A_546] {strides = array<i32>} : memref<1024xi32, #tpu.memory_space<vmem>>, vector<16xi32>,
    %gt3A_548 = vector.broadcast %bitcast_convert_type3A : i32 to vector<16xi32>
    %gt3A_549 = arith.cmpi sgt, %get3A_547, %gt3A_548 : vector<16xi32>
    %get3A_550 = arith.constant 848 : index
    %get3A_551 = tpu.vector_load %arg5[%get3A_550] {strides = array<i32>} : memref<1024xf32, #tpu.memory_space<vmem>>, vector<16xf32>,
    %select_n3A_552 = arith.select %gt3A_549, %get3A_551, %broadcast_in_dim3A_3 : vector<16xi1>, vector<16xf32>
    %add3A_553 = arith.addf %add3A_543, %select_n3A_552 : vector<16xf32>
    %all_reduce_population_count3A_554 = tpu.all_reduce %gt3A_549 {dim = 0 : i64, kind = #tpu.reduction_kind<sum>} : vector<16xi1> -> vector<16xi32>
    %add3A_555 = arith.addi %add3A_545, %all_reduce_population_count3A_554 : vector<16xi32>
    %get3A_556 = arith.constant 864 : index
    %get3A_557 = tpu.vector_load %arg6[%get3A_556] {strides = array<i32>} : memref<1024xi32, #tpu.memory_space<vmem>>, vector<16xi32>,
    %gt3A_558 = vector.broadcast %bitcast_convert_type3A : i32 to vector<16xi32>
    %gt3A_559 = arith.cmpi sgt, %get3A_557, %gt3A_558 : vector<16xi32>
    %get3A_560 = arith.constant 864 : index
    %get3A_561 = tpu.vector_load %arg5[%get3A_560] {strides = array<i32>} : memref<1024xf32, #tpu.memory_space<vmem>>, vector<16xf32>,
    %select_n3A_562 = arith.select %gt3A_559, %get3A_561, %broadcast_in_dim3A_3 : vector<16xi1>, vector<16xf32>
    %add3A_563 = arith.addf %add3A_553, %select_n3A_562 : vector<16xf32>
    %all_reduce_population_count3A_564 = tpu.all_reduce %gt3A_559 {dim = 0 : i64, kind = #tpu.reduction_kind<sum>} : vector<16xi1> -> vector<16xi32>
    %add3A_565 = arith.addi %add3A_555, %all_reduce_population_count3A_564 : vector<16xi32>
    %get3A_566 = arith.constant 880 : index
    %get3A_567 = tpu.vector_load %arg6[%get3A_566] {strides = array<i32>} : memref<1024xi32, #tpu.memory_space<vmem>>, vector<16xi32>,
    %gt3A_568 = vector.broadcast %bitcast_convert_type3A : i32 to vector<16xi32>
    %gt3A_569 = arith.cmpi sgt, %get3A_567, %gt3A_568 : vector<16xi32>
    %get3A_570 = arith.constant 880 : index
    %get3A_571 = tpu.vector_load %arg5[%get3A_570] {strides = array<i32>} : memref<1024xf32, #tpu.memory_space<vmem>>, vector<16xf32>,
    %select_n3A_572 = arith.select %gt3A_569, %get3A_571, %broadcast_in_dim3A_3 : vector<16xi1>, vector<16xf32>
    %add3A_573 = arith.addf %add3A_563, %select_n3A_572 : vector<16xf32>
    %all_reduce_population_count3A_574 = tpu.all_reduce %gt3A_569 {dim = 0 : i64, kind = #tpu.reduction_kind<sum>} : vector<16xi1> -> vector<16xi32>
    %add3A_575 = arith.addi %add3A_565, %all_reduce_population_count3A_574 : vector<16xi32>
    %get3A_576 = arith.constant 896 : index
    %get3A_577 = tpu.vector_load %arg6[%get3A_576] {strides = array<i32>} : memref<1024xi32, #tpu.memory_space<vmem>>, vector<16xi32>,
    %gt3A_578 = vector.broadcast %bitcast_convert_type3A : i32 to vector<16xi32>
    %gt3A_579 = arith.cmpi sgt, %get3A_577, %gt3A_578 : vector<16xi32>
    %get3A_580 = arith.constant 896 : index
    %get3A_581 = tpu.vector_load %arg5[%get3A_580] {strides = array<i32>} : memref<1024xf32, #tpu.memory_space<vmem>>, vector<16xf32>,
    %select_n3A_582 = arith.select %gt3A_579, %get3A_581, %broadcast_in_dim3A_3 : vector<16xi1>, vector<16xf32>
    %add3A_583 = arith.addf %add3A_573, %select_n3A_582 : vector<16xf32>
    %all_reduce_population_count3A_584 = tpu.all_reduce %gt3A_579 {dim = 0 : i64, kind = #tpu.reduction_kind<sum>} : vector<16xi1> -> vector<16xi32>
    %add3A_585 = arith.addi %add3A_575, %all_reduce_population_count3A_584 : vector<16xi32>
    %get3A_586 = arith.constant 912 : index
    %get3A_587 = tpu.vector_load %arg6[%get3A_586] {strides = array<i32>} : memref<1024xi32, #tpu.memory_space<vmem>>, vector<16xi32>,
    %gt3A_588 = vector.broadcast %bitcast_convert_type3A : i32 to vector<16xi32>
    %gt3A_589 = arith.cmpi sgt, %get3A_587, %gt3A_588 : vector<16xi32>
    %get3A_590 = arith.constant 912 : index
    %get3A_591 = tpu.vector_load %arg5[%get3A_590] {strides = array<i32>} : memref<1024xf32, #tpu.memory_space<vmem>>, vector<16xf32>,
    %select_n3A_592 = arith.select %gt3A_589, %get3A_591, %broadcast_in_dim3A_3 : vector<16xi1>, vector<16xf32>
    %add3A_593 = arith.addf %add3A_583, %select_n3A_592 : vector<16xf32>
    %all_reduce_population_count3A_594 = tpu.all_reduce %gt3A_589 {dim = 0 : i64, kind = #tpu.reduction_kind<sum>} : vector<16xi1> -> vector<16xi32>
    %add3A_595 = arith.addi %add3A_585, %all_reduce_population_count3A_594 : vector<16xi32>
    %get3A_596 = arith.constant 928 : index
    %get3A_597 = tpu.vector_load %arg6[%get3A_596] {strides = array<i32>} : memref<1024xi32, #tpu.memory_space<vmem>>, vector<16xi32>,
    %gt3A_598 = vector.broadcast %bitcast_convert_type3A : i32 to vector<16xi32>
    %gt3A_599 = arith.cmpi sgt, %get3A_597, %gt3A_598 : vector<16xi32>
    %get3A_600 = arith.constant 928 : index
    %get3A_601 = tpu.vector_load %arg5[%get3A_600] {strides = array<i32>} : memref<1024xf32, #tpu.memory_space<vmem>>, vector<16xf32>,
    %select_n3A_602 = arith.select %gt3A_599, %get3A_601, %broadcast_in_dim3A_3 : vector<16xi1>, vector<16xf32>
    %add3A_603 = arith.addf %add3A_593, %select_n3A_602 : vector<16xf32>
    %all_reduce_population_count3A_604 = tpu.all_reduce %gt3A_599 {dim = 0 : i64, kind = #tpu.reduction_kind<sum>} : vector<16xi1> -> vector<16xi32>
    %add3A_605 = arith.addi %add3A_595, %all_reduce_population_count3A_604 : vector<16xi32>
    %get3A_606 = arith.constant 944 : index
    %get3A_607 = tpu.vector_load %arg6[%get3A_606] {strides = array<i32>} : memref<1024xi32, #tpu.memory_space<vmem>>, vector<16xi32>,
    %gt3A_608 = vector.broadcast %bitcast_convert_type3A : i32 to vector<16xi32>
    %gt3A_609 = arith.cmpi sgt, %get3A_607, %gt3A_608 : vector<16xi32>
    %get3A_610 = arith.constant 944 : index
    %get3A_611 = tpu.vector_load %arg5[%get3A_610] {strides = array<i32>} : memref<1024xf32, #tpu.memory_space<vmem>>, vector<16xf32>,
    %select_n3A_612 = arith.select %gt3A_609, %get3A_611, %broadcast_in_dim3A_3 : vector<16xi1>, vector<16xf32>
    %add3A_613 = arith.addf %add3A_603, %select_n3A_612 : vector<16xf32>
    %all_reduce_population_count3A_614 = tpu.all_reduce %gt3A_609 {dim = 0 : i64, kind = #tpu.reduction_kind<sum>} : vector<16xi1> -> vector<16xi32>
    %add3A_615 = arith.addi %add3A_605, %all_reduce_population_count3A_614 : vector<16xi32>
    %get3A_616 = arith.constant 960 : index
    %get3A_617 = tpu.vector_load %arg6[%get3A_616] {strides = array<i32>} : memref<1024xi32, #tpu.memory_space<vmem>>, vector<16xi32>,
    %gt3A_618 = vector.broadcast %bitcast_convert_type3A : i32 to vector<16xi32>
    %gt3A_619 = arith.cmpi sgt, %get3A_617, %gt3A_618 : vector<16xi32>
    %get3A_620 = arith.constant 960 : index
    %get3A_621 = tpu.vector_load %arg5[%get3A_620] {strides = array<i32>} : memref<1024xf32, #tpu.memory_space<vmem>>, vector<16xf32>,
    %select_n3A_622 = arith.select %gt3A_619, %get3A_621, %broadcast_in_dim3A_3 : vector<16xi1>, vector<16xf32>
    %add3A_623 = arith.addf %add3A_613, %select_n3A_622 : vector<16xf32>
    %all_reduce_population_count3A_624 = tpu.all_reduce %gt3A_619 {dim = 0 : i64, kind = #tpu.reduction_kind<sum>} : vector<16xi1> -> vector<16xi32>
    %add3A_625 = arith.addi %add3A_615, %all_reduce_population_count3A_624 : vector<16xi32>
    %get3A_626 = arith.constant 976 : index
    %get3A_627 = tpu.vector_load %arg6[%get3A_626] {strides = array<i32>} : memref<1024xi32, #tpu.memory_space<vmem>>, vector<16xi32>,
    %gt3A_628 = vector.broadcast %bitcast_convert_type3A : i32 to vector<16xi32>
    %gt3A_629 = arith.cmpi sgt, %get3A_627, %gt3A_628 : vector<16xi32>
    %get3A_630 = arith.constant 976 : index
    %get3A_631 = tpu.vector_load %arg5[%get3A_630] {strides = array<i32>} : memref<1024xf32, #tpu.memory_space<vmem>>, vector<16xf32>,
    %select_n3A_632 = arith.select %gt3A_629, %get3A_631, %broadcast_in_dim3A_3 : vector<16xi1>, vector<16xf32>
    %add3A_633 = arith.addf %add3A_623, %select_n3A_632 : vector<16xf32>
    %all_reduce_population_count3A_634 = tpu.all_reduce %gt3A_629 {dim = 0 : i64, kind = #tpu.reduction_kind<sum>} : vector<16xi1> -> vector<16xi32>
    %add3A_635 = arith.addi %add3A_625, %all_reduce_population_count3A_634 : vector<16xi32>
    %get3A_636 = arith.constant 992 : index
    %get3A_637 = tpu.vector_load %arg6[%get3A_636] {strides = array<i32>} : memref<1024xi32, #tpu.memory_space<vmem>>, vector<16xi32>,
    %gt3A_638 = vector.broadcast %bitcast_convert_type3A : i32 to vector<16xi32>
    %gt3A_639 = arith.cmpi sgt, %get3A_637, %gt3A_638 : vector<16xi32>
    %get3A_640 = arith.constant 992 : index
    %get3A_641 = tpu.vector_load %arg5[%get3A_640] {strides = array<i32>} : memref<1024xf32, #tpu.memory_space<vmem>>, vector<16xf32>,
    %select_n3A_642 = arith.select %gt3A_639, %get3A_641, %broadcast_in_dim3A_3 : vector<16xi1>, vector<16xf32>
    %add3A_643 = arith.addf %add3A_633, %select_n3A_642 : vector<16xf32>
    %all_reduce_population_count3A_644 = tpu.all_reduce %gt3A_639 {dim = 0 : i64, kind = #tpu.reduction_kind<sum>} : vector<16xi1> -> vector<16xi32>
    %add3A_645 = arith.addi %add3A_635, %all_reduce_population_count3A_644 : vector<16xi32>
    %get3A_646 = arith.constant 1008 : index
    %get3A_647 = tpu.vector_load %arg6[%get3A_646] {strides = array<i32>} : memref<1024xi32, #tpu.memory_space<vmem>>, vector<16xi32>,
    %gt3A_648 = vector.broadcast %bitcast_convert_type3A : i32 to vector<16xi32>
    %gt3A_649 = arith.cmpi sgt, %get3A_647, %gt3A_648 : vector<16xi32>
    %get3A_650 = arith.constant 1008 : index
    %get3A_651 = tpu.vector_load %arg5[%get3A_650] {strides = array<i32>} : memref<1024xf32, #tpu.memory_space<vmem>>, vector<16xf32>,
    %select_n3A_652 = arith.select %gt3A_649, %get3A_651, %broadcast_in_dim3A_3 : vector<16xi1>, vector<16xf32>
    %add3A_653 = arith.addf %add3A_643, %select_n3A_652 : vector<16xf32>
    %all_reduce_population_count3A_654 = tpu.all_reduce %gt3A_649 {dim = 0 : i64, kind = #tpu.reduction_kind<sum>} : vector<16xi1> -> vector<16xi32>
    %add3A_655 = arith.addi %add3A_645, %all_reduce_population_count3A_654 : vector<16xi32>
    %swap3A = arith.constant 0 : index
    %swap3A_656 = tpu.vector_load %arg7[%swap3A] {strides = array<i32>} : memref<16xf32, #tpu.memory_space<vmem>>, vector<16xf32>,
    tpu.vector_store %arg7[%swap3A], %add3A_653 {strides = array<i32>} : memref<16xf32, #tpu.memory_space<vmem>>, vector<16xf32>,
    %mul3A_657 = arith.constant 16 : i32
    %mul3A_658 = arith.muli %arg1, %mul3A_657 : i32
    %run_scoped3A = arith.constant 32 : i32
    "tpu.region"() ({
      %run_scoped3A_670 = tpu.sem_alloc : memref<!tpu.dma_semaphore, #tpu.memory_space<semaphore_mem>>
      %dma_start3A = tpu.memref_slice %arg9[%run_scoped3A, %mul3A_658] : memref<34x256xf32, #tpu.memory_space<vmem_shared>> -> memref<1x16xf32, #tpu.memory_space<vmem_shared>>
      %dma_start3A_671 = tpu.memref_squeeze %dma_start3A : memref<1x16xf32, #tpu.memory_space<vmem_shared>> -> memref<16xf32, #tpu.memory_space<vmem_shared>>
      %dma_start3A_672 = tpu.memref_slice %arg9[%run_scoped3A, %mul3A_658] : memref<34x256xf32, #tpu.memory_space<vmem_shared>> -> memref<1x16xf32, #tpu.memory_space<vmem_shared>>
      %dma_start3A_673 = tpu.memref_squeeze %dma_start3A_672 : memref<1x16xf32, #tpu.memory_space<vmem_shared>> -> memref<16xf32, #tpu.memory_space<vmem_shared>>
      tpu.enqueue_dma source(%arg7 : memref<16xf32, #tpu.memory_space<vmem>>) target(%dma_start3A_673 : memref<16xf32, #tpu.memory_space<vmem_shared>>) target_semaphore(%run_scoped3A_670 : memref<!tpu.dma_semaphore, #tpu.memory_space<semaphore_mem>>)
      %dma_wait3A = tpu.memref_slice %arg9[%run_scoped3A, %mul3A_658] : memref<34x256xf32, #tpu.memory_space<vmem_shared>> -> memref<1x16xf32, #tpu.memory_space<vmem_shared>>
      %dma_wait3A_674 = tpu.memref_squeeze %dma_wait3A : memref<1x16xf32, #tpu.memory_space<vmem_shared>> -> memref<16xf32, #tpu.memory_space<vmem_shared>>
      %dma_wait3A_675 = tpu.memref_slice %arg9[%run_scoped3A, %mul3A_658] : memref<34x256xf32, #tpu.memory_space<vmem_shared>> -> memref<1x16xf32, #tpu.memory_space<vmem_shared>>
      %dma_wait3A_676 = tpu.memref_squeeze %dma_wait3A_675 : memref<1x16xf32, #tpu.memory_space<vmem_shared>> -> memref<16xf32, #tpu.memory_space<vmem_shared>>
      tpu.wait_dma2 semaphore(%run_scoped3A_670 : memref<!tpu.dma_semaphore, #tpu.memory_space<semaphore_mem>>) src(%arg7 : memref<16xf32, #tpu.memory_space<vmem>>) dst(%dma_wait3A_676 : memref<16xf32, #tpu.memory_space<vmem_shared>>)
      tpu.yield
    }) : () -> ()
    %convert_element_type3A = arith.sitofp %add3A_655 : vector<16xi32> to vector<16xf32>
    %jit3A = arith.constant 0.000000e+00 : f32
    %broadcast_in_dim3A_659 = vector.broadcast %jit3A : f32 to vector<16xf32>
    %select_n3A_660 = arith.select %eq3A_2, %convert_element_type3A, %broadcast_in_dim3A_659 : vector<16xi1>, vector<16xf32>
    %swap3A_661 = arith.constant 0 : index
    %swap3A_662 = tpu.vector_load %arg7[%swap3A_661] {strides = array<i32>} : memref<16xf32, #tpu.memory_space<vmem>>, vector<16xf32>,
    tpu.vector_store %arg7[%swap3A_661], %select_n3A_660 {strides = array<i32>} : memref<16xf32, #tpu.memory_space<vmem>>, vector<16xf32>,
    %mul3A_663 = arith.constant 16 : i32
    %mul3A_664 = arith.muli %arg1, %mul3A_663 : i32
    %run_scoped3A_665 = arith.constant 33 : i32
    "tpu.region"() ({
      %run_scoped3A_670 = tpu.sem_alloc : memref<!tpu.dma_semaphore, #tpu.memory_space<semaphore_mem>>
      %dma_start3A = tpu.memref_slice %arg9[%run_scoped3A_665, %mul3A_664] : memref<34x256xf32, #tpu.memory_space<vmem_shared>> -> memref<1x16xf32, #tpu.memory_space<vmem_shared>>
      %dma_start3A_671 = tpu.memref_squeeze %dma_start3A : memref<1x16xf32, #tpu.memory_space<vmem_shared>> -> memref<16xf32, #tpu.memory_space<vmem_shared>>
      %dma_start3A_672 = tpu.memref_slice %arg9[%run_scoped3A_665, %mul3A_664] : memref<34x256xf32, #tpu.memory_space<vmem_shared>> -> memref<1x16xf32, #tpu.memory_space<vmem_shared>>
      %dma_start3A_673 = tpu.memref_squeeze %dma_start3A_672 : memref<1x16xf32, #tpu.memory_space<vmem_shared>> -> memref<16xf32, #tpu.memory_space<vmem_shared>>
      tpu.enqueue_dma source(%arg7 : memref<16xf32, #tpu.memory_space<vmem>>) target(%dma_start3A_673 : memref<16xf32, #tpu.memory_space<vmem_shared>>) target_semaphore(%run_scoped3A_670 : memref<!tpu.dma_semaphore, #tpu.memory_space<semaphore_mem>>)
      %dma_wait3A = tpu.memref_slice %arg9[%run_scoped3A_665, %mul3A_664] : memref<34x256xf32, #tpu.memory_space<vmem_shared>> -> memref<1x16xf32, #tpu.memory_space<vmem_shared>>
      %dma_wait3A_674 = tpu.memref_squeeze %dma_wait3A : memref<1x16xf32, #tpu.memory_space<vmem_shared>> -> memref<16xf32, #tpu.memory_space<vmem_shared>>
      %dma_wait3A_675 = tpu.memref_slice %arg9[%run_scoped3A_665, %mul3A_664] : memref<34x256xf32, #tpu.memory_space<vmem_shared>> -> memref<1x16xf32, #tpu.memory_space<vmem_shared>>
      %dma_wait3A_676 = tpu.memref_squeeze %dma_wait3A_675 : memref<1x16xf32, #tpu.memory_space<vmem_shared>> -> memref<16xf32, #tpu.memory_space<vmem_shared>>
      tpu.wait_dma2 semaphore(%run_scoped3A_670 : memref<!tpu.dma_semaphore, #tpu.memory_space<semaphore_mem>>) src(%arg7 : memref<16xf32, #tpu.memory_space<vmem>>) dst(%dma_wait3A_676 : memref<16xf32, #tpu.memory_space<vmem_shared>>)
      tpu.yield
    }) : () -> ()
    %barrier3A = arith.constant 0 : index
    tpu.barrier barrier_id(%barrier3A)
    %eq3A_666 = arith.constant 0 : i32
    %eq3A_667 = arith.cmpi eq, %arg1, %eq3A_666 : i32
    %convert_element_type3A_668 = arith.extui %eq3A_667 : i1 to i32
    %cond3A = arith.constant 0 : i32
    %cond3A_669 = arith.cmpi ne, %convert_element_type3A_668, %cond3A : i32
    scf.if %cond3A_669 {
      %run_scoped3A_670 = arith.constant 32 : i32
      "tpu.region"() ({
        %run_scoped3A_831 = tpu.sem_alloc : memref<!tpu.dma_semaphore, #tpu.memory_space<semaphore_mem>>
        %dma_start3A = arith.constant 0 : i32
        %dma_start3A_832 = tpu.memref_slice %arg9[%run_scoped3A_670, %dma_start3A] : memref<34x256xf32, #tpu.memory_space<vmem_shared>> -> memref<1x256xf32, #tpu.memory_space<vmem_shared>>
        %dma_start3A_833 = tpu.memref_squeeze %dma_start3A_832 : memref<1x256xf32, #tpu.memory_space<vmem_shared>> -> memref<256xf32, #tpu.memory_space<vmem_shared>>
        %dma_start3A_834 = arith.constant 0 : i32
        %dma_start3A_835 = tpu.memref_slice %arg9[%run_scoped3A_670, %dma_start3A_834] : memref<34x256xf32, #tpu.memory_space<vmem_shared>> -> memref<1x256xf32, #tpu.memory_space<vmem_shared>>
        %dma_start3A_836 = tpu.memref_squeeze %dma_start3A_835 : memref<1x256xf32, #tpu.memory_space<vmem_shared>> -> memref<256xf32, #tpu.memory_space<vmem_shared>>
        tpu.enqueue_dma source(%dma_start3A_836 : memref<256xf32, #tpu.memory_space<vmem_shared>>) target(%arg8 : memref<256xf32, #tpu.memory_space<vmem>>) target_semaphore(%run_scoped3A_831 : memref<!tpu.dma_semaphore, #tpu.memory_space<semaphore_mem>>)
        %dma_wait3A = arith.constant 0 : i32
        %dma_wait3A_837 = tpu.memref_slice %arg9[%run_scoped3A_670, %dma_wait3A] : memref<34x256xf32, #tpu.memory_space<vmem_shared>> -> memref<1x256xf32, #tpu.memory_space<vmem_shared>>
        %dma_wait3A_838 = tpu.memref_squeeze %dma_wait3A_837 : memref<1x256xf32, #tpu.memory_space<vmem_shared>> -> memref<256xf32, #tpu.memory_space<vmem_shared>>
        %dma_wait3A_839 = arith.constant 0 : i32
        %dma_wait3A_840 = tpu.memref_slice %arg9[%run_scoped3A_670, %dma_wait3A_839] : memref<34x256xf32, #tpu.memory_space<vmem_shared>> -> memref<1x256xf32, #tpu.memory_space<vmem_shared>>
        %dma_wait3A_841 = tpu.memref_squeeze %dma_wait3A_840 : memref<1x256xf32, #tpu.memory_space<vmem_shared>> -> memref<256xf32, #tpu.memory_space<vmem_shared>>
        tpu.wait_dma2 semaphore(%run_scoped3A_831 : memref<!tpu.dma_semaphore, #tpu.memory_space<semaphore_mem>>) src(%dma_wait3A_841 : memref<256xf32, #tpu.memory_space<vmem_shared>>) dst(%arg8 : memref<256xf32, #tpu.memory_space<vmem>>)
        tpu.yield
      }) : () -> ()
      %get3A_671 = arith.constant 0 : index
      %get3A_672 = tpu.vector_load %arg8[%get3A_671] {strides = array<i32>} : memref<256xf32, #tpu.memory_space<vmem>>, vector<16xf32>,
      %get3A_673 = arith.constant 16 : index
      %get3A_674 = tpu.vector_load %arg8[%get3A_673] {strides = array<i32>} : memref<256xf32, #tpu.memory_space<vmem>>, vector<16xf32>,
      %add3A_675 = arith.addf %get3A_672, %get3A_674 : vector<16xf32>
      %get3A_676 = arith.constant 32 : index
      %get3A_677 = tpu.vector_load %arg8[%get3A_676] {strides = array<i32>} : memref<256xf32, #tpu.memory_space<vmem>>, vector<16xf32>,
      %add3A_678 = arith.addf %add3A_675, %get3A_677 : vector<16xf32>
      %get3A_679 = arith.constant 48 : index
      %get3A_680 = tpu.vector_load %arg8[%get3A_679] {strides = array<i32>} : memref<256xf32, #tpu.memory_space<vmem>>, vector<16xf32>,
      %add3A_681 = arith.addf %add3A_678, %get3A_680 : vector<16xf32>
      %get3A_682 = arith.constant 64 : index
      %get3A_683 = tpu.vector_load %arg8[%get3A_682] {strides = array<i32>} : memref<256xf32, #tpu.memory_space<vmem>>, vector<16xf32>,
      %add3A_684 = arith.addf %add3A_681, %get3A_683 : vector<16xf32>
      %get3A_685 = arith.constant 80 : index
      %get3A_686 = tpu.vector_load %arg8[%get3A_685] {strides = array<i32>} : memref<256xf32, #tpu.memory_space<vmem>>, vector<16xf32>,
      %add3A_687 = arith.addf %add3A_684, %get3A_686 : vector<16xf32>
      %get3A_688 = arith.constant 96 : index
      %get3A_689 = tpu.vector_load %arg8[%get3A_688] {strides = array<i32>} : memref<256xf32, #tpu.memory_space<vmem>>, vector<16xf32>,
      %add3A_690 = arith.addf %add3A_687, %get3A_689 : vector<16xf32>
      %get3A_691 = arith.constant 112 : index
      %get3A_692 = tpu.vector_load %arg8[%get3A_691] {strides = array<i32>} : memref<256xf32, #tpu.memory_space<vmem>>, vector<16xf32>,
      %add3A_693 = arith.addf %add3A_690, %get3A_692 : vector<16xf32>
      %get3A_694 = arith.constant 128 : index
      %get3A_695 = tpu.vector_load %arg8[%get3A_694] {strides = array<i32>} : memref<256xf32, #tpu.memory_space<vmem>>, vector<16xf32>,
      %add3A_696 = arith.addf %add3A_693, %get3A_695 : vector<16xf32>
      %get3A_697 = arith.constant 144 : index
      %get3A_698 = tpu.vector_load %arg8[%get3A_697] {strides = array<i32>} : memref<256xf32, #tpu.memory_space<vmem>>, vector<16xf32>,
      %add3A_699 = arith.addf %add3A_696, %get3A_698 : vector<16xf32>
      %get3A_700 = arith.constant 160 : index
      %get3A_701 = tpu.vector_load %arg8[%get3A_700] {strides = array<i32>} : memref<256xf32, #tpu.memory_space<vmem>>, vector<16xf32>,
      %add3A_702 = arith.addf %add3A_699, %get3A_701 : vector<16xf32>
      %get3A_703 = arith.constant 176 : index
      %get3A_704 = tpu.vector_load %arg8[%get3A_703] {strides = array<i32>} : memref<256xf32, #tpu.memory_space<vmem>>, vector<16xf32>,
      %add3A_705 = arith.addf %add3A_702, %get3A_704 : vector<16xf32>
      %get3A_706 = arith.constant 192 : index
      %get3A_707 = tpu.vector_load %arg8[%get3A_706] {strides = array<i32>} : memref<256xf32, #tpu.memory_space<vmem>>, vector<16xf32>,
      %add3A_708 = arith.addf %add3A_705, %get3A_707 : vector<16xf32>
      %get3A_709 = arith.constant 208 : index
      %get3A_710 = tpu.vector_load %arg8[%get3A_709] {strides = array<i32>} : memref<256xf32, #tpu.memory_space<vmem>>, vector<16xf32>,
      %add3A_711 = arith.addf %add3A_708, %get3A_710 : vector<16xf32>
      %get3A_712 = arith.constant 224 : index
      %get3A_713 = tpu.vector_load %arg8[%get3A_712] {strides = array<i32>} : memref<256xf32, #tpu.memory_space<vmem>>, vector<16xf32>,
      %add3A_714 = arith.addf %add3A_711, %get3A_713 : vector<16xf32>
      %get3A_715 = arith.constant 240 : index
      %get3A_716 = tpu.vector_load %arg8[%get3A_715] {strides = array<i32>} : memref<256xf32, #tpu.memory_space<vmem>>, vector<16xf32>,
      %add3A_717 = arith.addf %add3A_714, %get3A_716 : vector<16xf32>
      %slice3A = vector.extract_strided_slice %add3A_717 {offsets = [0], sizes = [1], strides = [1]} : vector<16xf32> to vector<1xf32>
      %squeeze3A = vector.extract %slice3A[0] : f32 from vector<1xf32>
      %slice3A_718 = vector.extract_strided_slice %add3A_717 {offsets = [1], sizes = [1], strides = [1]} : vector<16xf32> to vector<1xf32>
      %squeeze3A_719 = vector.extract %slice3A_718[0] : f32 from vector<1xf32>
      %add3A_720 = arith.addf %squeeze3A, %squeeze3A_719 : f32
      %slice3A_721 = vector.extract_strided_slice %add3A_717 {offsets = [2], sizes = [1], strides = [1]} : vector<16xf32> to vector<1xf32>
      %squeeze3A_722 = vector.extract %slice3A_721[0] : f32 from vector<1xf32>
      %add3A_723 = arith.addf %add3A_720, %squeeze3A_722 : f32
      %slice3A_724 = vector.extract_strided_slice %add3A_717 {offsets = [3], sizes = [1], strides = [1]} : vector<16xf32> to vector<1xf32>
      %squeeze3A_725 = vector.extract %slice3A_724[0] : f32 from vector<1xf32>
      %add3A_726 = arith.addf %add3A_723, %squeeze3A_725 : f32
      %slice3A_727 = vector.extract_strided_slice %add3A_717 {offsets = [4], sizes = [1], strides = [1]} : vector<16xf32> to vector<1xf32>
      %squeeze3A_728 = vector.extract %slice3A_727[0] : f32 from vector<1xf32>
      %add3A_729 = arith.addf %add3A_726, %squeeze3A_728 : f32
      %slice3A_730 = vector.extract_strided_slice %add3A_717 {offsets = [5], sizes = [1], strides = [1]} : vector<16xf32> to vector<1xf32>
      %squeeze3A_731 = vector.extract %slice3A_730[0] : f32 from vector<1xf32>
      %add3A_732 = arith.addf %add3A_729, %squeeze3A_731 : f32
      %slice3A_733 = vector.extract_strided_slice %add3A_717 {offsets = [6], sizes = [1], strides = [1]} : vector<16xf32> to vector<1xf32>
      %squeeze3A_734 = vector.extract %slice3A_733[0] : f32 from vector<1xf32>
      %add3A_735 = arith.addf %add3A_732, %squeeze3A_734 : f32
      %slice3A_736 = vector.extract_strided_slice %add3A_717 {offsets = [7], sizes = [1], strides = [1]} : vector<16xf32> to vector<1xf32>
      %squeeze3A_737 = vector.extract %slice3A_736[0] : f32 from vector<1xf32>
      %add3A_738 = arith.addf %add3A_735, %squeeze3A_737 : f32
      %slice3A_739 = vector.extract_strided_slice %add3A_717 {offsets = [8], sizes = [1], strides = [1]} : vector<16xf32> to vector<1xf32>
      %squeeze3A_740 = vector.extract %slice3A_739[0] : f32 from vector<1xf32>
      %add3A_741 = arith.addf %add3A_738, %squeeze3A_740 : f32
      %slice3A_742 = vector.extract_strided_slice %add3A_717 {offsets = [9], sizes = [1], strides = [1]} : vector<16xf32> to vector<1xf32>
      %squeeze3A_743 = vector.extract %slice3A_742[0] : f32 from vector<1xf32>
      %add3A_744 = arith.addf %add3A_741, %squeeze3A_743 : f32
      %slice3A_745 = vector.extract_strided_slice %add3A_717 {offsets = [10], sizes = [1], strides = [1]} : vector<16xf32> to vector<1xf32>
      %squeeze3A_746 = vector.extract %slice3A_745[0] : f32 from vector<1xf32>
      %add3A_747 = arith.addf %add3A_744, %squeeze3A_746 : f32
      %slice3A_748 = vector.extract_strided_slice %add3A_717 {offsets = [11], sizes = [1], strides = [1]} : vector<16xf32> to vector<1xf32>
      %squeeze3A_749 = vector.extract %slice3A_748[0] : f32 from vector<1xf32>
      %add3A_750 = arith.addf %add3A_747, %squeeze3A_749 : f32
      %slice3A_751 = vector.extract_strided_slice %add3A_717 {offsets = [12], sizes = [1], strides = [1]} : vector<16xf32> to vector<1xf32>
      %squeeze3A_752 = vector.extract %slice3A_751[0] : f32 from vector<1xf32>
      %add3A_753 = arith.addf %add3A_750, %squeeze3A_752 : f32
      %slice3A_754 = vector.extract_strided_slice %add3A_717 {offsets = [13], sizes = [1], strides = [1]} : vector<16xf32> to vector<1xf32>
      %squeeze3A_755 = vector.extract %slice3A_754[0] : f32 from vector<1xf32>
      %add3A_756 = arith.addf %add3A_753, %squeeze3A_755 : f32
      %slice3A_757 = vector.extract_strided_slice %add3A_717 {offsets = [14], sizes = [1], strides = [1]} : vector<16xf32> to vector<1xf32>
      %squeeze3A_758 = vector.extract %slice3A_757[0] : f32 from vector<1xf32>
      %add3A_759 = arith.addf %add3A_756, %squeeze3A_758 : f32
      %slice3A_760 = vector.extract_strided_slice %add3A_717 {offsets = [15], sizes = [1], strides = [1]} : vector<16xf32> to vector<1xf32>
      %squeeze3A_761 = vector.extract %slice3A_760[0] : f32 from vector<1xf32>
      %add3A_762 = arith.addf %add3A_759, %squeeze3A_761 : f32
      %run_scoped3A_763 = arith.constant 33 : i32
      "tpu.region"() ({
        %run_scoped3A_831 = tpu.sem_alloc : memref<!tpu.dma_semaphore, #tpu.memory_space<semaphore_mem>>
        %dma_start3A = arith.constant 0 : i32
        %dma_start3A_832 = tpu.memref_slice %arg9[%run_scoped3A_763, %dma_start3A] : memref<34x256xf32, #tpu.memory_space<vmem_shared>> -> memref<1x256xf32, #tpu.memory_space<vmem_shared>>
        %dma_start3A_833 = tpu.memref_squeeze %dma_start3A_832 : memref<1x256xf32, #tpu.memory_space<vmem_shared>> -> memref<256xf32, #tpu.memory_space<vmem_shared>>
        %dma_start3A_834 = arith.constant 0 : i32
        %dma_start3A_835 = tpu.memref_slice %arg9[%run_scoped3A_763, %dma_start3A_834] : memref<34x256xf32, #tpu.memory_space<vmem_shared>> -> memref<1x256xf32, #tpu.memory_space<vmem_shared>>
        %dma_start3A_836 = tpu.memref_squeeze %dma_start3A_835 : memref<1x256xf32, #tpu.memory_space<vmem_shared>> -> memref<256xf32, #tpu.memory_space<vmem_shared>>
        tpu.enqueue_dma source(%dma_start3A_836 : memref<256xf32, #tpu.memory_space<vmem_shared>>) target(%arg8 : memref<256xf32, #tpu.memory_space<vmem>>) target_semaphore(%run_scoped3A_831 : memref<!tpu.dma_semaphore, #tpu.memory_space<semaphore_mem>>)
        %dma_wait3A = arith.constant 0 : i32
        %dma_wait3A_837 = tpu.memref_slice %arg9[%run_scoped3A_763, %dma_wait3A] : memref<34x256xf32, #tpu.memory_space<vmem_shared>> -> memref<1x256xf32, #tpu.memory_space<vmem_shared>>
        %dma_wait3A_838 = tpu.memref_squeeze %dma_wait3A_837 : memref<1x256xf32, #tpu.memory_space<vmem_shared>> -> memref<256xf32, #tpu.memory_space<vmem_shared>>
        %dma_wait3A_839 = arith.constant 0 : i32
        %dma_wait3A_840 = tpu.memref_slice %arg9[%run_scoped3A_763, %dma_wait3A_839] : memref<34x256xf32, #tpu.memory_space<vmem_shared>> -> memref<1x256xf32, #tpu.memory_space<vmem_shared>>
        %dma_wait3A_841 = tpu.memref_squeeze %dma_wait3A_840 : memref<1x256xf32, #tpu.memory_space<vmem_shared>> -> memref<256xf32, #tpu.memory_space<vmem_shared>>
        tpu.wait_dma2 semaphore(%run_scoped3A_831 : memref<!tpu.dma_semaphore, #tpu.memory_space<semaphore_mem>>) src(%dma_wait3A_841 : memref<256xf32, #tpu.memory_space<vmem_shared>>) dst(%arg8 : memref<256xf32, #tpu.memory_space<vmem>>)
        tpu.yield
      }) : () -> ()
      %get3A_764 = arith.constant 0 : index
      %get3A_765 = tpu.vector_load %arg8[%get3A_764] {strides = array<i32>} : memref<256xf32, #tpu.memory_space<vmem>>, vector<16xf32>,
      %get3A_766 = arith.constant 16 : index
      %get3A_767 = tpu.vector_load %arg8[%get3A_766] {strides = array<i32>} : memref<256xf32, #tpu.memory_space<vmem>>, vector<16xf32>,
      %add3A_768 = arith.addf %get3A_765, %get3A_767 : vector<16xf32>
      %get3A_769 = arith.constant 32 : index
      %get3A_770 = tpu.vector_load %arg8[%get3A_769] {strides = array<i32>} : memref<256xf32, #tpu.memory_space<vmem>>, vector<16xf32>,
      %add3A_771 = arith.addf %add3A_768, %get3A_770 : vector<16xf32>
      %get3A_772 = arith.constant 48 : index
      %get3A_773 = tpu.vector_load %arg8[%get3A_772] {strides = array<i32>} : memref<256xf32, #tpu.memory_space<vmem>>, vector<16xf32>,
      %add3A_774 = arith.addf %add3A_771, %get3A_773 : vector<16xf32>
      %get3A_775 = arith.constant 64 : index
      %get3A_776 = tpu.vector_load %arg8[%get3A_775] {strides = array<i32>} : memref<256xf32, #tpu.memory_space<vmem>>, vector<16xf32>,
      %add3A_777 = arith.addf %add3A_774, %get3A_776 : vector<16xf32>
      %get3A_778 = arith.constant 80 : index
      %get3A_779 = tpu.vector_load %arg8[%get3A_778] {strides = array<i32>} : memref<256xf32, #tpu.memory_space<vmem>>, vector<16xf32>,
      %add3A_780 = arith.addf %add3A_777, %get3A_779 : vector<16xf32>
      %get3A_781 = arith.constant 96 : index
      %get3A_782 = tpu.vector_load %arg8[%get3A_781] {strides = array<i32>} : memref<256xf32, #tpu.memory_space<vmem>>, vector<16xf32>,
      %add3A_783 = arith.addf %add3A_780, %get3A_782 : vector<16xf32>
      %get3A_784 = arith.constant 112 : index
      %get3A_785 = tpu.vector_load %arg8[%get3A_784] {strides = array<i32>} : memref<256xf32, #tpu.memory_space<vmem>>, vector<16xf32>,
      %add3A_786 = arith.addf %add3A_783, %get3A_785 : vector<16xf32>
      %get3A_787 = arith.constant 128 : index
      %get3A_788 = tpu.vector_load %arg8[%get3A_787] {strides = array<i32>} : memref<256xf32, #tpu.memory_space<vmem>>, vector<16xf32>,
      %add3A_789 = arith.addf %add3A_786, %get3A_788 : vector<16xf32>
      %get3A_790 = arith.constant 144 : index
      %get3A_791 = tpu.vector_load %arg8[%get3A_790] {strides = array<i32>} : memref<256xf32, #tpu.memory_space<vmem>>, vector<16xf32>,
      %add3A_792 = arith.addf %add3A_789, %get3A_791 : vector<16xf32>
      %get3A_793 = arith.constant 160 : index
      %get3A_794 = tpu.vector_load %arg8[%get3A_793] {strides = array<i32>} : memref<256xf32, #tpu.memory_space<vmem>>, vector<16xf32>,
      %add3A_795 = arith.addf %add3A_792, %get3A_794 : vector<16xf32>
      %get3A_796 = arith.constant 176 : index
      %get3A_797 = tpu.vector_load %arg8[%get3A_796] {strides = array<i32>} : memref<256xf32, #tpu.memory_space<vmem>>, vector<16xf32>,
      %add3A_798 = arith.addf %add3A_795, %get3A_797 : vector<16xf32>
      %get3A_799 = arith.constant 192 : index
      %get3A_800 = tpu.vector_load %arg8[%get3A_799] {strides = array<i32>} : memref<256xf32, #tpu.memory_space<vmem>>, vector<16xf32>,
      %add3A_801 = arith.addf %add3A_798, %get3A_800 : vector<16xf32>
      %get3A_802 = arith.constant 208 : index
      %get3A_803 = tpu.vector_load %arg8[%get3A_802] {strides = array<i32>} : memref<256xf32, #tpu.memory_space<vmem>>, vector<16xf32>,
      %add3A_804 = arith.addf %add3A_801, %get3A_803 : vector<16xf32>
      %get3A_805 = arith.constant 224 : index
      %get3A_806 = tpu.vector_load %arg8[%get3A_805] {strides = array<i32>} : memref<256xf32, #tpu.memory_space<vmem>>, vector<16xf32>,
      %add3A_807 = arith.addf %add3A_804, %get3A_806 : vector<16xf32>
      %get3A_808 = arith.constant 240 : index
      %get3A_809 = tpu.vector_load %arg8[%get3A_808] {strides = array<i32>} : memref<256xf32, #tpu.memory_space<vmem>>, vector<16xf32>,
      %add3A_810 = arith.addf %add3A_807, %get3A_809 : vector<16xf32>
      %slice3A_811 = vector.extract_strided_slice %add3A_810 {offsets = [0], sizes = [1], strides = [1]} : vector<16xf32> to vector<1xf32>
      %squeeze3A_812 = vector.extract %slice3A_811[0] : f32 from vector<1xf32>
      %shift_right_logical3A = arith.constant 31 : i32
      %shift_right_logical3A_813 = arith.shrui %scan3A_16, %shift_right_logical3A : i32
      %eq3A_814 = arith.constant 1 : i32
      %eq3A_815 = arith.cmpi eq, %shift_right_logical3A_813, %eq3A_814 : i32
      %and3A = arith.constant 2147483647 : i32
      %and3A_816 = arith.andi %scan3A_16, %and3A : i32
      %not3A = arith.constant -1 : i32
      %not3A_817 = arith.xori %scan3A_16, %not3A : i32
      %select_n3A_818 = arith.select %eq3A_815, %and3A_816, %not3A_817 : i32
      %bitcast_convert_type3A_819 = arith.bitcast %select_n3A_818 : i32 to f32
      %sub3A = arith.constant 1.146800e+04 : f32
      %sub3A_820 = arith.subf %sub3A, %squeeze3A_812 : f32
      %mul3A_821 = arith.mulf %sub3A_820, %bitcast_convert_type3A_819 : f32
      %add3A_822 = arith.addf %add3A_762, %mul3A_821 : f32
      %mul3A_823 = arith.constant 8.71991651E-5 : f32
      %mul3A_824 = arith.mulf %add3A_822, %mul3A_823 : f32
      %jit3A_825 = arith.constant 0.000000e+00 : f32
      %broadcast_in_dim3A_826 = vector.broadcast %mul3A_824 : f32 to vector<16xf32>
      %broadcast_in_dim3A_827 = vector.broadcast %jit3A_825 : f32 to vector<16xf32>
      %select_n3A_828 = arith.select %eq3A_2, %broadcast_in_dim3A_826, %broadcast_in_dim3A_827 : vector<16xi1>, vector<16xf32>
      %swap3A_829 = arith.constant 0 : index
      %swap3A_830 = tpu.vector_load %arg7[%swap3A_829] {strides = array<i32>} : memref<16xf32, #tpu.memory_space<vmem>>, vector<16xf32>,
      tpu.vector_store %arg7[%swap3A_829], %select_n3A_828 {strides = array<i32>} : memref<16xf32, #tpu.memory_space<vmem>>, vector<16xf32>,
      "tpu.region"() ({
        %run_scoped3A_831 = tpu.sem_alloc : memref<!tpu.dma_semaphore, #tpu.memory_space<semaphore_mem>>
        tpu.enqueue_dma source(%arg7 : memref<16xf32, #tpu.memory_space<vmem>>) target(%arg4 : memref<16xf32, #tpu.memory_space<hbm>>) target_semaphore(%run_scoped3A_831 : memref<!tpu.dma_semaphore, #tpu.memory_space<semaphore_mem>>)
        tpu.wait_dma2 semaphore(%run_scoped3A_831 : memref<!tpu.dma_semaphore, #tpu.memory_space<semaphore_mem>>) src(%arg7 : memref<16xf32, #tpu.memory_space<vmem>>) dst(%arg4 : memref<16xf32, #tpu.memory_space<hbm>>)
        tpu.yield
      }) : () -> ()
    } else {
    }
    return
  }
}

module attributes {stable_mosaic.version = 14 : i64} {
  func.func @_nll_body(%arg0: i32, %arg1: memref<1000x2048xf32, #tpu.memory_space<vmem>>, %arg2: memref<1x1x2048xi32, #tpu.memory_space<vmem>>, %arg3: memref<2048xf32, #tpu.memory_space<vmem>>, %arg4: memref<2048xi32, #tpu.memory_space<vmem>>) attributes {dimension_semantics = [#tpu.dimension_semantics<arbitrary>], iteration_bounds = array<i64: 8>, scalar_prefetch = 0 : i64, scratch_operands = 0 : i64, tpu.core_type = #tpu.core_type<tc>, window_params = [{transform_indices = @transform_0, window_bounds = array<i64: 1000, 2048>}, {transform_indices = @transform_1, window_bounds = array<i64: 1, 1, 2048>}, {transform_indices = @transform_2, window_bounds = array<i64: 2048>}, {transform_indices = @transform_3, window_bounds = array<i64: 2048>}]} {
    %get3A = arith.constant 0 : index
    %get3A_0 = arith.constant 0 : index
    %get3A_1 = vector.load %arg1[%get3A, %get3A_0] : memref<1000x2048xf32, #tpu.memory_space<vmem>>, vector<1000x2048xf32>
    %get3A_2 = arith.constant 0 : index
    %get3A_3 = arith.constant 0 : index
    %get3A_4 = arith.constant 0 : index
    %get3A_5 = vector.load %arg2[%get3A_2, %get3A_3, %get3A_4] : memref<1x1x2048xi32, #tpu.memory_space<vmem>>, vector<1x1x2048xi32>
    %get3A_6 = vector.shape_cast %get3A_5 : vector<1x1x2048xi32> to vector<2048xi32>
    %mul3A = arith.constant 1.44269502 : f32
    %mul3A_7 = vector.broadcast %mul3A : f32 to vector<1000x2048xf32>
    %mul3A_8 = arith.mulf %get3A_1, %mul3A_7 : vector<1000x2048xf32>
    %exp23A = math.exp2 %mul3A_8 : vector<1000x2048xf32>
    %reduce_sum3A = arith.constant dense<0.000000e+00> : vector<2048xf32>
    %reduce_sum3A_9 = vector.multi_reduction <add>, %exp23A, %reduce_sum3A [0] : vector<1000x2048xf32> to vector<2048xf32>
    %iota3A = tpu.iota {dimensions = array<i32: 0>} : vector<1000x2048xi32>
    %broadcast_in_dim3A = vector.shape_cast %get3A_6 : vector<2048xi32> to vector<1x2048xi32>
    %eq3A = vector.broadcast %broadcast_in_dim3A : vector<1x2048xi32> to vector<1000x2048xi32>
    %eq3A_10 = arith.cmpi eq, %iota3A, %eq3A : vector<1000x2048xi32>
    %jit3A = arith.constant 0.000000e+00 : f32
    %broadcast_in_dim3A_11 = vector.broadcast %jit3A : f32 to vector<1000x2048xf32>
    %select_n3A = arith.select %eq3A_10, %get3A_1, %broadcast_in_dim3A_11 : vector<1000x2048xi1>, vector<1000x2048xf32>
    %reduce_sum3A_12 = arith.constant dense<0.000000e+00> : vector<2048xf32>
    %reduce_sum3A_13 = vector.multi_reduction <add>, %select_n3A, %reduce_sum3A_12 [0] : vector<1000x2048xf32> to vector<2048xf32>
    %lt3A = arith.constant 0 : i32
    %lt3A_14 = vector.broadcast %lt3A : i32 to vector<2048xi32>
    %lt3A_15 = arith.cmpi slt, %get3A_6, %lt3A_14 : vector<2048xi32>
    %log3A = math.log %reduce_sum3A_9 : vector<2048xf32>
    %sub3A = arith.subf %log3A, %reduce_sum3A_13 : vector<2048xf32>
    %jit3A_16 = arith.constant 0.000000e+00 : f32
    %broadcast_in_dim3A_17 = vector.broadcast %jit3A_16 : f32 to vector<2048xf32>
    %select_n3A_18 = arith.select %lt3A_15, %broadcast_in_dim3A_17, %sub3A : vector<2048xi1>, vector<2048xf32>
    %swap3A = arith.constant 0 : index
    %swap3A_19 = vector.load %arg3[%swap3A] : memref<2048xf32, #tpu.memory_space<vmem>>, vector<2048xf32>
    tpu.vector_store %arg3[%swap3A], %select_n3A_18 {strides = array<i32>} : memref<2048xf32, #tpu.memory_space<vmem>>, vector<2048xf32>,
    %bitcast_convert_type3A = tpu.bitcast %select_n3A_18 : vector<2048xf32> -> vector<2048xi32>
    %shift_right_logical3A = arith.constant 31 : i32
    %shift_right_logical3A_20 = vector.broadcast %shift_right_logical3A : i32 to vector<2048xi32>
    %shift_right_logical3A_21 = arith.shrui %bitcast_convert_type3A, %shift_right_logical3A_20 : vector<2048xi32>
    %eq3A_22 = arith.constant 1 : i32
    %eq3A_23 = vector.broadcast %eq3A_22 : i32 to vector<2048xi32>
    %eq3A_24 = arith.cmpi eq, %shift_right_logical3A_21, %eq3A_23 : vector<2048xi32>
    %not3A = arith.constant dense<-1> : vector<2048xi32>
    %not3A_25 = arith.xori %bitcast_convert_type3A, %not3A : vector<2048xi32>
    %or3A = arith.constant -2147483648 : i32
    %or3A_26 = vector.broadcast %or3A : i32 to vector<2048xi32>
    %or3A_27 = arith.ori %bitcast_convert_type3A, %or3A_26 : vector<2048xi32>
    %select_n3A_28 = arith.select %eq3A_24, %not3A_25, %or3A_27 : vector<2048xi1>, vector<2048xi32>
    %xor3A = arith.constant -2147483648 : i32
    %xor3A_29 = vector.broadcast %xor3A : i32 to vector<2048xi32>
    %xor3A_30 = arith.xori %select_n3A_28, %xor3A_29 : vector<2048xi32>
    %bitcast_convert_type3A_31 = tpu.bitcast %xor3A_30 : vector<2048xi32> -> vector<2048xi32>
    %swap3A_32 = arith.constant 0 : index
    %swap3A_33 = vector.load %arg4[%swap3A_32] : memref<2048xi32, #tpu.memory_space<vmem>>, vector<2048xi32>
    tpu.vector_store %arg4[%swap3A_32], %bitcast_convert_type3A_31 {strides = array<i32>} : memref<2048xi32, #tpu.memory_space<vmem>>, vector<2048xi32>,
    return
  }
  func.func @transform_0(%arg0: i32) -> (i32, i32) {
    %c0_i32 = arith.constant 0 : i32
    %c0_i32_0 = arith.constant 0 : i32
    return %c0_i32, %arg0 : i32, i32
  }
  func.func @transform_1(%arg0: i32) -> (i32, i32, i32) {
    %c0_i32 = arith.constant 0 : i32
    %c0_i32_0 = arith.constant 0 : i32
    %c0_i32_1 = arith.constant 0 : i32
    return %arg0, %c0_i32, %c0_i32_0 : i32, i32, i32
  }
  func.func @transform_2(%arg0: i32) -> i32 {
    %c0_i32 = arith.constant 0 : i32
    return %arg0 : i32
  }
  func.func @transform_3(%arg0: i32) -> i32 {
    %c0_i32 = arith.constant 0 : i32
    return %arg0 : i32
  }
}

</mosaic_0001>

<sc_bundles>
// kernel: kernel.4.cloned.1.call-start
scs
__scs_entry_jumppad:
0x0: {  	(pc) =	sbr.rel $0x88, $3  }
0x1: {  	(tag) =	ssettag $0x0;
	lr =	simm.s32 $0x1  }
0x2: {  	[smem:$0x3F9F] =	sst lr;
	_ =	strace $0xD0000000  }
0x3: {  	_ = 	snop  }
0x4: {  	_ = 	snop  }
0x5: {  	_ = 	snop  }
0x6: {  	_ = 	snop  }
0x7: {  	_ = 	snop  }
__scs_overlays_trampoline_lowered:
0x8: {  	[smem:$0x3FAE] =	sst s0  }
0x9: {  	[smem:$0x3FAF] =	sst s1  }
0xa: {  	[smem:$0x3FB0] =	sst s2  }
0xb: {  	[smem:$0x3FB1] =	sst s3  }
0xc: {  	[smem:$0x3FB2] =	sst s4  }
0xd: {  	[smem:$0x3FB3] =	sst s5  }
0xe: {  	[smem:$0x3FB4] =	sst s6  }
0xf: {  	[smem:$0x3FB5] =	sst s7  }
0x10: {  	[smem:$0x3FB6] =	sst s8  }
0x11: {  	[smem:$0x3FB7] =	sst s9;
	s0 =	simm.s32 @!p0 $0x0  }
0x12: {  	s1 =	sld [smem:$0x3F9D];
	s0 =	simm.s32 @p0 $0x1  }
0x13: {  	[smem:$0x3FB8] =	sst s0;
	s0 =	simm.s32 @!p1 $0x0  }
0x14: {  	s2 =	sld [smem:$0x3F9C];
	s0 =	simm.s32 @p1 $0x1  }
0x15: {  	[smem:$0x3FB9] =	sst s0;
	s0 =	simm.s32 @!p2 $0x0  }
0x16: {  	s3 =	sld [smem:$0x3FDB];
	s0 =	simm.s32 @p2 $0x1  }
0x17: {  	s4 =	simm.s32 $0x1BF5;
	[smem:$0x3FBB] =	sst s0  }
0x18: {  	s0 =	sld [smem:$0x3F9E];
	_ =	swait.ge [sflag:s4], $0x0  }
0x19: {  	s7 =	sld [smem:$0x3F9F]  }
0x1a: {  	s8 =	sadd.s32 $0xFFFFE003, lr  }
0x1b: {  	s9 =	sadd.s32 $0xFFFFFEF7, lr;
	s5 =	simm.s32 $0xFFFFFFFF;
	p2 =	slt.u32 s8, $0xFFFFF086  }
0x1c: {  	p1 =	slt.u32 s9, $0xF7A;
	s5 =	simm.s32 @!p2 $0x0  }
0x1d: {  	s5 =	simm.s32 @p1 $0x1;
	p0 =	seq.s32 s7, s2  }
0x1e: {  	s7 =	smul.u32 @!p0 $0xF7A, s2;
	p2 =	seq.s32 @!p0 s5, $0x0  }
0x1f: {  	s9 =	smul.u32 $0xF7A, s1;
	s8 =	simm.s32 @!p0 $0x1BF5;
	p2 =	por !p2, p0  }
0x20: {  	[sflag:s8] =	ssyncset.s32 @!p0 $0xFFFFF086;
	s6 =	sadd.s32 @!p0 s3, s7;
	s7 =	simm.s32 @!p0 $0x108  }
0x21: {  	s3 =	sadd.s32 s3, s9;
	s6 =	sadd.s32 @!p0 $0x88, s6;
	s7 =	simm.s32 @p2 $0x1082  }
0x22: {  	[simem:s7], [sflag:s8] =	dma.local @!p0 [hbm:s6], $0xF7A  }
0x23: {  	s9 =	sor.u32 $0xD0000000, s2;
	s6 =	simm.s32 $0x108;
	_ =	swait.ge @!p0 [sflag:s8], $0x0  }
0x24: {  	s3 =	sadd.s32 $0x88, s3;
	s6 =	simm.s32 @!p1 $0x1082;
	[sflag:s4] =	ssyncset.s32 $0xFFFFF086  }
0x25: {  	[simem:s6], [sflag:s4] =	dma.local [hbm:s3], $0xF7A  }
0x26: {  	[smem:$0x3F9F] =	sst s1;
	(tag) =	ssettag s2;
	_ =	strace s9  }
0x27: {  	s1 =	sld [smem:$0x3FAF]  }
0x28: {  	s2 =	sld [smem:$0x3FB0]  }
0x29: {  	s4 =	sld [smem:$0x3FB2]  }
0x2a: {  	p0 =	seq.s32 s5, $0x0;
	s5 =	sld [smem:$0x3FB3]  }
0x2b: {  	s6 =	sld [smem:$0x3FB4]  }
0x2c: {  	s7 =	sld [smem:$0x3FB5]  }
0x2d: {  	s3 =	simm.s32 $0x108;
	s8 =	sld [smem:$0x3FB6]  }
0x2e: {  	s3 =	simm.s32 @!p0 $0x1082;
	s9 =	sld [smem:$0x3FB7]  }
0x2f: {  	lr =	sadd.s32 s0, s3;
	s0 =	sld [smem:$0x3FAE]  }
0x30: {  	s3 =	sld [smem:$0x3FB1]  }
0x31: {  	[smem:$0x3FBA] =	sst s10  }
0x32: {  	s10 =	sld [smem:$0x3FB8];
	_ =	sdelay $0x3  }
0x33: {  	p0 =	seq.s32 s10, $0x1;
	s10 =	sld [smem:$0x3FBA];
	_ =	sdelay $0x3  }
0x34: {  	[smem:$0x3FBA] =	sst s10  }
0x35: {  	s10 =	sld [smem:$0x3FB9];
	_ =	sdelay $0x3  }
0x36: {  	p1 =	seq.s32 s10, $0x1;
	s10 =	sld [smem:$0x3FBA];
	_ =	sdelay $0x3  }
0x37: {  	[smem:$0x3FBA] =	sst s10  }
0x38: {  	s10 =	sld [smem:$0x3FBB]  }
0x39: {  	_ = 	snop;
	(pc) =	sbr.ind lr, $3  }
0x3a: {  	_ = 	snop  }
0x3b: {  	_ = 	snop  }
0x3c: {  	p2 =	seq.s32 s10, $0x1;
	s10 =	sld [smem:$0x3FBA]  }
0x3d: {  	_ =	shalt  }
0x3e: {  	_ =	shalt  }
0x3f: {  	_ =	shalt  }
0x40: {  	_ =	shalt  }
0x41: {  	_ =	shalt  }
0x42: {  	_ =	shalt  }
0x43: {  	_ =	shalt  }
0x44: {  	_ =	shalt  }
0x45: {  	_ =	shalt  }
0x46: {  	_ =	shalt  }
0x47: {  	_ =	shalt  }
0x48: {  	_ =	shalt  }
0x49: {  	_ =	shalt  }
0x4a: {  	_ =	shalt  }
0x4b: {  	_ =	shalt  }
0x4c: {  	_ =	shalt  }
0x4d: {  	_ =	shalt  }
0x4e: {  	_ =	shalt  }
0x4f: {  	_ =	shalt  }
0x50: {  	_ =	shalt  }
0x51: {  	_ =	shalt  }
0x52: {  	_ =	shalt  }
0x53: {  	_ =	shalt  }
0x54: {  	_ =	shalt  }
0x55: {  	_ =	shalt  }
0x56: {  	_ =	shalt  }
0x57: {  	_ =	shalt  }
0x58: {  	_ =	shalt  }
0x59: {  	_ =	shalt  }
0x5a: {  	_ =	shalt  }
0x5b: {  	_ =	shalt  }
0x5c: {  	_ =	shalt  }
0x5d: {  	_ =	shalt  }
0x5e: {  	_ =	shalt  }
0x5f: {  	_ =	shalt  }
0x60: {  	_ =	shalt  }
0x61: {  	_ =	shalt  }
0x62: {  	_ =	shalt  }
0x63: {  	_ =	shalt  }
0x64: {  	_ =	shalt  }
0x65: {  	_ =	shalt  }
0x66: {  	_ =	shalt  }
0x67: {  	_ =	shalt  }
0x68: {  	_ =	shalt  }
0x69: {  	_ =	shalt  }
0x6a: {  	_ =	shalt  }
0x6b: {  	_ =	shalt  }
0x6c: {  	_ =	shalt  }
0x6d: {  	_ =	shalt  }
0x6e: {  	_ =	shalt  }
0x6f: {  	_ =	shalt  }
0x70: {  	_ =	shalt  }
0x71: {  	_ =	shalt  }
0x72: {  	_ =	shalt  }
0x73: {  	_ =	shalt  }
0x74: {  	_ =	shalt  }
0x75: {  	_ =	shalt  }
0x76: {  	_ =	shalt  }
0x77: {  	_ =	shalt  }
0x78: {  	_ =	shalt  }
0x79: {  	_ =	shalt  }
0x7a: {  	_ =	shalt  }
0x7b: {  	_ =	shalt  }
0x7c: {  	_ =	shalt  }
0x7d: {  	_ =	shalt  }
0x7e: {  	_ =	shalt  }
0x7f: {  	_ =	shalt  }
0x80: {  	_ =	shalt  }
0x81: {  	_ =	shalt  }
0x82: {  	_ =	shalt  }
0x83: {  	_ =	shalt  }
0x84: {  	_ =	shalt  }
0x85: {  	_ =	shalt  }
0x86: {  	_ =	shalt  }
0x87: {  	_ =	shalt  }
.Lfunc_end0:
.L_simem_size_0:
called_computation_lowered:
.L_overlay_start_0:
0x88: {  	s0 =	sld [smem:$0x3FD9]  }
0x89: {  	s1 =	sld [smem:$0x3FFE];
	_ =	sdelay $0x3  }
0x8a: {  	s0 =	sadd.s32 s1, s0  }
0x8b: {  	[smem:$0x3FC6] =	sst s0  }
0x8c: {  	_ = 	snop  }
0x8d: {  	s0 =	sld [smem:$0x3FD0];
	(tm) =	ssettm $0x1  }
0x8e: {  	s16 =	sld [smem:$0x3FFB];
	_ =	sdelay $0x3  }
0x8f: {  	_ =	strace s16  }
0x90: {  	s1 =	sld [smem:$0x3FFC];
	_ =	sdelay $0x3  }
0x91: {  	_ =	strace s1  }
0x92: {  	s1 =	sld [smem:$0x3FFD];
	_ =	sdelay $0x3  }
0x93: {  	_ =	strace s1  }
0x94: {  	_ =	strace $0x8FFFFFFF  }
0x95: {  	s17 =	sld [smem:$0x3FDB];
	_ =	sdelay $0x1  }
0x96: {  	s2 =	simm.s32 $_scs_section_size  }
0x97: {  	s3 =	simm.s32 $_size__tile_overlayer_lowered;
	s4 =	simm.s32 $_tile_overlayer_lowered  }
0x98: {  	s20 =	simm.s32 $0x1BFF;
	s19 =	sshll.u32 s4, $0x1;
	s1 =	sadd.s32 s2, s17  }
0x99: {  	s5 =	simm.s32 $0x0;
	s18 =	sshll.u32 s3, $0x1;
	s3 =	sadd.s32 s19, s1  }
0x9a: {  	[timem:s5], [sflag:s20] =	dma.local [hbm:s3], s18  }
0x9b: {  	_ =	swait.ge [sflag:s20], s18  }
0x9c: {  	s2 =	ssub.s32 $0x0, s18;
	[sflag:s20] =	ssyncset.done $0x0  }
0x9d: {  	[sflag:s20] =	ssyncadd.s32 s2;
	_ =	sdelay $0x1  }
0x9e: {  	s21 =	simm.s32 $0x1B8B  }
0x9f: {  	_ =	swait.ge [sflag:s21], $0x1  }
0xa0: {  	[sflag:s21] =	ssyncset.done $0x0  }
0xa1: {  	s23 =	simm.s32 $0x1B8E;
	s22 =	sld [smem:$0x3FFE];
	[sflag:s21] =	ssyncadd.s32 $0xFFFFFFFF  }
0xa2: {  	s24 =	simm.s32 $execute0_lowered;
	[smem:$0x3FD2] =	sst s23  }
0xa3: {  	s3 =	sshll.u32 s24, $0x1;
	_ =	strace $0x80000046;
	[dreg:$0x1] =	wrdreg $0xFFFFFFFF  }
0xa4: {  	s25 =	simm.s32 $_size_execute0_lowered;
	s1 =	sadd.s32 s1, s3;
	[dreg:$0x0] =	wrdreg $0x0  }
0xa5: {  	s3 =	sshll.u32 s25, $0x1;
	[dreg:$0x2] =	wrdreg s1  }
0xa6: {  	[dreg:$0x3] =	wrdreg s3  }
0xa7: {  	[dreg:$0x4] =	wrdreg $0xC0  }
0xa8: {  	_ =	task [dreg:s5], $0x5FFFF  }
0xa9: {  	[dreg:$0x1] =	wrdreg $0xFFFFFFFF  }
0xaa: {  	[dreg:$0x0] =	wrdreg $0x60  }
0xab: {  	[dreg:$0x2] =	wrdreg s22  }
0xac: {  	[dreg:$0x3] =	wrdreg s0  }
0xad: {  	[dreg:$0x4] =	wrdreg $0x9800  }
0xae: {  	[dreg:$0x5] =	wrdreg $0x9  }
0xaf: {  	_ =	task.clear_ibuf [dreg:s5], $0x6FFFF;
	_ =	strace $0x90000046  }
0xb0: {  	s26 =	simm.s32 $0x9;
	_ =	strace $0x80000048  }
0xb1: {  	_ =	swait.ge [sflag:s26], $0x1  }
0xb2: {  	[sflag:s26] =	ssyncadd.s32 $0xFFFFFFFF  }
0xb3: {  	_ =	strace $0x90000048  }
0xb4: {  	_ =	sfence  }
0xb5: {  	s28 =	sld [smem:$0x0];
	_ =	sdelay $0x1  }
0xb6: {  	s29 =	srdreg.scid  }
0xb7: {  	s30 =	sshll.u32 s29, $0xD;
	s31 =	sshrl.u32 s29, $0x2  }
0xb8: {  	s2 =	sand.u32 $0x4000, s30;
	s1 =	sand.u32 $0x1, s29;
	s0 =	sadd.s32 s31, s28  }
0xb9: {  	s1 =	sor.u32 s2, s1;
	s0 =	sshll.u32 s0, $0x11  }
0xba: {  	s0 =	sor.u32 s0, s1  }
0xbb: {  	s0 =	sadd.s32 $0x8F2B, s0  }
0xbc: {  	[sflag:s0] =	ssyncadd.remote.s32 $0x1  }
0xbd: {  	_ =	sfence.sel $0xFFFF  }
0xbe: {  	[dreg:$0x0] =	wrdreg $0xFFFFFFFF;
	(pc) =	sbr.abs _section_cstart, $3  }
0xbf: {  	[dreg:$0x1] =	wrdreg $0xFFFFFFFF  }
0xc0: {  	_ =	task.clear_ibuf [dreg:s5], $0x2FFFF;
	_ =	strace $0x9FFFFFFF  }
0xc1: {  	(tm) =	ssettm $0x7FFFFFFF  }
tec
execute0_lowered:
.L_overlay_start_1:
0x0: {  	(tag) =	ssettag $0x1  }
0x1: {  	s2 =	rddreg [dreg:$0x0]  }
0x2: {  	s1 =	rddreg [dreg:$0x1]  }
0x3: {  	s3 =	rddreg [dreg:$0x2];
	s4 =	stileid.u32  }
0x4: {  	s0 =	rddreg [dreg:$0x3];
	s7 =	simm.s32 $0x0;
	s8 =	simm.s32 $0x1  }
0x5: {  	s9 =	simm.s32 $0x400;
	s29 =	simm.s32 $0x80000000;
	s6 =	sshll.u32 s4, $0x7  }
0x6: {  	s30 =	simm.s32 $0x40000000;
	[smem:$0x7FF] =	sst s7;
	s2 =	sadd.s32 s6, s2  }
0x7: {  	s31 =	simm.s32 $0x800;
	_ =	strace $0x80000047;
	s5 =	sadd.s32 $0xC00, s2  }
0x8: {  	[tilespmem:s7], [sflag:$0x1] =	stream.linear.gather [hbm4b:s5+s7], $0x400, $0x38;
	[tilespmem:$0xBA0] =	vst v63  }
0x9: {  	s10 =	simm.s32 $0x80;
	s11 =	simm.s32 $0x880;
	_ =	swait.ge [sflag:s8], $0x400  }
0xa: {  	s12 =	simm.s32 $0x0;
	s13 =	simm.s32 $0x0;
	[sflag:s8] =	ssyncset.done $0x0  }
0xb: {  	s28 =	sshll.u32 s4, $0x4;
	s2 =	sadd.s32 $0x1400, s2;
	[sflag:s8] =	ssyncadd.s32 $0xFFFFFC00  }
0xc: {  	[tilespmem:s9], [sflag:$0x1] =	stream.linear.gather [hbm4b:s2+s7], $0x400, $0x38;
	[tilespmem:$0xBA0] =	vst v63  }
0xd: {  	s6 =	sand.u32 $0x400, s6;
	_ =	swait.ge [sflag:s8], $0x400;
	[dreg:$0x4] =	wrdreg s29  }
0xe: {  	s5 =	sand.u32 $0x70, s28;
	[dreg:$0x5] =	wrdreg s30;
	[sflag:s8] =	ssyncset.done $0x0  }
0xf: {  	vm1 =	vcmask $0x3F0C;
	vm2 =	vcmask $0x3F08;
	vm12 =	vmmov $0x1;
	s2 =	simm.s32 $0x0;
	[dreg:$0x6] =	wrdreg s31;
	[sflag:s8] =	ssyncadd.s32 $0xFFFFFC00  }
.LBB2_1:
0x10: {  	v55 =	vld [tilespmem:$0x400]  }
0x11: {  	v54 =	vld [tilespmem:$0x410]  }
0x12: {  	v53 =	vld [tilespmem:$0x420]  }
0x13: {  	s14 =	rddreg [dreg:$0x4];
	v52 =	vld [tilespmem:$0x430]  }
0x14: {  	v51 =	vld [tilespmem:$0x440];
	s16 =	rddreg [dreg:$0x5]  }
0x15: {  	s14 =	sshrl.u32 s14, s13;
	s18 =	sshrl.u32 s16, s13  }
0x16: {  	v25 =	vld [tilespmem:$0x5B0];
	s14 =	sor.u32 s2, s14;
	s16 =	sor.u32 s2, s18  }
0x17: {  	s15 =	sxor.u32 $0x80000000, s14;
	s17 =	sxor.u32 $0x80000000, s16  }
0x18: {  	v49 =	vld [tilespmem:$0x450];
	vm3 =	vge.s32 v55, s15;
	vm4 =	vge.s32 v54, s15;
	vm8 =	vge.s32 v54, s17  }
0x19: {  	v50 =	vld [tilespmem:$0x460];
	vm9 =	vge.s32 v53, s17;
	vm10 =	vge.s32 v52, s17;
	vm11 =	vge.s32 v51, s17  }
0x1a: {  	v47 =	vld [tilespmem:$0x470];
	v0 =	vmpcnt.ones.xlane vm3;
	v1 =	vmpcnt.ones.xlane vm4;
	vm3 =	vge.s32 v53, s15  }
0x1b: {  	v46 =	vld [tilespmem:$0x480];
	vm5 =	vge.s32 v25, s17;
	v2 =	vmpcnt.ones.xlane vm3;
	vm3 =	vge.s32 v52, s15  }
0x1c: {  	v44 =	vld [tilespmem:$0x490];
	v0 =	vadd.s32 v0, v1;
	v60 =	vmpcnt.ones.xlane vm3;
	vm3 =	vge.s32 v51, s15  }
0x1d: {  	v48 =	vld [tilespmem:$0x4A0];
	v0 =	vadd.s32 v2, v0;
	v61 =	vmpcnt.ones.xlane vm3;
	vm3 =	vge.s32 v49, s15  }
0x1e: {  	v42 =	vld [tilespmem:$0x4B0];
	v0 =	vadd.s32 v60, v0;
	v62 =	vmpcnt.ones.xlane vm3;
	vm3 =	vge.s32 v50, s15  }
0x1f: {  	v43 =	vld [tilespmem:$0x4C0];
	v0 =	vadd.s32 v61, v0;
	v63 =	vmpcnt.ones.xlane vm3;
	vm3 =	vge.s32 v47, s15  }
0x20: {  	v40 =	vld [tilespmem:$0x4D0];
	v0 =	vadd.s32 v62, v0;
	v4 =	vmpcnt.ones.xlane vm3;
	vm3 =	vge.s32 v46, s15  }
0x21: {  	v45 =	vld [tilespmem:$0x4E0];
	v0 =	vadd.s32 v63, v0;
	v5 =	vmpcnt.ones.xlane vm3;
	vm3 =	vge.s32 v44, s15  }
0x22: {  	v38 =	vld [tilespmem:$0x4F0];
	v0 =	vadd.s32 v4, v0;
	v6 =	vmpcnt.ones.xlane vm3;
	vm3 =	vge.s32 v48, s15  }
0x23: {  	v39 =	vld [tilespmem:$0x500];
	v0 =	vadd.s32 v5, v0;
	v7 =	vmpcnt.ones.xlane vm3;
	vm3 =	vge.s32 v42, s15  }
0x24: {  	v36 =	vld [tilespmem:$0x510];
	v0 =	vadd.s32 v6, v0;
	v8 =	vmpcnt.ones.xlane vm3;
	vm3 =	vge.s32 v43, s15  }
0x25: {  	v41 =	vld [tilespmem:$0x520];
	v0 =	vadd.s32 v7, v0;
	v9 =	vmpcnt.ones.xlane vm3;
	vm3 =	vge.s32 v40, s15  }
0x26: {  	v34 =	vld [tilespmem:$0x530];
	v0 =	vadd.s32 v8, v0;
	v10 =	vmpcnt.ones.xlane vm3;
	vm3 =	vge.s32 v45, s15  }
0x27: {  	v35 =	vld [tilespmem:$0x540];
	v0 =	vadd.s32 v9, v0;
	v11 =	vmpcnt.ones.xlane vm3;
	vm3 =	vge.s32 v38, s15  }
0x28: {  	v32 =	vld [tilespmem:$0x550];
	v0 =	vadd.s32 v10, v0;
	v12 =	vmpcnt.ones.xlane vm3;
	vm3 =	vge.s32 v39, s15  }
0x29: {  	v37 =	vld [tilespmem:$0x560];
	v0 =	vadd.s32 v11, v0;
	v13 =	vmpcnt.ones.xlane vm3;
	vm3 =	vge.s32 v36, s15  }
0x2a: {  	v30 =	vld [tilespmem:$0x570];
	v0 =	vadd.s32 v12, v0;
	v14 =	vmpcnt.ones.xlane vm3;
	vm3 =	vge.s32 v41, s15  }
0x2b: {  	v31 =	vld [tilespmem:$0x580];
	v0 =	vadd.s32 v13, v0;
	v15 =	vmpcnt.ones.xlane vm3;
	vm3 =	vge.s32 v34, s15  }
0x2c: {  	v28 =	vld [tilespmem:$0x590];
	v0 =	vadd.s32 v14, v0;
	v16 =	vmpcnt.ones.xlane vm3;
	vm3 =	vge.s32 v35, s15  }
0x2d: {  	v33 =	vld [tilespmem:$0x5A0];
	v0 =	vadd.s32 v15, v0;
	v17 =	vmpcnt.ones.xlane vm3;
	vm3 =	vge.s32 v32, s15  }
0x2e: {  	v0 =	vadd.s32 v16, v0;
	v18 =	vmpcnt.ones.xlane vm3;
	vm3 =	vge.s32 v37, s15  }
0x2f: {  	v26 =	vld [tilespmem:$0x5C0];
	v0 =	vadd.s32 v17, v0;
	v19 =	vmpcnt.ones.xlane vm3;
	vm3 =	vge.s32 v30, s15  }
0x30: {  	v23 =	vld [tilespmem:$0x5D0];
	v0 =	vadd.s32 v18, v0;
	v24 =	vmpcnt.ones.xlane vm3;
	vm3 =	vge.s32 v31, s15  }
0x31: {  	v29 =	vld [tilespmem:$0x5E0];
	v0 =	vadd.s32 v19, v0;
	v56 =	vmpcnt.ones.xlane vm3;
	vm3 =	vge.s32 v28, s15  }
0x32: {  	v21 =	vld [tilespmem:$0x5F0];
	v0 =	vadd.s32 v24, v0;
	v57 =	vmpcnt.ones.xlane vm3;
	vm3 =	vge.s32 v33, s15  }
0x33: {  	v22 =	vld [tilespmem:$0x600];
	v0 =	vadd.s32 v56, v0;
	v58 =	vmpcnt.ones.xlane vm3;
	vm3 =	vge.s32 v25, s15  }
0x34: {  	v19 =	vld [tilespmem:$0x610];
	v0 =	vadd.s32 v57, v0;
	v59 =	vmpcnt.ones.xlane vm3;
	vm3 =	vge.s32 v26, s15  }
0x35: {  	v24 =	vld [tilespmem:$0x620];
	v0 =	vadd.s32 v58, v0;
	v60 =	vmpcnt.ones.xlane vm3;
	vm3 =	vge.s32 v23, s15  }
0x36: {  	v17 =	vld [tilespmem:$0x630];
	v0 =	vadd.s32 v59, v0;
	v61 =	vmpcnt.ones.xlane vm3;
	vm3 =	vge.s32 v29, s15  }
0x37: {  	v18 =	vld [tilespmem:$0x640];
	v0 =	vadd.s32 v60, v0;
	v62 =	vmpcnt.ones.xlane vm3;
	vm3 =	vge.s32 v21, s15  }
0x38: {  	v15 =	vld [tilespmem:$0x650];
	v0 =	vadd.s32 v61, v0;
	v63 =	vmpcnt.ones.xlane vm3;
	vm3 =	vge.s32 v22, s15  }
0x39: {  	v20 =	vld [tilespmem:$0x660];
	v0 =	vadd.s32 v62, v0;
	v4 =	vmpcnt.ones.xlane vm3;
	vm3 =	vge.s32 v19, s15  }
0x3a: {  	v13 =	vld [tilespmem:$0x670];
	v0 =	vadd.s32 v63, v0;
	v5 =	vmpcnt.ones.xlane vm3;
	vm3 =	vge.s32 v24, s15  }
0x3b: {  	v14 =	vld [tilespmem:$0x680];
	v0 =	vadd.s32 v4, v0;
	v6 =	vmpcnt.ones.xlane vm3;
	vm3 =	vge.s32 v17, s15  }
0x3c: {  	v11 =	vld [tilespmem:$0x690];
	v0 =	vadd.s32 v5, v0;
	v7 =	vmpcnt.ones.xlane vm3;
	vm3 =	vge.s32 v18, s15  }
0x3d: {  	v16 =	vld [tilespmem:$0x6A0];
	v0 =	vadd.s32 v6, v0;
	v12 =	vmpcnt.ones.xlane vm3;
	vm3 =	vge.s32 v15, s15  }
0x3e: {  	v9 =	vld [tilespmem:$0x6B0];
	v0 =	vadd.s32 v7, v0;
	v27 =	vmpcnt.ones.xlane vm3;
	vm3 =	vge.s32 v20, s15  }
0x3f: {  	v10 =	vld [tilespmem:$0x6C0];
	v0 =	vadd.s32 v12, v0;
	v56 =	vmpcnt.ones.xlane vm3;
	vm3 =	vge.s32 v13, s15  }
0x40: {  	v7 =	vld [tilespmem:$0x6D0];
	v0 =	vadd.s32 v27, v0;
	v57 =	vmpcnt.ones.xlane vm3;
	vm3 =	vge.s32 v14, s15  }
0x41: {  	v12 =	vld [tilespmem:$0x6E0];
	v0 =	vadd.s32 v56, v0;
	v58 =	vmpcnt.ones.xlane vm3;
	vm3 =	vge.s32 v11, s15  }
0x42: {  	v5 =	vld [tilespmem:$0x6F0];
	v0 =	vadd.s32 v57, v0;
	v59 =	vmpcnt.ones.xlane vm3;
	vm3 =	vge.s32 v16, s15  }
0x43: {  	v6 =	vld [tilespmem:$0x700];
	v0 =	vadd.s32 v58, v0;
	v60 =	vmpcnt.ones.xlane vm3;
	vm3 =	vge.s32 v9, s15  }
0x44: {  	v3 =	vld [tilespmem:$0x710];
	v0 =	vadd.s32 v59, v0;
	v61 =	vmpcnt.ones.xlane vm3;
	vm3 =	vge.s32 v10, s15  }
0x45: {  	v8 =	vld [tilespmem:$0x720];
	v0 =	vadd.s32 v60, v0;
	v62 =	vmpcnt.ones.xlane vm3;
	vm3 =	vge.s32 v7, s15  }
0x46: {  	v63 =	vld [tilespmem:$0x730];
	v0 =	vadd.s32 v61, v0;
	v4 =	vmpcnt.ones.xlane vm3;
	vm3 =	vge.s32 v12, s15  }
0x47: {  	v0 =	vadd.s32 v62, v0;
	v27 =	vmpcnt.ones.xlane vm3;
	vm3 =	vge.s32 v5, s15  }
0x48: {  	v2 =	vld [tilespmem:$0x740];
	v4 =	vadd.s32 v4, v0;
	v56 =	vmpcnt.ones.xlane vm3;
	vm3 =	vge.s32 v6, s15  }
0x49: {  	v60 =	vld [tilespmem:$0x750];
	v27 =	vadd.s32 v27, v4;
	v57 =	vmpcnt.ones.xlane vm3;
	vm3 =	vge.s32 v3, s15  }
0x4a: {  	v27 =	vadd.s32 v56, v27;
	v61 =	vmpcnt.ones.xlane vm3;
	vm3 =	vge.s32 v8, s15  }
0x4b: {  	v4 =	vld [tilespmem:$0x760];
	v27 =	vadd.s32 v57, v27;
	v62 =	vmpcnt.ones.xlane vm3;
	vm3 =	vge.s32 v63, s15  }
0x4c: {  	vm6 =	vge.s32 v29, s17;
	[tilespmem:$0x1FFD0] =	vst v63;
	v27 =	vadd.s32 v61, v27;
	v63 =	vmpcnt.ones.xlane vm3  }
0x4d: {  	vm3 =	vge.s32 v2, s15;
	v61 =	vmpcnt.ones.xlane vm9;
	vm9 =	vge.s32 v50, s17  }
0x4e: {  	v27 =	vadd.s32 v62, v27;
	v1 =	vmpcnt.ones.xlane vm3;
	vm3 =	vge.s32 v60, s15  }
0x4f: {  	[tilespmem:$0x1FFF0] =	vst v60;
	v60 =	vmpcnt.ones.xlane vm8;
	v62 =	vmpcnt.ones.xlane vm10;
	vm8 =	vge.s32 v49, s17  }
0x50: {  	vm10 =	vge.s32 v47, s17;
	v58 =	vmpcnt.ones.xlane vm3;
	vm3 =	vge.s32 v4, s15  }
0x51: {  	[tilespmem:$0x1FFE0] =	vst v2;
	v56 =	vadd.s32 v63, v27;
	v2 =	vmpcnt.ones.xlane vm3;
	vm3 =	vge.s32 v55, s17  }
0x52: {  	[tilespmem:$0x1FFC0] =	vst v3;
	v63 =	vmpcnt.ones.xlane vm11;
	v56 =	vadd.s32 v1, v56;
	v3 =	vmpcnt.ones.xlane vm3  }
0x53: {  	v0 =	vmpcnt.ones.xlane vm8;
	vm11 =	vge.s32 v46, s17;
	v56 =	vadd.s32 v58, v56  }
0x54: {  	v27 =	vld [tilespmem:$0x770];
	vm8 =	vge.s32 v44, s17;
	v59 =	vadd.s32 v2, v56;
	v56 =	vadd.s32 v3, v60  }
0x55: {  	v1 =	vmpcnt.ones.xlane vm9;
	vm9 =	vge.s32 v48, s17;
	v56 =	vadd.s32 v61, v56  }
0x56: {  	v2 =	vmpcnt.ones.xlane vm10;
	vm10 =	vge.s32 v42, s17;
	v56 =	vadd.s32 v62, v56  }
0x57: {  	v3 =	vmpcnt.ones.xlane vm11;
	v60 =	vmpcnt.ones.xlane vm8;
	v56 =	vadd.s32 v63, v56  }
0x58: {  	vm11 =	vge.s32 v43, s17;
	vm8 =	vge.s32 v40, s17;
	v56 =	vadd.s32 v0, v56  }
0x59: {  	vm3 =	vge.s32 v27, s15;
	v61 =	vmpcnt.ones.xlane vm9;
	v56 =	vadd.s32 v1, v56  }
0x5a: {  	vm9 =	vge.s32 v45, s17;
	v62 =	vmpcnt.ones.xlane vm10;
	v56 =	vadd.s32 v2, v56  }
0x5b: {  	vm10 =	vge.s32 v38, s17;
	v63 =	vmpcnt.ones.xlane vm11;
	v56 =	vadd.s32 v3, v56  }
0x5c: {  	vm11 =	vge.s32 v39, s17;
	v0 =	vmpcnt.ones.xlane vm8;
	v56 =	vadd.s32 v60, v56  }
0x5d: {  	vm8 =	vge.s32 v36, s17;
	v1 =	vmpcnt.ones.xlane vm9;
	v56 =	vadd.s32 v61, v56  }
0x5e: {  	vm9 =	vge.s32 v41, s17;
	v2 =	vmpcnt.ones.xlane vm10;
	v56 =	vadd.s32 v62, v56  }
0x5f: {  	vm10 =	vge.s32 v34, s17;
	v3 =	vmpcnt.ones.xlane vm11;
	v56 =	vadd.s32 v63, v56  }
0x60: {  	vm11 =	vge.s32 v35, s17;
	v60 =	vmpcnt.ones.xlane vm8;
	v56 =	vadd.s32 v0, v56  }
0x61: {  	vm8 =	vge.s32 v32, s17;
	v62 =	vmpcnt.ones.xlane vm3;
	v56 =	vadd.s32 v1, v56  }
0x62: {  	v61 =	vmpcnt.ones.xlane vm8;
	v0 =	vmpcnt.ones.xlane vm9;
	v57 =	vadd.s32 v2, v56;
	v56 =	vld [tilespmem:$0x780]  }
0x63: {  	vm9 =	vge.s32 v37, s17;
	v59 =	vadd.s32 v62, v59;
	v57 =	vadd.s32 v3, v57  }
0x64: {  	v1 =	vmpcnt.ones.xlane vm10;
	vm10 =	vge.s32 v30, s17;
	v57 =	vadd.s32 v60, v57  }
0x65: {  	s18 =	sor.u32 s18, s14;
	v2 =	vmpcnt.ones.xlane vm11;
	vm11 =	vge.s32 v31, s17;
	v57 =	vadd.s32 v0, v57  }
0x66: {  	s19 =	sxor.u32 $0x80000000, s18;
	v3 =	vmpcnt.ones.xlane vm9;
	v0 =	vmpcnt.ones.xlane vm11;
	v60 =	vadd.s32 v1, v57;
	v57 =	vld [tilespmem:$0x790]  }
0x67: {  	vm11 =	vge.s32 v55, s19;
	v58 =	vadd.s32 v2, v60;
	vm3 =	vge.s32 v56, s15  }
0x68: {  	v1 =	vmpcnt.ones.xlane vm5;
	v61 =	vadd.s32 v61, v58;
	v58 =	vld [tilespmem:$0x7A0];
	v63 =	vmpcnt.ones.xlane vm3  }
0x69: {  	v55 =	vmpcnt.ones.xlane vm11;
	v60 =	vadd.s32 v3, v61;
	v61 =	vmpcnt.ones.xlane vm10  }
0x6a: {  	vm11 =	vge.s32 v24, s17;
	vm3 =	vge.s32 v28, s17;
	v62 =	vadd.s32 v63, v59  }
0x6b: {  	v59 =	vld [tilespmem:$0x7B0];
	v60 =	vadd.s32 v61, v60;
	v61 =	vmpcnt.ones.xlane vm3;
	vm3 =	vge.s32 v57, s15  }
0x6c: {  	v0 =	vadd.s32 v0, v60;
	v63 =	vmpcnt.ones.xlane vm3;
	vm3 =	vge.s32 v33, s17  }
0x6d: {  	v60 =	vld [tilespmem:$0x7C0];
	v2 =	vadd.s32 v61, v0;
	vm8 =	vge.s32 v58, s15;
	v61 =	vmpcnt.ones.xlane vm3  }
0x6e: {  	vm10 =	vge.s32 v23, s17;
	vm3 =	vge.s32 v26, s17;
	v0 =	vmpcnt.ones.xlane vm8  }
0x6f: {  	v62 =	vadd.s32 v63, v62;
	vm8 =	vge.s32 v17, s17;
	v2 =	vadd.s32 v61, v2  }
0x70: {  	v61 =	vmpcnt.ones.xlane vm3;
	vm3 =	vge.s32 v59, s15;
	v3 =	vadd.s32 v0, v62  }
0x71: {  	v1 =	vadd.s32 v1, v2;
	v2 =	vmpcnt.ones.xlane vm3;
	v62 =	vmpcnt.ones.xlane vm10  }
0x72: {  	vm3 =	vge.s32 v21, s17;
	vm9 =	vge.s32 v60, s15;
	v1 =	vadd.s32 v61, v1;
	v61 =	vld [tilespmem:$0x7D0]  }
0x73: {  	v0 =	vmpcnt.ones.xlane vm6;
	vm10 =	vge.s32 v54, s19;
	v63 =	vmpcnt.ones.xlane vm9  }
0x74: {  	v1 =	vadd.s32 v62, v1;
	v62 =	vmpcnt.ones.xlane vm3;
	vm9 =	vge.s32 v19, s17  }
0x75: {  	v2 =	vadd.s32 v2, v3;
	v0 =	vadd.s32 v0, v1;
	v54 =	vmpcnt.ones.xlane vm9  }
0x76: {  	vm9 =	vge.s32 v50, s19;
	v0 =	vadd.s32 v62, v0;
	v62 =	vmpcnt.ones.xlane vm10  }
0x77: {  	v2 =	vadd.s32 v63, v2;
	vm10 =	vge.s32 v18, s17;
	vm3 =	vge.s32 v61, s15  }
0x78: {  	v62 =	vadd.s32 v55, v62;
	v1 =	vmpcnt.ones.xlane vm3;
	vm3 =	vge.s32 v22, s17  }
0x79: {  	v55 =	vmpcnt.ones.xlane vm8;
	v3 =	vmpcnt.ones.xlane vm3;
	vm3 =	vge.s32 v53, s19  }
0x7a: {  	vm8 =	vge.s32 v48, s19;
	v53 =	vadd.s32 v1, v2;
	v63 =	vmpcnt.ones.xlane vm3  }
0x7b: {  	vm3 =	vge.s32 v52, s19;
	v52 =	vmpcnt.ones.xlane vm11;
	v0 =	vadd.s32 v3, v0  }
0x7c: {  	v1 =	vadd.s32 v63, v62;
	v63 =	vmpcnt.ones.xlane vm3;
	vm3 =	vge.s32 v51, s19  }
0x7d: {  	vm11 =	vge.s32 v15, s17;
	v0 =	vadd.s32 v54, v0;
	v54 =	vmpcnt.ones.xlane vm3  }
0x7e: {  	vm3 =	vge.s32 v49, s19;
	v0 =	vadd.s32 v52, v0;
	v52 =	vmpcnt.ones.xlane vm10  }
0x7f: {  	vm10 =	vge.s32 v13, s17;
	v1 =	vadd.s32 v63, v1;
	v62 =	vmpcnt.ones.xlane vm3  }
0x80: {  	v63 =	vmpcnt.ones.xlane vm9;
	v0 =	vadd.s32 v55, v0;
	vm3 =	vge.s32 v47, s19  }
0x81: {  	v55 =	vmpcnt.ones.xlane vm11;
	vm9 =	vge.s32 v20, s17;
	v50 =	vmpcnt.ones.xlane vm10  }
0x82: {  	vm11 =	vge.s32 v45, s19;
	vm10 =	vge.s32 v41, s19;
	v1 =	vadd.s32 v54, v1  }
0x83: {  	v51 =	vmpcnt.ones.xlane vm3;
	vm3 =	vge.s32 v46, s19;
	v0 =	vadd.s32 v52, v0  }
0x84: {  	v48 =	vmpcnt.ones.xlane vm9;
	v52 =	vmpcnt.ones.xlane vm11;
	vm9 =	vge.s32 v11, s17  }
0x85: {  	v41 =	vmpcnt.ones.xlane vm10;
	vm11 =	vge.s32 v16, s17;
	vm10 =	vge.s32 v10, s17  }
0x86: {  	v1 =	vadd.s32 v62, v1;
	v54 =	vmpcnt.ones.xlane vm3;
	vm3 =	vge.s32 v44, s19  }
0x87: {  	v0 =	vadd.s32 v55, v0;
	v1 =	vadd.s32 v63, v1;
	v62 =	vmpcnt.ones.xlane vm3  }
0x88: {  	v63 =	vmpcnt.ones.xlane vm8;
	vm3 =	vge.s32 v42, s19;
	v0 =	vadd.s32 v48, v0  }
0x89: {  	vm8 =	vge.s32 v14, s17;
	v1 =	vadd.s32 v51, v1;
	v47 =	vmpcnt.ones.xlane vm3  }
0x8a: {  	vm3 =	vge.s32 v43, s19;
	v0 =	vadd.s32 v50, v0;
	v55 =	vmpcnt.ones.xlane vm8  }
0x8b: {  	v43 =	vmpcnt.ones.xlane vm11;
	vm8 =	vge.s32 v9, s17;
	vm11 =	vge.s32 v7, s17  }
0x8c: {  	v1 =	vadd.s32 v54, v1;
	v49 =	vmpcnt.ones.xlane vm3;
	vm3 =	vge.s32 v40, s19  }
0x8d: {  	v45 =	vmpcnt.ones.xlane vm8;
	vm8 =	vge.s32 v33, s19;
	v1 =	vadd.s32 v62, v1  }
0x8e: {  	v51 =	vmpcnt.ones.xlane vm3;
	vm3 =	vge.s32 v38, s19;
	v0 =	vadd.s32 v55, v0  }
0x8f: {  	v1 =	vadd.s32 v63, v1;
	v54 =	vmpcnt.ones.xlane vm3;
	vm3 =	vge.s32 v39, s19  }
0x90: {  	v63 =	vmpcnt.ones.xlane vm9;
	vm9 =	vge.s32 v37, s19;
	v1 =	vadd.s32 v47, v1  }
0x91: {  	v62 =	vmpcnt.ones.xlane vm3;
	vm3 =	vge.s32 v36, s19;
	v47 =	vmpcnt.ones.xlane vm9  }
0x92: {  	vm9 =	vge.s32 v12, s17;
	v1 =	vadd.s32 v49, v1;
	v40 =	vmpcnt.ones.xlane vm3  }
0x93: {  	v0 =	vadd.s32 v63, v0;
	vm3 =	vge.s32 v34, s19;
	v49 =	vmpcnt.ones.xlane vm10  }
0x94: {  	vm10 =	vge.s32 v5, s17;
	v1 =	vadd.s32 v51, v1;
	v42 =	vmpcnt.ones.xlane vm3  }
0x95: {  	vm3 =	vge.s32 v35, s19;
	v0 =	vadd.s32 v43, v0;
	v51 =	vmpcnt.ones.xlane vm11  }
0x96: {  	vm11 =	vge.s32 v29, s19;
	v1 =	vadd.s32 v52, v1;
	v44 =	vmpcnt.ones.xlane vm3  }
0x97: {  	v33 =	vld [tilespmem:$0x1FFC0];
	vm3 =	vge.s32 v32, s19;
	v0 =	vadd.s32 v45, v0;
	v1 =	vadd.s32 v54, v1  }
0x98: {  	v46 =	vmpcnt.ones.xlane vm3;
	vm3 =	vge.s32 v30, s19;
	v0 =	vadd.s32 v49, v0  }
0x99: {  	v54 =	vmpcnt.ones.xlane vm8;
	v30 =	vmpcnt.ones.xlane vm11;
	vm8 =	vge.s32 v6, s17  }
0x9a: {  	vm11 =	vge.s32 v8, s17;
	v1 =	vadd.s32 v62, v1;
	v48 =	vmpcnt.ones.xlane vm3  }
0x9b: {  	vm3 =	vge.s32 v31, s19;
	v0 =	vadd.s32 v51, v0;
	v62 =	vmpcnt.ones.xlane vm9  }
0x9c: {  	v32 =	vmpcnt.ones.xlane vm8;
	vm9 =	vge.s32 v33, s17;
	v39 =	vmpcnt.ones.xlane vm11  }
0x9d: {  	v45 =	vld [tilespmem:$0x1FFE0];
	v1 =	vadd.s32 v40, v1;
	v50 =	vmpcnt.ones.xlane vm3;
	vm3 =	vge.s32 v28, s19  }
0x9e: {  	v28 =	vmpcnt.ones.xlane vm10;
	v35 =	vmpcnt.ones.xlane vm9;
	vm10 =	vge.s32 v24, s19  }
0x9f: {  	vm9 =	vge.s32 v20, s19;
	v1 =	vadd.s32 v41, v1;
	v52 =	vmpcnt.ones.xlane vm3  }
0xa0: {  	vm3 =	vge.s32 v25, s19;
	v0 =	vadd.s32 v62, v0;
	v37 =	vmpcnt.ones.xlane vm10  }
0xa1: {  	v1 =	vadd.s32 v42, v1;
	v55 =	vmpcnt.ones.xlane vm3;
	vm3 =	vge.s32 v26, s19  }
0xa2: {  	v40 =	vld [tilespmem:$0x1FFD0];
	v0 =	vadd.s32 v28, v0;
	vm10 =	vge.s32 v45, s17;
	v1 =	vadd.s32 v44, v1  }
0xa3: {  	v63 =	vmpcnt.ones.xlane vm3;
	vm3 =	vge.s32 v23, s19;
	v0 =	vadd.s32 v32, v0  }
0xa4: {  	v44 =	vmpcnt.ones.xlane vm9;
	vm9 =	vge.s32 v4, s17;
	v1 =	vadd.s32 v46, v1  }
0xa5: {  	v29 =	vmpcnt.ones.xlane vm3;
	vm3 =	vge.s32 v21, s19;
	v0 =	vadd.s32 v35, v0  }
0xa6: {  	v1 =	vadd.s32 v47, v1;
	v31 =	vmpcnt.ones.xlane vm3;
	vm3 =	vge.s32 v22, s19  }
0xa7: {  	vm8 =	vge.s32 v40, s17;
	v0 =	vadd.s32 v39, v0;
	v47 =	vmpcnt.ones.xlane vm10  }
0xa8: {  	vm10 =	vge.s32 v27, s17;
	v1 =	vadd.s32 v48, v1;
	v34 =	vmpcnt.ones.xlane vm3  }
0xa9: {  	vm3 =	vge.s32 v19, s19;
	v42 =	vmpcnt.ones.xlane vm8;
	vm8 =	vge.s32 v16, s19  }
0xaa: {  	v1 =	vadd.s32 v50, v1;
	v36 =	vmpcnt.ones.xlane vm3;
	vm3 =	vge.s32 v17, s19  }
0xab: {  	v1 =	vadd.s32 v52, v1;
	v38 =	vmpcnt.ones.xlane vm3;
	vm3 =	vge.s32 v18, s19  }
0xac: {  	v0 =	vadd.s32 v42, v0;
	v52 =	vmpcnt.ones.xlane vm8;
	vm8 =	vge.s32 v56, s17  }
0xad: {  	v48 =	vld [tilespmem:$0x1FFF0];
	v1 =	vadd.s32 v54, v1;
	v41 =	vmpcnt.ones.xlane vm3;
	vm3 =	vge.s32 v15, s19  }
0xae: {  	v0 =	vadd.s32 v47, v0;
	v17 =	vmpcnt.ones.xlane vm8;
	vm8 =	vge.s32 v59, s17  }
0xaf: {  	v1 =	vadd.s32 v55, v1;
	v43 =	vmpcnt.ones.xlane vm3;
	vm3 =	vge.s32 v13, s19  }
0xb0: {  	v55 =	vmpcnt.ones.xlane vm9;
	vm9 =	vge.s32 v57, s17;
	v26 =	vmpcnt.ones.xlane vm8  }
0xb1: {  	vm8 =	vge.s32 v57, s19;
	v1 =	vadd.s32 v63, v1;
	v46 =	vmpcnt.ones.xlane vm3  }
0xb2: {  	vm3 =	vge.s32 v14, s19;
	vm11 =	vge.s32 v48, s17;
	v63 =	vmpcnt.ones.xlane vm10  }
0xb3: {  	v20 =	vmpcnt.ones.xlane vm9;
	vm10 =	vge.s32 v8, s19;
	v1 =	vadd.s32 v29, v1  }
0xb4: {  	vm9 =	vge.s32 v4, s19;
	v49 =	vmpcnt.ones.xlane vm3;
	v1 =	vadd.s32 v30, v1  }
0xb5: {  	vm3 =	vge.s32 v11, s19;
	v50 =	vmpcnt.ones.xlane vm11;
	v1 =	vadd.s32 v31, v1  }
0xb6: {  	vm11 =	vge.s32 v12, s19;
	v22 =	vmpcnt.ones.xlane vm10;
	v1 =	vadd.s32 v34, v1  }
0xb7: {  	v29 =	vmpcnt.ones.xlane vm9;
	vm10 =	vge.s32 v60, s17;
	v1 =	vadd.s32 v36, v1  }
0xb8: {  	vm9 =	vge.s32 v60, s19;
	v51 =	vmpcnt.ones.xlane vm3;
	v1 =	vadd.s32 v37, v1  }
0xb9: {  	vm3 =	vge.s32 v9, s19;
	v13 =	vmpcnt.ones.xlane vm11;
	v1 =	vadd.s32 v38, v1  }
0xba: {  	vm11 =	vge.s32 v58, s17;
	v32 =	vmpcnt.ones.xlane vm10;
	v1 =	vadd.s32 v41, v1  }
0xbb: {  	v39 =	vmpcnt.ones.xlane vm9;
	v0 =	vadd.s32 v50, v0;
	v1 =	vadd.s32 v43, v1  }
0xbc: {  	v54 =	vmpcnt.ones.xlane vm3;
	vm3 =	vge.s32 v10, s19;
	v1 =	vadd.s32 v44, v1  }
0xbd: {  	v24 =	vmpcnt.ones.xlane vm11;
	vm11 =	vge.s32 v56, s19;
	v1 =	vadd.s32 v46, v1  }
0xbe: {  	v62 =	vmpcnt.ones.xlane vm3;
	vm3 =	vge.s32 v7, s19;
	v1 =	vadd.s32 v49, v1  }
0xbf: {  	v0 =	vadd.s32 v55, v0;
	v34 =	vmpcnt.ones.xlane vm11;
	v1 =	vadd.s32 v51, v1  }
0xc0: {  	vm11 =	vge.s32 v61, s19;
	v12 =	vmpcnt.ones.xlane vm3;
	v1 =	vadd.s32 v52, v1  }
0xc1: {  	v0 =	vadd.s32 v63, v0;
	vm3 =	vge.s32 v5, s19;
	v1 =	vadd.s32 v54, v1  }
0xc2: {  	v36 =	vmpcnt.ones.xlane vm8;
	v16 =	vmpcnt.ones.xlane vm3;
	v1 =	vadd.s32 v62, v1  }
0xc3: {  	vm3 =	vge.s32 v6, s19;
	v0 =	vadd.s32 v17, v0;
	v1 =	vadd.s32 v12, v1  }
0xc4: {  	v31 =	vld [tilespmem:$0x7E0];
	v19 =	vmpcnt.ones.xlane vm3;
	vm3 =	vge.s32 v33, s19;
	v1 =	vadd.s32 v13, v1  }
0xc5: {  	v0 =	vadd.s32 v20, v0;
	v21 =	vmpcnt.ones.xlane vm3;
	v1 =	vadd.s32 v16, v1  }
0xc6: {  	vm3 =	vge.s32 v40, s19;
	v0 =	vadd.s32 v24, v0;
	v1 =	vadd.s32 v19, v1  }
0xc7: {  	v23 =	vmpcnt.ones.xlane vm3;
	vm3 =	vge.s32 v45, s19;
	v1 =	vadd.s32 v21, v1  }
0xc8: {  	v25 =	vmpcnt.ones.xlane vm3;
	vm3 =	vge.s32 v48, s19;
	v1 =	vadd.s32 v22, v1  }
0xc9: {  	vm10 =	vge.s32 v31, s17;
	v28 =	vmpcnt.ones.xlane vm3;
	v1 =	vadd.s32 v23, v1  }
0xca: {  	vm9 =	vge.s32 v31, s19;
	vm3 =	vge.s32 v27, s19;
	v1 =	vadd.s32 v25, v1  }
0xcb: {  	v41 =	vmpcnt.ones.xlane vm11;
	v30 =	vmpcnt.ones.xlane vm3;
	v1 =	vadd.s32 v28, v1  }
0xcc: {  	v33 =	vld [tilespmem:$0x7F0];
	v0 =	vadd.s32 v26, v0;
	vm3 =	vge.s32 v61, s17;
	v1 =	vadd.s32 v29, v1  }
0xcd: {  	v35 =	vmpcnt.ones.xlane vm3;
	vm3 =	vge.s32 v58, s19;
	v1 =	vadd.s32 v30, v1  }
0xce: {  	v37 =	vmpcnt.ones.xlane vm3;
	vm3 =	vge.s32 v59, s19;
	v1 =	vadd.s32 v34, v1  }
0xcf: {  	v40 =	vmpcnt.ones.xlane vm10;
	v38 =	vmpcnt.ones.xlane vm3;
	v1 =	vadd.s32 v36, v1  }
0xd0: {  	v42 =	vmpcnt.ones.xlane vm9;
	v0 =	vadd.s32 v32, v0;
	v1 =	vadd.s32 v37, v1  }
0xd1: {  	vm5 =	vge.s32 v33, s15;
	vm10 =	vge.s32 v33, s19;
	v1 =	vadd.s32 v38, v1  }
0xd2: {  	vm11 =	vge.s32 v33, s17;
	v43 =	vmpcnt.ones.xlane vm10;
	v1 =	vadd.s32 v39, v1  }
0xd3: {  	v45 =	vmpcnt.ones.xlane vm11;
	vm3 =	vge.s32 v31, s15;
	v1 =	vadd.s32 v41, v1  }
0xd4: {  	v0 =	vadd.s32 v35, v0;
	v44 =	vmpcnt.ones.xlane vm3;
	v1 =	vadd.s32 v42, v1  }
0xd5: {  	v46 =	vmpcnt.ones.xlane vm5;
	v0 =	vadd.s32 v40, v0;
	v1 =	vadd.s32 v43, v1  }
0xd6: {  	v0 =	vadd.s32 v45, v0;
	v3 =	vadd.s32 v44, v53;
	v1 =	vcvt.s32.f32 v1  }
0xd7: {  	s25 =	sand.u32 $0x800, s7;
	v0 =	vcvt.s32.f32 v0;
	v47 =	vadd.s32 v46, v3  }
0xd8: {  	s15 =	sadd.s32 s25, s3;
	v2 =	vcvt.s32.f32 v47;
	v1 =	vsel vm1, $0x0, v1  }
0xd9: {  	s26 =	sadd.s32 s6, s15;
	v0 =	vsel vm2, v1, v0  }
0xda: {  	s20 =	sand.u32 $0x380, s12;
	s17 =	sadd.s32 s5, s26;
	v0 =	vsel vm12, v2, v0  }
0xdb: {  	s28 =	rddreg [dreg:$0x6];
	s17 =	sadd.s32 s20, s17;
	[tilespmem:$0x800] =	vst v0  }
0xdc: {  	[spmem:s17] =	stream.linear.scatter [tilespmem:s28], [sflag:$0x1], $0x10, $0x38;
	[tilespmem:$0xBA0] =	vst v63  }
0xdd: {  	_ =	swait.ge [sflag:s8], $0x10  }
0xde: {  	[sflag:s8] =	ssyncset.done $0x0  }
0xdf: {  	[sflag:s8] =	ssyncadd.s32 $0xFFFFFFF0  }
0xe0: {  	s15 =	sadd.s32 s20, s15;
	[bflag:$0x0] =	sbarrier.arrive $0xFFFF  }
0xe1: {  	[tilespmem:s11], [sflag:$0x1] =	stream.strided.gather [spmem:s15], $0x100, s9, s10, $0x38;
	[tilespmem:$0xBA0] =	vst v63  }
0xe2: {  	_ =	swait.ge [sflag:s8], $0x100  }
0xe3: {  	[sflag:s8] =	ssyncset.done $0x0  }
0xe4: {  	[sflag:s8] =	ssyncadd.s32 $0xFFFFFF00  }
0xe5: {  	v48 =	vld [tilespmem:$0x880]  }
0xe6: {  	v49 =	vld [tilespmem:$0x890];
	_ =	sdelay $0x1  }
0xe7: {  	v50 =	vld [tilespmem:$0x8A0];
	_ =	sdelay $0x1  }
0xe8: {  	v51 =	vld [tilespmem:$0x8B0]  }
0xe9: {  	v0 =	vadd.f32 v49, v48  }
0xea: {  	v52 =	vld [tilespmem:$0x8C0]  }
0xeb: {  	v0 =	vadd.f32 v50, v0  }
0xec: {  	v53 =	vld [tilespmem:$0x8D0]  }
0xed: {  	v0 =	vadd.f32 v51, v0  }
0xee: {  	v54 =	vld [tilespmem:$0x8E0]  }
0xef: {  	v0 =	vadd.f32 v52, v0  }
0xf0: {  	v55 =	vld [tilespmem:$0x8F0]  }
0xf1: {  	v0 =	vadd.f32 v53, v0  }
0xf2: {  	v56 =	vld [tilespmem:$0x900]  }
0xf3: {  	v0 =	vadd.f32 v54, v0  }
0xf4: {  	v57 =	vld [tilespmem:$0x910]  }
0xf5: {  	v0 =	vadd.f32 v55, v0  }
0xf6: {  	v58 =	vld [tilespmem:$0x920]  }
0xf7: {  	v0 =	vadd.f32 v56, v0  }
0xf8: {  	v59 =	vld [tilespmem:$0x930]  }
0xf9: {  	v0 =	vadd.f32 v57, v0  }
0xfa: {  	v60 =	vld [tilespmem:$0x940]  }
0xfb: {  	v0 =	vadd.f32 v58, v0  }
0xfc: {  	v61 =	vld [tilespmem:$0x950]  }
0xfd: {  	v0 =	vadd.f32 v59, v0  }
0xfe: {  	v62 =	vld [tilespmem:$0x960]  }
0xff: {  	v0 =	vadd.f32 v60, v0  }
0x100: {  	v63 =	vld [tilespmem:$0x970]  }
0x101: {  	v0 =	vadd.f32 v61, v0;
	_ =	sdelay $0x1  }
0x102: {  	v0 =	vadd.f32 v62, v0;
	_ =	sdelay $0x1  }
0x103: {  	v0 =	vadd.f32 v63, v0;
	_ =	sdelay $0x1  }
0x104: {  	(v2sf) =	vpush v0, $0x0  }
0x105: {  	(v2sf) =	vpush v0, $0x1;
	_ =	sdelay $0x4  }
0x106: {  	(v2sf) =	vpush v0, $0x2;
	_ =	sdelay $0x8  }
0x107: {  	s29 =	spop (v2sf)  }
0x108: {  	s30 =	spop (v2sf)  }
0x109: {  	p0 =	sge.f32 s30, $1.146800000e+04;
	_ =	sdelay $0x1  }
0x10a: {  	s2 =	smov.u32 @p0 s16;
	p0 =	sne.s32 s13, $0x1E  }
.Ltmp0:
0x10b: {  	_ = 	snop;
	(pc) =	sbr.rel @p0 .LBB2_1-.Ltmp0, $4  }
0x10c: {  	p1 =	sge.f32 s29, $1.146800000e+04;
	s31 =	spop (v2sf)  }
0x10d: {  	p2 =	sge.f32 s31, $1.146800000e+04  }
0x10e: {  	s12 =	sadd.s32 $0x80, s12;
	s2 =	smov.u32 @p1 s14  }
0x10f: {  	s7 =	sadd.s32 $0x100, s7;
	s13 =	sadd.s32 $0x2, s13;
	s2 =	smov.u32 @p2 s18  }
0x110: {  	v0 =	vld [tilespmem:$0x400]  }
0x111: {  	v1 =	vld [tilespmem:$0x0]  }
0x112: {  	v2 =	vld [tilespmem:$0x410]  }
0x113: {  	v3 =	vld [tilespmem:$0x10]  }
0x114: {  	v4 =	vld [tilespmem:$0x420]  }
0x115: {  	v5 =	vld [tilespmem:$0x20]  }
0x116: {  	v6 =	vld [tilespmem:$0x430]  }
0x117: {  	v35 =	vld [tilespmem:$0x30]  }
0x118: {  	v36 =	vld [tilespmem:$0x440]  }
0x119: {  	v38 =	vld [tilespmem:$0x40]  }
0x11a: {  	v39 =	vld [tilespmem:$0x450]  }
0x11b: {  	v41 =	vld [tilespmem:$0x50]  }
0x11c: {  	v42 =	vld [tilespmem:$0x460]  }
0x11d: {  	v44 =	vld [tilespmem:$0x60]  }
0x11e: {  	v45 =	vld [tilespmem:$0x470]  }
0x11f: {  	v47 =	vld [tilespmem:$0x70]  }
0x120: {  	v48 =	vld [tilespmem:$0x480]  }
0x121: {  	v50 =	vld [tilespmem:$0x80]  }
0x122: {  	v51 =	vld [tilespmem:$0x490]  }
0x123: {  	v52 =	vld [tilespmem:$0x90]  }
0x124: {  	v53 =	vld [tilespmem:$0x4A0]  }
0x125: {  	v54 =	vld [tilespmem:$0xA0]  }
0x126: {  	s7 =	sxor.u32 $0x80000000, s2;
	v55 =	vld [tilespmem:$0x4B0];
	v1 =	vadd.f32 $0.0e+00, v1  }
0x127: {  	v56 =	vld [tilespmem:$0xB0];
	vm0 =	vgt.s32 v0, s7;
	vm1 =	vgt.s32 v2, s7  }
0x128: {  	v57 =	vld [tilespmem:$0x4C0];
	v2 =	vnsel vm1, $0x0, v3;
	v1 =	vnsel vm0, $0x0, v1  }
0x129: {  	v33 =	vimm.s32 $0x0;
	v58 =	vld [tilespmem:$0xC0];
	vm6 =	vgt.s32 v4, s7;
	v1 =	vadd.f32 v2, v1  }
0x12a: {  	v34 =	vimm.s32 $0x0;
	v59 =	vld [tilespmem:$0x4D0];
	v0 =	vsel vm0, $0xFFFFFFFF, v33;
	v4 =	vnsel vm6, $0x0, v5  }
0x12b: {  	v60 =	vld [tilespmem:$0xD0];
	vm7 =	vgt.s32 v6, s7;
	[tilespmem:$0x1FEE0] =	vst v0;
	v0 =	vsel vm1, $0xFFFFFFFF, v34;
	v1 =	vadd.f32 v4, v1  }
0x12c: {  	v37 =	vimm.s32 $0x0;
	v61 =	vld [tilespmem:$0x4E0];
	[tilespmem:$0x1FEF0] =	vst v0;
	v0 =	vnsel vm7, $0x0, v35  }
0x12d: {  	v62 =	vld [tilespmem:$0xE0];
	vm8 =	vgt.s32 v36, s7;
	v2 =	vsel vm6, $0xFFFFFFFF, v37;
	v0 =	vadd.f32 v0, v1  }
0x12e: {  	v40 =	vimm.s32 $0x0;
	v63 =	vld [tilespmem:$0x4F0];
	[tilespmem:$0x1FF00] =	vst v2;
	v2 =	vnsel vm8, $0x0, v38  }
0x12f: {  	v8 =	vld [tilespmem:$0xF0];
	vm9 =	vgt.s32 v39, s7;
	v4 =	vsel vm7, $0xFFFFFFFF, v40;
	v0 =	vadd.f32 v2, v0  }
0x130: {  	v43 =	vimm.s32 $0x0;
	v9 =	vld [tilespmem:$0x500];
	[tilespmem:$0x1FF10] =	vst v4;
	v4 =	vnsel vm9, $0x0, v41  }
0x131: {  	v10 =	vld [tilespmem:$0x100];
	vm10 =	vgt.s32 v42, s7;
	v1 =	vsel vm8, $0xFFFFFFFF, v43;
	v0 =	vadd.f32 v4, v0  }
0x132: {  	v46 =	vimm.s32 $0x0;
	v11 =	vld [tilespmem:$0x510];
	[tilespmem:$0x1FF20] =	vst v1;
	v1 =	vnsel vm10, $0x0, v44  }
0x133: {  	v12 =	vld [tilespmem:$0x110];
	vm14 =	vgt.s32 v45, s7;
	v2 =	vsel vm9, $0xFFFFFFFF, v46;
	v0 =	vadd.f32 v1, v0  }
0x134: {  	v49 =	vimm.s32 $0x0;
	v13 =	vld [tilespmem:$0x520];
	[tilespmem:$0x1FF30] =	vst v2;
	v2 =	vnsel vm14, $0x0, v47  }
0x135: {  	v14 =	vld [tilespmem:$0x120];
	v4 =	vsel vm10, $0xFFFFFFFF, v49;
	vm10 =	vgt.s32 v48, s7;
	v0 =	vadd.f32 v2, v0  }
0x136: {  	v15 =	vld [tilespmem:$0x530];
	[tilespmem:$0x1FF40] =	vst v4;
	v4 =	vnsel vm10, $0x0, v50  }
0x137: {  	v16 =	vld [tilespmem:$0x130];
	vm9 =	vgt.s32 v51, s7;
	v0 =	vadd.f32 v4, v0  }
0x138: {  	v17 =	vld [tilespmem:$0x540];
	v1 =	vnsel vm9, $0x0, v52  }
0x139: {  	v18 =	vld [tilespmem:$0x140];
	vm6 =	vgt.s32 v53, s7;
	v0 =	vadd.f32 v1, v0  }
0x13a: {  	v19 =	vld [tilespmem:$0x550];
	v2 =	vnsel vm6, $0x0, v54  }
0x13b: {  	v20 =	vld [tilespmem:$0x150];
	vm5 =	vgt.s32 v55, s7;
	v0 =	vadd.f32 v2, v0  }
0x13c: {  	v21 =	vld [tilespmem:$0x560];
	v4 =	vnsel vm5, $0x0, v56  }
0x13d: {  	v22 =	vld [tilespmem:$0x160];
	vm3 =	vgt.s32 v57, s7;
	v0 =	vadd.f32 v4, v0  }
0x13e: {  	v24 =	vld [tilespmem:$0x570];
	v1 =	vnsel vm3, $0x0, v58  }
0x13f: {  	v25 =	vld [tilespmem:$0x170];
	vm1 =	vgt.s32 v59, s7;
	v0 =	vadd.f32 v1, v0  }
0x140: {  	v27 =	vld [tilespmem:$0x580];
	v2 =	vnsel vm1, $0x0, v60  }
0x141: {  	v28 =	vld [tilespmem:$0x180];
	vm2 =	vgt.s32 v61, s7;
	v0 =	vadd.f32 v2, v0  }
0x142: {  	v30 =	vld [tilespmem:$0x590];
	v4 =	vnsel vm2, $0x0, v62  }
0x143: {  	v23 =	vimm.s32 $0x0;
	v31 =	vld [tilespmem:$0x190];
	vm4 =	vgt.s32 v63, s7;
	v0 =	vadd.f32 v4, v0  }
0x144: {  	v26 =	vimm.s32 $0x0;
	vm11 =	vgt.s32 v17, s7;
	v17 =	vld [tilespmem:$0x5E0];
	v1 =	vnsel vm4, $0x0, v8  }
0x145: {  	v29 =	vimm.s32 $0x0;
	v45 =	vld [tilespmem:$0x1E0];
	vm7 =	vgt.s32 v9, s7;
	v0 =	vadd.f32 v1, v0  }
0x146: {  	v32 =	vimm.s32 $0x0;
	vm15 =	vgt.s32 v13, s7;
	v55 =	vld [tilespmem:$0x620];
	v2 =	vnsel vm7, $0x0, v10  }
0x147: {  	vm13 =	vgt.s32 v15, s7;
	v61 =	vld [tilespmem:$0x640];
	vm8 =	vgt.s32 v11, s7;
	v0 =	vadd.f32 v2, v0  }
0x148: {  	v5 =	vsel vm11, $0xFFFFFFFF, v23;
	v33 =	vld [tilespmem:$0x5A0];
	v13 =	vmpcnt.ones.xlane vm14;
	v4 =	vnsel vm8, $0x0, v12  }
0x149: {  	v63 =	vmpcnt.ones.xlane vm13;
	v23 =	vld [tilespmem:$0x270];
	vm0 =	vgt.s32 v27, s7;
	v0 =	vadd.f32 v4, v0  }
0x14a: {  	v35 =	vimm.s32 $0x0;
	v38 =	vimm.s32 $0x0;
	v49 =	vld [tilespmem:$0x600];
	v1 =	vnsel vm15, $0x0, v14  }
0x14b: {  	v34 =	vld [tilespmem:$0x1A0];
	v41 =	vimm.s32 $0x0;
	v57 =	vmpcnt.ones.xlane vm8;
	v0 =	vadd.f32 v1, v0  }
0x14c: {  	v59 =	vld [tilespmem:$0x230];
	v46 =	vmpcnt.ones.xlane vm3;
	v51 =	vmpcnt.ones.xlane vm4;
	v2 =	vnsel vm13, $0x0, v16  }
0x14d: {  	v36 =	vld [tilespmem:$0x1FEE0];
	v44 =	vmpcnt.ones.xlane vm9;
	v48 =	vmpcnt.ones.xlane vm2;
	v0 =	vadd.f32 v2, v0  }
0x14e: {  	v15 =	vmpcnt.ones.xlane vm10;
	vm10 =	vgt.s32 v17, s7;
	v58 =	vld [tilespmem:$0x630];
	v4 =	vnsel vm11, $0x0, v18  }
0x14f: {  	vm3 =	vgt.s32 v49, s7;
	v8 =	vld [tilespmem:$0x5B0];
	vm11 =	vgt.s32 v19, s7;
	v0 =	vadd.f32 v4, v0  }
0x150: {  	v11 =	vld [tilespmem:$0x5C0];
	v54 =	vmpcnt.ones.xlane vm7;
	v49 =	vmpcnt.ones.xlane vm3;
	v1 =	vnsel vm11, $0x0, v20  }
0x151: {  	v14 =	vld [tilespmem:$0x5D0];
	v6 =	vsel vm11, $0xFFFFFFFF, v26;
	vm11 =	vgt.s32 v21, s7;
	v0 =	vadd.f32 v1, v0  }
0x152: {  	v37 =	vld [tilespmem:$0x1B0];
	v60 =	vmpcnt.ones.xlane vm15;
	vm2 =	vgt.s32 v55, s7;
	v2 =	vnsel vm11, $0x0, v22  }
0x153: {  	v53 =	vld [tilespmem:$0x210];
	v3 =	vsel vm11, $0xFFFFFFFF, v29;
	vm11 =	vgt.s32 v24, s7;
	v0 =	vadd.f32 v2, v0  }
0x154: {  	v7 =	vld [tilespmem:$0x1FEF0];
	vm4 =	vgt.s32 v58, s7;
	vm14 =	vgt.s32 v8, s7;
	v4 =	vnsel vm11, $0x0, v25  }
0x155: {  	v9 =	vld [tilespmem:$0x1FF00];
	v16 =	vmpcnt.ones.xlane vm6;
	vm6 =	vgt.s32 v11, s7;
	v0 =	vadd.f32 v4, v0  }
0x156: {  	v40 =	vld [tilespmem:$0x1C0];
	v18 =	vmpcnt.ones.xlane vm5;
	vm9 =	vgt.s32 v14, s7;
	v1 =	vnsel vm0, $0x0, v28  }
0x157: {  	v39 =	vld [tilespmem:$0x1FF10];
	[tilespmem:$0x1FF60] =	vst v6;
	v6 =	vsel vm0, $0xFFFFFFFF, v35;
	vm0 =	vgt.s32 v30, s7;
	v0 =	vadd.f32 v1, v0  }
0x158: {  	[tilespmem:$0x1FF50] =	vst v5;
	v10 =	vld [tilespmem:$0x1FF20];
	v5 =	vsel vm11, $0xFFFFFFFF, v32;
	vm11 =	vnez.u8 v36;
	v2 =	vnsel vm0, $0x0, v31  }
0x159: {  	v43 =	vld [tilespmem:$0x1D0];
	[tilespmem:$0x1FF70] =	vst v3;
	v3 =	vsel vm0, $0xFFFFFFFF, v38;
	vm0 =	vgt.s32 v33, s7;
	v0 =	vadd.f32 v2, v0  }
0x15a: {  	v12 =	vld [tilespmem:$0x1FF30];
	[tilespmem:$0x1FF90] =	vst v6;
	v6 =	vmpcnt.ones.xlane vm11;
	vm11 =	vnez.u8 v7;
	v4 =	vnsel vm0, $0x0, v34  }
0x15b: {  	v47 =	vld [tilespmem:$0x1F0];
	v7 =	vmpcnt.ones.xlane vm11;
	vm11 =	vnez.u8 v9;
	v0 =	vadd.f32 v4, v0  }
0x15c: {  	v42 =	vld [tilespmem:$0x1FF40];
	v9 =	vmpcnt.ones.xlane vm11;
	vm11 =	vnez.u8 v39;
	v1 =	vnsel vm14, $0x0, v37  }
0x15d: {  	v50 =	vld [tilespmem:$0x200];
	[tilespmem:$0x1FFA0] =	vst v3;
	v3 =	vmpcnt.ones.xlane vm11;
	vm11 =	vnez.u8 v10;
	v0 =	vadd.f32 v1, v0  }
0x15e: {  	v20 =	vld [tilespmem:$0x5F0];
	v6 =	vadd.s32 v6, v7;
	v10 =	vmpcnt.ones.xlane vm11;
	v2 =	vnsel vm6, $0x0, v40  }
0x15f: {  	v17 =	vld [tilespmem:$0x250];
	[tilespmem:$0x1FF80] =	vst v5;
	vm11 =	vnez.u8 v12;
	v5 =	vsel vm0, $0xFFFFFFFF, v41;
	v0 =	vadd.f32 v2, v0  }
0x160: {  	v52 =	vld [tilespmem:$0x610];
	v6 =	vadd.s32 v9, v6;
	v12 =	vmpcnt.ones.xlane vm11;
	v4 =	vnsel vm9, $0x0, v43  }
0x161: {  	v56 =	vld [tilespmem:$0x220];
	vm11 =	vnez.u8 v42;
	v3 =	vadd.s32 v3, v6;
	v0 =	vadd.f32 v4, v0  }
0x162: {  	v24 =	vld [tilespmem:$0x1FF70];
	[tilespmem:$0x1FFB0] =	vst v5;
	v5 =	vmpcnt.ones.xlane vm11;
	v3 =	vadd.s32 v10, v3;
	v1 =	vnsel vm10, $0x0, v45  }
0x163: {  	v62 =	vld [tilespmem:$0x240];
	vm0 =	vgt.s32 v20, s7;
	v3 =	vadd.s32 v12, v3;
	v0 =	vadd.f32 v1, v0  }
0x164: {  	v19 =	vmpcnt.ones.xlane vm1;
	v27 =	vld [tilespmem:$0x1FF80];
	v3 =	vadd.s32 v5, v3;
	v2 =	vnsel vm0, $0x0, v47  }
0x165: {  	vm1 =	vgt.s32 v52, s7;
	v21 =	vld [tilespmem:$0x1FF60];
	v3 =	vadd.s32 v13, v3;
	v0 =	vadd.f32 v2, v0  }
0x166: {  	vm5 =	vgt.s32 v61, s7;
	v30 =	vld [tilespmem:$0x1FF90];
	v3 =	vadd.s32 v15, v3;
	v4 =	vnsel vm3, $0x0, v50  }
0x167: {  	v26 =	vld [tilespmem:$0x280];
	vm13 =	vnez.u8 v24;
	v3 =	vadd.s32 v44, v3;
	v0 =	vadd.f32 v4, v0  }
0x168: {  	v22 =	vld [tilespmem:$0x670];
	v9 =	vmpcnt.ones.xlane vm13;
	v3 =	vadd.s32 v16, v3;
	v1 =	vnsel vm1, $0x0, v53  }
0x169: {  	vm15 =	vnez.u8 v27;
	v16 =	vld [tilespmem:$0x650];
	v3 =	vadd.s32 v18, v3;
	v0 =	vadd.f32 v1, v0  }
0x16a: {  	vm11 =	vnez.u8 v21;
	v18 =	vld [tilespmem:$0x1FF50];
	v3 =	vadd.s32 v46, v3;
	v2 =	vnsel vm2, $0x0, v56  }
0x16b: {  	v14 =	vld [tilespmem:$0x740];
	vm13 =	vnez.u8 v30;
	v3 =	vadd.s32 v19, v3;
	v0 =	vadd.f32 v2, v0  }
0x16c: {  	v6 =	vmpcnt.ones.xlane vm11;
	v19 =	vld [tilespmem:$0x660];
	v3 =	vadd.s32 v48, v3;
	v4 =	vnsel vm4, $0x0, v59  }
0x16d: {  	v20 =	vld [tilespmem:$0x260];
	vm11 =	vgt.s32 v22, s7;
	v3 =	vadd.s32 v51, v3;
	v0 =	vadd.f32 v4, v0  }
0x16e: {  	v33 =	vld [tilespmem:$0x1FFA0];
	vm7 =	vgt.s32 v16, s7;
	v3 =	vadd.s32 v54, v3;
	v1 =	vnsel vm5, $0x0, v62  }
0x16f: {  	v29 =	vld [tilespmem:$0x290];
	vm8 =	vnez.u8 v18;
	v3 =	vadd.s32 v57, v3;
	v0 =	vadd.f32 v1, v0  }
0x170: {  	v25 =	vld [tilespmem:$0x680];
	v13 =	vmpcnt.ones.xlane vm8;
	v3 =	vadd.s32 v60, v3;
	v2 =	vnsel vm7, $0x0, v17  }
0x171: {  	v35 =	vld [tilespmem:$0x1FFB0];
	vm8 =	vgt.s32 v19, s7;
	v3 =	vadd.s32 v63, v3;
	v0 =	vadd.f32 v2, v0  }
0x172: {  	v28 =	vld [tilespmem:$0x690];
	v5 =	vmpcnt.ones.xlane vm15;
	v3 =	vadd.s32 v13, v3;
	v4 =	vnsel vm8, $0x0, v20  }
0x173: {  	v32 =	vld [tilespmem:$0x2A0];
	vm15 =	vnez.u8 v33;
	v3 =	vadd.s32 v6, v3;
	v0 =	vadd.f32 v4, v0  }
0x174: {  	v31 =	vld [tilespmem:$0x6A0];
	v6 =	vmpcnt.ones.xlane vm13;
	v3 =	vadd.s32 v9, v3;
	v1 =	vnsel vm11, $0x0, v23  }
0x175: {  	v34 =	vld [tilespmem:$0x6B0];
	vm13 =	vgt.s32 v25, s7;
	v3 =	vadd.s32 v5, v3;
	v0 =	vadd.f32 v1, v0  }
0x176: {  	v38 =	vld [tilespmem:$0x6C0];
	v5 =	vmpcnt.ones.xlane vm15;
	vm15 =	vnez.u8 v35;
	v2 =	vnsel vm13, $0x0, v26  }
0x177: {  	v36 =	vld [tilespmem:$0x2B0];
	v8 =	vmpcnt.ones.xlane vm15;
	vm15 =	vgt.s32 v28, s7;
	v0 =	vadd.f32 v2, v0  }
0x178: {  	v58 =	vmpcnt.ones.xlane vm5;
	v41 =	vld [tilespmem:$0x6D0];
	v42 =	vmpcnt.ones.xlane vm9;
	v4 =	vnsel vm15, $0x0, v29  }
0x179: {  	v39 =	vld [tilespmem:$0x2C0];
	v37 =	vmpcnt.ones.xlane vm14;
	vm14 =	vgt.s32 v31, s7;
	v0 =	vadd.f32 v4, v0  }
0x17a: {  	v40 =	vmpcnt.ones.xlane vm6;
	vm6 =	vgt.s32 v34, s7;
	v45 =	vld [tilespmem:$0x6E0];
	v1 =	vnsel vm14, $0x0, v32  }
0x17b: {  	v43 =	vld [tilespmem:$0x2D0];
	v44 =	vmpcnt.ones.xlane vm10;
	vm9 =	vgt.s32 v38, s7;
	v0 =	vadd.f32 v1, v0  }
0x17c: {  	vm10 =	vgt.s32 v14, s7;
	v47 =	vmpcnt.ones.xlane vm0;
	v48 =	vld [tilespmem:$0x6F0];
	v2 =	vnsel vm6, $0x0, v36  }
0x17d: {  	v46 =	vld [tilespmem:$0x2E0];
	vm3 =	vgt.s32 v41, s7;
	v51 =	vmpcnt.ones.xlane vm1;
	v0 =	vadd.f32 v2, v0  }
0x17e: {  	v52 =	vld [tilespmem:$0x700];
	v54 =	vmpcnt.ones.xlane vm2;
	v61 =	vmpcnt.ones.xlane vm7;
	v4 =	vnsel vm9, $0x0, v39  }
0x17f: {  	v50 =	vld [tilespmem:$0x2F0];
	v27 =	vmpcnt.ones.xlane vm3;
	vm1 =	vgt.s32 v45, s7;
	v0 =	vadd.f32 v4, v0  }
0x180: {  	v30 =	vmpcnt.ones.xlane vm1;
	v56 =	vmpcnt.ones.xlane vm4;
	v1 =	vnsel vm3, $0x0, v43  }
0x181: {  	v53 =	vld [tilespmem:$0x300];
	vm2 =	vgt.s32 v48, s7;
	v63 =	vmpcnt.ones.xlane vm8;
	v0 =	vadd.f32 v1, v0  }
0x182: {  	v55 =	vld [tilespmem:$0x710];
	v13 =	vmpcnt.ones.xlane vm11;
	v3 =	vadd.s32 v6, v3;
	v2 =	vnsel vm1, $0x0, v46  }
0x183: {  	v57 =	vld [tilespmem:$0x310];
	vm4 =	vgt.s32 v52, s7;
	v3 =	vadd.s32 v5, v3;
	v0 =	vadd.f32 v2, v0  }
0x184: {  	v59 =	vld [tilespmem:$0x720];
	v25 =	vmpcnt.ones.xlane vm9;
	v3 =	vadd.s32 v8, v3;
	v4 =	vnsel vm2, $0x0, v50  }
0x185: {  	v60 =	vld [tilespmem:$0x320];
	v16 =	vmpcnt.ones.xlane vm13;
	v3 =	vadd.s32 v37, v3;
	v0 =	vadd.f32 v4, v0  }
0x186: {  	v34 =	vmpcnt.ones.xlane vm4;
	v62 =	vld [tilespmem:$0x730];
	v3 =	vadd.s32 v40, v3;
	v1 =	vnsel vm4, $0x0, v53  }
0x187: {  	v12 =	vld [tilespmem:$0x330];
	vm5 =	vgt.s32 v55, s7;
	v3 =	vadd.s32 v42, v3;
	v0 =	vadd.f32 v1, v0  }
0x188: {  	v21 =	vld [tilespmem:$0x760];
	v18 =	vmpcnt.ones.xlane vm15;
	v3 =	vadd.s32 v44, v3;
	v2 =	vnsel vm5, $0x0, v57  }
0x189: {  	v15 =	vld [tilespmem:$0x340];
	vm7 =	vgt.s32 v59, s7;
	v3 =	vadd.s32 v47, v3;
	v0 =	vadd.f32 v2, v0  }
0x18a: {  	v17 =	vld [tilespmem:$0x750];
	v20 =	vmpcnt.ones.xlane vm14;
	v3 =	vadd.s32 v49, v3;
	v4 =	vnsel vm7, $0x0, v60  }
0x18b: {  	v19 =	vld [tilespmem:$0x350];
	vm8 =	vgt.s32 v62, s7;
	v3 =	vadd.s32 v51, v3;
	v0 =	vadd.f32 v4, v0  }
0x18c: {  	v24 =	vld [tilespmem:$0x770];
	v37 =	vmpcnt.ones.xlane vm5;
	v3 =	vadd.s32 v54, v3;
	v1 =	vnsel vm8, $0x0, v12  }
0x18d: {  	v22 =	vld [tilespmem:$0x360];
	v23 =	vmpcnt.ones.xlane vm6;
	v3 =	vadd.s32 v56, v3;
	v0 =	vadd.f32 v1, v0  }
0x18e: {  	v31 =	vld [tilespmem:$0x790];
	vm11 =	vgt.s32 v21, s7;
	v3 =	vadd.s32 v58, v3;
	v2 =	vnsel vm10, $0x0, v15  }
0x18f: {  	v26 =	vld [tilespmem:$0x370];
	v3 =	vadd.s32 v61, v3;
	vm6 =	vgt.s32 v17, s7;
	v0 =	vadd.f32 v2, v0  }
0x190: {  	v28 =	vld [tilespmem:$0x780];
	v41 =	vmpcnt.ones.xlane vm8;
	v3 =	vadd.s32 v63, v3;
	v4 =	vnsel vm6, $0x0, v19  }
0x191: {  	v44 =	vmpcnt.ones.xlane vm10;
	v29 =	vld [tilespmem:$0x380];
	v3 =	vadd.s32 v13, v3;
	v0 =	vadd.f32 v4, v0  }
0x192: {  	v48 =	vmpcnt.ones.xlane vm11;
	v3 =	vadd.s32 v16, v3;
	v1 =	vnsel vm11, $0x0, v22  }
0x193: {  	v33 =	vld [tilespmem:$0x390];
	vm13 =	vgt.s32 v24, s7;
	v3 =	vadd.s32 v18, v3;
	v0 =	vadd.f32 v1, v0  }
0x194: {  	v35 =	vld [tilespmem:$0x7A0];
	vm15 =	vgt.s32 v31, s7;
	v3 =	vadd.s32 v20, v3;
	v2 =	vnsel vm13, $0x0, v26  }
0x195: {  	vm14 =	vgt.s32 v28, s7;
	v36 =	vld [tilespmem:$0x3A0];
	v3 =	vadd.s32 v23, v3;
	v0 =	vadd.f32 v2, v0  }
0x196: {  	v38 =	vld [tilespmem:$0x7B0];
	v51 =	vmpcnt.ones.xlane vm13;
	v3 =	vadd.s32 v25, v3;
	v4 =	vnsel vm14, $0x0, v29  }
0x197: {  	v40 =	vld [tilespmem:$0x3B0];
	v32 =	vmpcnt.ones.xlane vm2;
	v3 =	vadd.s32 v27, v3;
	v0 =	vadd.f32 v4, v0  }
0x198: {  	v42 =	vld [tilespmem:$0x7C0];
	v55 =	vmpcnt.ones.xlane vm15;
	v3 =	vadd.s32 v30, v3;
	v1 =	vnsel vm15, $0x0, v33  }
0x199: {  	vm9 =	vgt.s32 v35, s7;
	v43 =	vld [tilespmem:$0x3C0];
	v3 =	vadd.s32 v32, v3;
	v0 =	vadd.f32 v1, v0  }
0x19a: {  	v45 =	vld [tilespmem:$0x7D0];
	v39 =	vmpcnt.ones.xlane vm7;
	v3 =	vadd.s32 v34, v3;
	v2 =	vnsel vm9, $0x0, v36  }
0x19b: {  	v47 =	vld [tilespmem:$0x3D0];
	v3 =	vadd.s32 v37, v3;
	vm10 =	vgt.s32 v38, s7;
	v0 =	vadd.f32 v2, v0  }
0x19c: {  	v49 =	vld [tilespmem:$0x7E0];
	v46 =	vmpcnt.ones.xlane vm6;
	v3 =	vadd.s32 v39, v3;
	v4 =	vnsel vm10, $0x0, v40  }
0x19d: {  	v50 =	vld [tilespmem:$0x3E0];
	v3 =	vadd.s32 v41, v3;
	vm11 =	vgt.s32 v42, s7;
	v0 =	vadd.f32 v4, v0  }
0x19e: {  	v52 =	vld [tilespmem:$0x7F0];
	v56 =	vmpcnt.ones.xlane vm9;
	v3 =	vadd.s32 v44, v3;
	v1 =	vnsel vm11, $0x0, v43  }
0x19f: {  	v54 =	vld [tilespmem:$0x3F0];
	v3 =	vadd.s32 v46, v3;
	vm13 =	vgt.s32 v45, s7;
	v0 =	vadd.f32 v1, v0  }
0x1a0: {  	v53 =	vmpcnt.ones.xlane vm14;
	v3 =	vadd.s32 v48, v3;
	v2 =	vnsel vm13, $0x0, v47  }
0x1a1: {  	v3 =	vadd.s32 v51, v3;
	vm14 =	vgt.s32 v49, s7;
	v0 =	vadd.f32 v2, v0  }
0x1a2: {  	v58 =	vmpcnt.ones.xlane vm10;
	v57 =	vnsel vm14, $0x0, v50;
	v1 =	vadd.s32 v53, v3  }
0x1a3: {  	vm15 =	vgt.s32 v52, s7;
	v1 =	vadd.s32 v55, v1;
	v0 =	vadd.f32 v57, v0  }
0x1a4: {  	v59 =	vmpcnt.ones.xlane vm11;
	v60 =	vnsel vm15, $0x0, v54;
	v1 =	vadd.s32 v56, v1  }
0x1a5: {  	s6 =	sadd.s32 s6, s3;
	v61 =	vmpcnt.ones.xlane vm13;
	v1 =	vadd.s32 v58, v1;
	v0 =	vadd.f32 v60, v0  }
0x1a6: {  	s31 =	sadd.s32 s5, s6;
	v62 =	vmpcnt.ones.xlane vm14;
	v1 =	vadd.s32 v59, v1  }
0x1a7: {  	s5 =	simm.s32 $0x800;
	s6 =	sadd.s32 $0x2000, s31;
	v63 =	vmpcnt.ones.xlane vm15;
	v1 =	vadd.s32 v61, v1;
	[tilespmem:$0x800] =	vst v0  }
0x1a8: {  	v1 =	vadd.s32 v62, v1;
	[spmem:s6] =	stream.linear.scatter [tilespmem:s5], [sflag:$0x1], $0x10, $0x38;
	[tilespmem:$0xBA0] =	vst v63  }
0x1a9: {  	v0 =	vadd.s32 v63, v1;
	s6 =	simm.s32 $0x1  }
0x1aa: {  	v0 =	vcvt.s32.f32 v0;
	_ =	swait.ge [sflag:s6], $0x10  }
0x1ab: {  	[sflag:s6] =	ssyncset.done $0x0  }
0x1ac: {  	v0 =	vnsel vm12, $0x0, v0;
	[sflag:s6] =	ssyncadd.s32 $0xFFFFFFF0  }
0x1ad: {  	s7 =	sadd.s32 $0x2080, s31;
	[tilespmem:$0x800] =	vst v0  }
0x1ae: {  	[spmem:s7] =	stream.linear.scatter [tilespmem:s5], [sflag:$0x1], $0x10, $0x38;
	[tilespmem:$0xBA0] =	vst v63  }
0x1af: {  	_ =	swait.ge [sflag:s6], $0x10  }
0x1b0: {  	[sflag:s6] =	ssyncset.done $0x0  }
0x1b1: {  	[sflag:s6] =	ssyncadd.s32 $0xFFFFFFF0  }
0x1b2: {  	p0 =	sne.s32 s4, $0x0;
	[bflag:$0x0] =	sbarrier.arrive $0xFFFF  }
0x1b3: {  	_ =	sfence.sel @p0 $0x180000  }
0x1b4: {  	[bflag:$0x0] =	sbarrier.arrive @p0 $0xFFFF  }
0x1b5: {  	_ =	strace @p0 $0x90000047  }
0x1b6: {  	[bflag:$0x2] =	sbarrier.arrive @p0 $0xFFFF  }
0x1b7: {  	_ =	shalt @p0  }
.LBB2_3:
0x1b8: {  	s7 =	sadd.s32 $0x2000, s3  }
0x1b9: {  	s4 =	simm.s32 $0x80;
	s14 =	simm.s32 $0x400;
	s15 =	simm.s32 $0x880  }
0x1ba: {  	[tilespmem:s15], [sflag:$0x1] =	stream.strided.gather [spmem:s7], $0x100, s14, s4, $0x38;
	[tilespmem:$0xBA0] =	vst v63  }
0x1bb: {  	_ =	swait.ge [sflag:s6], $0x100  }
0x1bc: {  	[sflag:s6] =	ssyncset.done $0x0  }
0x1bd: {  	[sflag:s6] =	ssyncadd.s32 $0xFFFFFF00  }
0x1be: {  	v0 =	vld [tilespmem:$0x880]  }
0x1bf: {  	v1 =	vld [tilespmem:$0x890];
	_ =	sdelay $0x1  }
0x1c0: {  	v2 =	vld [tilespmem:$0x8A0];
	_ =	sdelay $0x1  }
0x1c1: {  	v3 =	vld [tilespmem:$0x8B0]  }
0x1c2: {  	v0 =	vadd.f32 v1, v0  }
0x1c3: {  	v35 =	vld [tilespmem:$0x8C0]  }
0x1c4: {  	v0 =	vadd.f32 v2, v0  }
0x1c5: {  	v36 =	vld [tilespmem:$0x8D0]  }
0x1c6: {  	v0 =	vadd.f32 v3, v0  }
0x1c7: {  	v37 =	vld [tilespmem:$0x8E0]  }
0x1c8: {  	v0 =	vadd.f32 v35, v0  }
0x1c9: {  	v38 =	vld [tilespmem:$0x8F0]  }
0x1ca: {  	v0 =	vadd.f32 v36, v0  }
0x1cb: {  	v39 =	vld [tilespmem:$0x900]  }
0x1cc: {  	v0 =	vadd.f32 v37, v0  }
0x1cd: {  	v40 =	vld [tilespmem:$0x910]  }
0x1ce: {  	v0 =	vadd.f32 v38, v0  }
0x1cf: {  	v41 =	vld [tilespmem:$0x920]  }
0x1d0: {  	v0 =	vadd.f32 v39, v0  }
0x1d1: {  	v42 =	vld [tilespmem:$0x930]  }
0x1d2: {  	v0 =	vadd.f32 v40, v0  }
0x1d3: {  	v43 =	vld [tilespmem:$0x940]  }
0x1d4: {  	v0 =	vadd.f32 v41, v0  }
0x1d5: {  	v44 =	vld [tilespmem:$0x950]  }
0x1d6: {  	v0 =	vadd.f32 v42, v0  }
0x1d7: {  	v45 =	vld [tilespmem:$0x960]  }
0x1d8: {  	v0 =	vadd.f32 v43, v0  }
0x1d9: {  	v46 =	vld [tilespmem:$0x970]  }
0x1da: {  	v0 =	vadd.f32 v44, v0;
	_ =	sdelay $0x1  }
0x1db: {  	v0 =	vadd.f32 v45, v0;
	_ =	sdelay $0x1  }
0x1dc: {  	v0 =	vadd.f32 v46, v0;
	_ =	sdelay $0x1  }
0x1dd: {  	(v2sf) =	vpush v0, $0x0  }
0x1de: {  	(v2sf) =	vpush v0, $0x1;
	_ =	sdelay $0x1  }
0x1df: {  	(v2sf) =	vpush v0, $0x2  }
0x1e0: {  	(v2sf) =	vpush v0, $0x3  }
0x1e1: {  	(v2sf) =	vpush v0, $0x4  }
0x1e2: {  	(v2sf) =	vpush v0, $0x5  }
0x1e3: {  	(v2sf) =	vpush v0, $0x6  }
0x1e4: {  	(v2sf) =	vpush v0, $0x7  }
0x1e5: {  	(v2sf) =	vpush v0, $0x8  }
0x1e6: {  	(v2sf) =	vpush v0, $0x9  }
0x1e7: {  	(v2sf) =	vpush v0, $0xA  }
0x1e8: {  	(v2sf) =	vpush v0, $0xB  }
0x1e9: {  	(v2sf) =	vpush v0, $0xC  }
0x1ea: {  	(v2sf) =	vpush v0, $0xD  }
0x1eb: {  	s18 =	spop (v2sf);
	(v2sf) =	vpush v0, $0xE  }
0x1ec: {  	s23 =	sadd.s32 $0x2080, s3;
	s19 =	spop (v2sf);
	(v2sf) =	vpush v0, $0xF  }
0x1ed: {  	[tilespmem:s15], [sflag:$0x1] =	stream.strided.gather [spmem:s23], $0x100, s14, s4, $0x38;
	[tilespmem:$0xBA0] =	vst v63  }
0x1ee: {  	s20 =	spop (v2sf)  }
0x1ef: {  	s21 =	spop (v2sf)  }
0x1f0: {  	s22 =	spop (v2sf)  }
0x1f1: {  	s17 =	spop (v2sf)  }
0x1f2: {  	s16 =	spop (v2sf)  }
0x1f3: {  	s13 =	spop (v2sf)  }
0x1f4: {  	s12 =	spop (v2sf)  }
0x1f5: {  	s11 =	spop (v2sf)  }
0x1f6: {  	s10 =	spop (v2sf)  }
0x1f7: {  	s9 =	spop (v2sf)  }
0x1f8: {  	s8 =	spop (v2sf)  }
0x1f9: {  	s7 =	spop (v2sf)  }
0x1fa: {  	s4 =	spop (v2sf)  }
0x1fb: {  	s3 =	spop (v2sf)  }
0x1fc: {  	_ =	swait.ge [sflag:s6], $0x100  }
0x1fd: {  	[sflag:s6] =	ssyncset.done $0x0  }
0x1fe: {  	[sflag:s6] =	ssyncadd.s32 $0xFFFFFF00  }
0x1ff: {  	v47 =	vld [tilespmem:$0x880]  }
0x200: {  	v48 =	vld [tilespmem:$0x890];
	_ =	sdelay $0x1  }
0x201: {  	v49 =	vld [tilespmem:$0x8A0];
	_ =	sdelay $0x1  }
0x202: {  	v50 =	vld [tilespmem:$0x8B0];
	(v2sf) =	vpush v47, $0x0  }
0x203: {  	(v2sf) =	vpush v48, $0x0  }
0x204: {  	v51 =	vld [tilespmem:$0x8C0]  }
0x205: {  	(v2sf) =	vpush v49, $0x0  }
0x206: {  	v52 =	vld [tilespmem:$0x8D0]  }
0x207: {  	(v2sf) =	vpush v50, $0x0  }
0x208: {  	v53 =	vld [tilespmem:$0x8E0]  }
0x209: {  	(v2sf) =	vpush v51, $0x0  }
0x20a: {  	v54 =	vld [tilespmem:$0x8F0]  }
0x20b: {  	(v2sf) =	vpush v52, $0x0  }
0x20c: {  	v55 =	vld [tilespmem:$0x900]  }
0x20d: {  	(v2sf) =	vpush v53, $0x0  }
0x20e: {  	v56 =	vld [tilespmem:$0x910]  }
0x20f: {  	(v2sf) =	vpush v54, $0x0  }
0x210: {  	v57 =	vld [tilespmem:$0x920]  }
0x211: {  	s24 =	spop (v2sf);
	(v2sf) =	vpush v55, $0x0  }
0x212: {  	v58 =	vld [tilespmem:$0x930];
	s25 =	spop (v2sf)  }
0x213: {  	(v2sf) =	vpush v56, $0x0;
	s14 =	sadd.f32 s25, s24  }
0x214: {  	v59 =	vld [tilespmem:$0x940];
	s26 =	spop (v2sf)  }
0x215: {  	(v2sf) =	vpush v57, $0x0;
	s14 =	sadd.f32 s26, s14  }
0x216: {  	s28 =	sadd.f32 s19, s18;
	v60 =	vld [tilespmem:$0x950];
	s29 =	spop (v2sf)  }
0x217: {  	(v2sf) =	vpush v58, $0x0;
	s14 =	sadd.f32 s29, s14  }
0x218: {  	s15 =	sadd.f32 s28, s20;
	v61 =	vld [tilespmem:$0x960];
	s30 =	spop (v2sf)  }
0x219: {  	(v2sf) =	vpush v59, $0x0;
	s14 =	sadd.f32 s30, s14  }
0x21a: {  	s15 =	sadd.f32 s15, s21;
	v62 =	vld [tilespmem:$0x970];
	s31 =	spop (v2sf)  }
0x21b: {  	(v2sf) =	vpush v60, $0x0;
	s14 =	sadd.f32 s31, s14  }
0x21c: {  	s15 =	sadd.f32 s15, s22;
	s19 =	spop (v2sf)  }
0x21d: {  	(v2sf) =	vpush v61, $0x0;
	s14 =	sadd.f32 s19, s14  }
0x21e: {  	s15 =	sadd.f32 s15, s17;
	s20 =	spop (v2sf)  }
0x21f: {  	(v2sf) =	vpush v62, $0x0;
	s14 =	sadd.f32 s20, s14  }
0x220: {  	s15 =	sadd.f32 s15, s16;
	s21 =	spop (v2sf)  }
0x221: {  	s14 =	sadd.f32 s21, s14  }
0x222: {  	s13 =	sadd.f32 s15, s13;
	s22 =	spop (v2sf)  }
0x223: {  	s14 =	sadd.f32 s22, s14  }
0x224: {  	s12 =	sadd.f32 s13, s12;
	s23 =	spop (v2sf)  }
0x225: {  	s13 =	sadd.f32 s23, s14  }
0x226: {  	s11 =	sadd.f32 s12, s11;
	s24 =	spop (v2sf)  }
0x227: {  	s12 =	sadd.f32 s24, s13  }
0x228: {  	s10 =	sadd.f32 s11, s10;
	s25 =	spop (v2sf)  }
0x229: {  	s11 =	sadd.f32 s25, s12  }
0x22a: {  	s9 =	sadd.f32 s10, s9;
	s26 =	spop (v2sf)  }
0x22b: {  	s10 =	sadd.f32 s26, s11  }
0x22c: {  	s8 =	sadd.f32 s9, s8;
	s28 =	spop (v2sf)  }
0x22d: {  	s9 =	sadd.f32 s28, s10  }
0x22e: {  	s7 =	sadd.f32 s8, s7;
	s29 =	spop (v2sf)  }
0x22f: {  	s8 =	sadd.f32 s29, s9  }
0x230: {  	p0 =	slt.s32 s2, $0x0;
	s4 =	sadd.f32 s7, s4  }
0x231: {  	s7 =	sand.u32 $0x7FFFFFFF, s2;
	s9 =	sxor.u32 $0xFFFFFFFF, s2;
	s30 =	ssub.f32 $1.146800000e+04, s8  }
0x232: {  	s9 =	smov.u32 @p0 s7  }
0x233: {  	s3 =	sadd.f32 s4, s3;
	s2 =	smul.f32 s9, s30  }
0x234: {  	_ = 	snop  }
0x235: {  	s2 =	sadd.f32 s2, s3;
	_ =	sdelay $0x1  }
0x236: {  	s2 =	smul.f32 $8.719916510e-05, s2;
	_ =	sdelay $0x1  }
0x237: {  	vm0 =	vcmask $0x300;
	v63 =	vmov s2  }
0x238: {  	v0 =	vnsel vm0, $0x0, v63  }
0x239: {  	s31 =	simm.s32 $0x0;
	[tilespmem:$0x800] =	vst v0  }
0x23a: {  	[hbm4b:s1+s31] =	stream.linear.scatter [tilespmem:s5], [sflag:$0x1], $0x80, $0x38;
	[tilespmem:$0xBA0] =	vst v63  }
0x23b: {  	_ =	swait.ge [sflag:s6], $0x80  }
0x23c: {  	[sflag:s6] =	ssyncset.done $0x0  }
0x23d: {  	[sflag:s6] =	ssyncadd.s32 $0xFFFFFF80  }
0x23e: {  	_ =	sfence.sel $0x180000  }
0x23f: {  	[bflag:$0x0] =	sbarrier.arrive $0xFFFF  }
0x240: {  	_ =	strace $0x90000047  }
0x241: {  	s0 =	sadd.s32 $0x100000, s0;
	[bflag:$0x2] =	sbarrier.arrive $0xFFFF  }
0x242: {  	[sflag:s0] =	ssyncadd.tile.s32 $0x1;
	_ =	shalt  }
.Lfunc_end2:
_tile_overlayer_lowered:
.L_overlay_start_2:
0x243: {  	(tag) =	ssettag $0x2  }
0x244: {  	s0 =	rddreg [dreg:$0x0];
	s2 =	stileid.u32  }
0x245: {  	s1 =	rddreg [dreg:$0x1];
	p0 =	sne.s32 s2, $0x0  }
0x246: {  	s3 =	rddreg [dreg:$0x2];
	[bflag:$0x3] =	sbarrier.arrive $0xFFFF;
	s2 =	simm.s32 @!p0 $0x1C01  }
0x247: {  	[timem:s3], [sflag:s2] =	dma.local @!p0 [hbm:s0], s1  }
0x248: {  	s0 =	simm.s32 @!p0 $0x1  }
0x249: {  	_ =	swait.ge @!p0 [sflag:s0], s1  }
0x24a: {  	s1 =	ssub.s32 @!p0 $0x0, s1;
	[sflag:s0] =	ssyncset.done @!p0 $0x0  }
0x24b: {  	[sflag:s0] =	ssyncadd.s32 @!p0 s1  }
0x24c: {  	[bflag:$0x3] =	sbarrier.arrive $0xFFFF  }
0x24d: {  	_ =	shalt  }

</sc_bundles>
